<compile_context>
chip_gen: v7x
topology: tpu7x:2x2x1
jax: 0.10.2.dev20260603
libtpu: 0.0.44.dev20260713+nightly
codegen_flags: <defaults>
</compile_context>

<pallas_src>
import jax
import jax.numpy as jnp
from jax import lax
from jax.experimental import pallas as pl
from jax.experimental.pallas import tpu as pltpu
from jax.experimental.pallas import tpu_sc as plsc

B = 16384
L = 200
NUM_W = 1000001
NUM_REL = 1000

NC, NS, LANES = 2, 16, 16
NW = NC * NS
ROWS_PER_W = B // NW
CHUNK = 64
NCHUNK = ROWS_PER_W // CHUNK
CW = CHUNK * L
NGROUP = CHUNK // LANES

W_SLICE = 62504
NUM_W_PAD = W_SLICE * NS
SCW = 6400
N_STAGE = -(-W_SLICE // SCW)
STAGE_TAIL = W_SLICE - (N_STAGE - 1) * SCW


def _body(rules_hbm, rel_hbm, w_hbm, bias_hbm, out_hbm,
          rules_a, rules_b, vals_a, vals_b,
          bounce_a, bounce_b, bias_v, rel_v, out_acc,
          w_spmem, rsem_a, rsem_b, gsem_a, gsem_b, hsem_a, hsem_b, ssem):
  sid = lax.axis_index("s")
  wid = sid * NC + lax.axis_index("c")
  wbase = wid * ROWS_PER_W

  row_stride = lax.iota(jnp.int32, LANES) * L
  base_idx = [row_stride + g * (LANES * L) for g in range(NGROUP)]
  zero = jnp.zeros((LANES,), jnp.float32)

  rules_bufs = [rules_a, rules_b]
  vals_bufs = [vals_a, vals_b]
  rsem = [rsem_a, rsem_b]
  gsem = [gsem_a, gsem_b]
  bounce = [bounce_a, bounce_b]
  hsem = [hsem_a, hsem_b]
  stage_n = [SCW] * (N_STAGE - 1) + [STAGE_TAIL]

  r_h, g_h, h_h = {}, {}, {}

  def issue_rules(c):
    p = c % 2
    r_h[c] = pltpu.async_copy(
        rules_hbm.at[pl.ds((wbase + c * CHUNK) * L, CW)], rules_bufs[p],
        rsem[p])

  def issue_gather(c):
    p = c % 2
    g_h[c] = pltpu.async_copy(w_spmem.at[rules_bufs[p]], vals_bufs[p],
                              gsem[p])

  def issue_stage_read(k):
    h_h[k] = pltpu.async_copy(
        w_hbm.at[pl.ds(sid * W_SLICE + k * SCW, stage_n[k])],
        bounce[k % 2].at[pl.ds(0, stage_n[k])], hsem[k % 2])

  issue_rules(0)
  issue_rules(1)
  issue_stage_read(0)
  issue_stage_read(1)
  pltpu.sync_copy(bias_hbm, bias_v)
  pltpu.sync_copy(rel_hbm.at[pl.ds(wbase, ROWS_PER_W)], rel_v)

  for k in range(N_STAGE):
    h_h[k].wait()
    s = pltpu.async_copy(
        bounce[k % 2].at[pl.ds(0, stage_n[k])],
        w_spmem.at[pl.ds(sid * W_SLICE + k * SCW, stage_n[k])], ssem)
    s.wait()
    if k + 2 < N_STAGE:
      issue_stage_read(k + 2)

  plsc.subcore_barrier()
  plsc.subcore_barrier()

  r_h[0].wait()
  issue_gather(0)

  for c in range(NCHUNK):
    p = c % 2
    g_h[c].wait()
    if c + 1 < NCHUNK:
      r_h[c + 1].wait()
      issue_gather(c + 1)
    if c + 2 < NCHUNK:
      issue_rules(c + 2)

    vals_ref = vals_bufs[p]

    def l_body(l, accs, vals_ref=vals_ref):
      return tuple(
          accs[g] + plsc.load_gather(vals_ref, [base_idx[g] + l])
          for g in range(NGROUP))

    accs = lax.fori_loop(0, L, l_body, (zero,) * NGROUP, unroll=8)
    for g in range(NGROUP):
      out_acc[pl.ds(c * CHUNK + g * LANES, LANES)] = accs[g]

  def bias_body(g, carry):
    idx = rel_v[pl.ds(g * LANES, LANES)]
    out_acc[pl.ds(g * LANES, LANES)] = (
        out_acc[pl.ds(g * LANES, LANES)] + plsc.load_gather(bias_v, [idx]))
    return carry

  lax.fori_loop(0, ROWS_PER_W // LANES, bias_body, 0)

  pltpu.sync_copy(out_acc, out_hbm.at[pl.ds(wbase, ROWS_PER_W)])


@jax.jit
def _run(rules_flat, relation, w_flat, bias_flat):
  mesh = plsc.VectorSubcoreMesh(
      core_axis_name="c", subcore_axis_name="s",
      num_cores=NC, num_subcores=NS)
  f = pl.kernel(
      _body,
      out_type=jax.ShapeDtypeStruct((B,), jnp.float32),
      mesh=mesh,
      compiler_params=pltpu.CompilerParams(needs_layout_passes=False),
      scratch_types=[
          pltpu.VMEM((CW,), jnp.int32),
          pltpu.VMEM((CW,), jnp.int32),
          pltpu.VMEM((CW,), jnp.float32),
          pltpu.VMEM((CW,), jnp.float32),
          pltpu.VMEM((SCW,), jnp.float32),
          pltpu.VMEM((SCW,), jnp.float32),
          pltpu.VMEM((NUM_REL,), jnp.float32),
          pltpu.VMEM((ROWS_PER_W,), jnp.int32),
          pltpu.VMEM((ROWS_PER_W,), jnp.float32),
          pltpu.VMEM_SHARED((NUM_W_PAD,), jnp.float32),
          pltpu.SemaphoreType.DMA,
          pltpu.SemaphoreType.DMA,
          pltpu.SemaphoreType.DMA,
          pltpu.SemaphoreType.DMA,
          pltpu.SemaphoreType.DMA,
          pltpu.SemaphoreType.DMA,
          pltpu.SemaphoreType.DMA,
      ],
  )
  return f(rules_flat, relation, w_flat, bias_flat)


def kernel(rules, relation, rules_weight, bias):
  rules_flat = rules.astype(jnp.int32).reshape(B * L)
  relation = relation.astype(jnp.int32)
  w_flat = jnp.concatenate([
      rules_weight.reshape(NUM_W),
      jnp.zeros((NUM_W_PAD - NUM_W,), jnp.float32)])
  bias_flat = bias.reshape(NUM_REL)
  out = _run(rules_flat, relation, w_flat, bias_flat)
  return out.reshape(B, 1)

# --- scband reference (transcript-rebuilt; emitter-appended) ---
"""Pipeline reference for scband-linear-aggregator-11544872092073 (READ-ONLY COPY).

The authoritative reference and input builder live on the scoring server;
editing this copy changes nothing except your own understanding.
"""

import jax, jax.numpy as jnp
import numpy as np

LEN_RULES = 1000000
PAD_TOK = LEN_RULES  # padding index = last row of the table
NUM_RELATIONS = 1000
B = 16384
L = 200


def setup_inputs(seed: int = 0) -> dict:
    key = jax.random.key(seed)
    k1, k2, k3, k4 = jax.random.split(key, 4)
    rules = jax.random.randint(k1, (B, L), 0, LEN_RULES + 1, dtype=jnp.int64)
    relation = jax.random.randint(k2, (B,), 0, NUM_RELATIONS, dtype=jnp.int64)
    rules_weight = jax.random.normal(k3, (LEN_RULES + 1, 1), dtype=jnp.float32)
    # padding row is zero, matching nn.Embedding(padding_idx=PAD_TOK)
    rules_weight = rules_weight.at[PAD_TOK].set(0.0)
    bias = jax.random.normal(k4, (NUM_RELATIONS, 1), dtype=jnp.float32) * 0.01
    return {"rules": rules, "relation": relation, "rules_weight": rules_weight, "bias": bias}


def reference(rules, relation, rules_weight, bias):
    # mask = rules == PAD_TOK
    mask = rules == PAD_TOK
    # embedding lookup: [B, L] -> [B, L, 1]
    emb = jnp.take(rules_weight, rules, axis=0)
    # masked_fill_(mask.unsqueeze(2), 0.0)
    emb = jnp.where(mask[:, :, None], jnp.zeros_like(emb), emb)
    # sign_constraint=False, so no squaring
    out = emb.sum(axis=1) + jnp.take(bias, relation, axis=0)
    return out

if __name__ == "__main__":
    import jax
    _d = setup_inputs()
    print(jax.jit(kernel)(*tuple(_d.values())))

</pallas_src>

<mosaic_0001>
#map = affine_map<(d0, d1) -> (0)>
module attributes {stable_mosaic.version = 14 : i64} {
  func.func @_body(%arg0: i32, %arg1: i32, %arg2: memref<3276800xi32, #tpu.memory_space<hbm>>, %arg3: memref<16384xi32, #tpu.memory_space<hbm>>, %arg4: memref<1000064xf32, #tpu.memory_space<hbm>>, %arg5: memref<1000xf32, #tpu.memory_space<hbm>>, %arg6: memref<16384xf32, #tpu.memory_space<hbm>>, %arg7: memref<12800xi32, #tpu.memory_space<vmem>>, %arg8: memref<12800xi32, #tpu.memory_space<vmem>>, %arg9: memref<12800xf32, #tpu.memory_space<vmem>>, %arg10: memref<12800xf32, #tpu.memory_space<vmem>>, %arg11: memref<6400xf32, #tpu.memory_space<vmem>>, %arg12: memref<6400xf32, #tpu.memory_space<vmem>>, %arg13: memref<1000xf32, #tpu.memory_space<vmem>>, %arg14: memref<512xi32, #tpu.memory_space<vmem>>, %arg15: memref<512xf32, #tpu.memory_space<vmem>>, %arg16: memref<1000064xf32, #tpu.memory_space<vmem_shared>>, %arg17: memref<!tpu.dma_semaphore, #tpu.memory_space<semaphore_mem>>, %arg18: memref<!tpu.dma_semaphore, #tpu.memory_space<semaphore_mem>>, %arg19: memref<!tpu.dma_semaphore, #tpu.memory_space<semaphore_mem>>, %arg20: memref<!tpu.dma_semaphore, #tpu.memory_space<semaphore_mem>>, %arg21: memref<!tpu.dma_semaphore, #tpu.memory_space<semaphore_mem>>, %arg22: memref<!tpu.dma_semaphore, #tpu.memory_space<semaphore_mem>>, %arg23: memref<!tpu.dma_semaphore, #tpu.memory_space<semaphore_mem>>) attributes {dimension_semantics = [#tpu.dimension_semantics<core_parallel>, #tpu.dimension_semantics<subcore_parallel>], iteration_bounds = array<i64: 2, 16>, scalar_prefetch = 0 : i64, scratch_operands = 17 : i64, tpu.core_type = #tpu.core_type<sc_vector_subcore>, window_params = [{transform_indices = #map}, {transform_indices = #map}, {transform_indices = #map}, {transform_indices = #map}, {transform_indices = #map}]} {
    %mul3A = arith.constant 2 : i32
    %mul3A_0 = arith.muli %arg1, %mul3A : i32
    %add3A = arith.addi %mul3A_0, %arg0 : i32
    %mul3A_1 = arith.constant 512 : i32
    %mul3A_2 = arith.muli %add3A, %mul3A_1 : i32
    %iota3A = tpu.iota {dimensions = array<i32: 0>} : vector<16xi32>
    %mul3A_3 = arith.constant 200 : i32
    %mul3A_4 = vector.broadcast %mul3A_3 : i32 to vector<16xi32>
    %mul3A_5 = arith.muli %iota3A, %mul3A_4 : vector<16xi32>
    %add3A_6 = arith.constant 0 : i32
    %add3A_7 = vector.broadcast %add3A_6 : i32 to vector<16xi32>
    %add3A_8 = arith.addi %mul3A_5, %add3A_7 : vector<16xi32>
    %add3A_9 = arith.constant 3200 : i32
    %add3A_10 = vector.broadcast %add3A_9 : i32 to vector<16xi32>
    %add3A_11 = arith.addi %mul3A_5, %add3A_10 : vector<16xi32>
    %add3A_12 = arith.constant 6400 : i32
    %add3A_13 = vector.broadcast %add3A_12 : i32 to vector<16xi32>
    %add3A_14 = arith.addi %mul3A_5, %add3A_13 : vector<16xi32>
    %add3A_15 = arith.constant 9600 : i32
    %add3A_16 = vector.broadcast %add3A_15 : i32 to vector<16xi32>
    %add3A_17 = arith.addi %mul3A_5, %add3A_16 : vector<16xi32>
    %broadcast_in_dim3A = arith.constant 0.000000e+00 : f32
    %broadcast_in_dim3A_18 = vector.broadcast %broadcast_in_dim3A : f32 to vector<16xf32>
    %add3A_19 = arith.constant 0 : i32
    %add3A_20 = arith.addi %mul3A_2, %add3A_19 : i32
    %mul3A_21 = arith.constant 200 : i32
    %mul3A_22 = arith.muli %add3A_20, %mul3A_21 : i32
    %dma_start3A = tpu.memref_slice %arg2[%mul3A_22] : memref<3276800xi32, #tpu.memory_space<hbm>> -> memref<12800xi32, #tpu.memory_space<hbm>>
    %dma_start3A_23 = tpu.memref_slice %arg2[%mul3A_22] : memref<3276800xi32, #tpu.memory_space<hbm>> -> memref<12800xi32, #tpu.memory_space<hbm>>
    tpu.enqueue_dma source(%dma_start3A_23 : memref<12800xi32, #tpu.memory_space<hbm>>) target(%arg7 : memref<12800xi32, #tpu.memory_space<vmem>>) target_semaphore(%arg17 : memref<!tpu.dma_semaphore, #tpu.memory_space<semaphore_mem>>)
    %add3A_24 = arith.constant 64 : i32
    %add3A_25 = arith.addi %mul3A_2, %add3A_24 : i32
    %mul3A_26 = arith.constant 200 : i32
    %mul3A_27 = arith.muli %add3A_25, %mul3A_26 : i32
    %dma_start3A_28 = tpu.memref_slice %arg2[%mul3A_27] : memref<3276800xi32, #tpu.memory_space<hbm>> -> memref<12800xi32, #tpu.memory_space<hbm>>
    %dma_start3A_29 = tpu.memref_slice %arg2[%mul3A_27] : memref<3276800xi32, #tpu.memory_space<hbm>> -> memref<12800xi32, #tpu.memory_space<hbm>>
    tpu.enqueue_dma source(%dma_start3A_29 : memref<12800xi32, #tpu.memory_space<hbm>>) target(%arg8 : memref<12800xi32, #tpu.memory_space<vmem>>) target_semaphore(%arg18 : memref<!tpu.dma_semaphore, #tpu.memory_space<semaphore_mem>>)
    %mul3A_30 = arith.constant 62504 : i32
    %mul3A_31 = arith.muli %arg1, %mul3A_30 : i32
    %add3A_32 = arith.constant 0 : i32
    %add3A_33 = arith.addi %mul3A_31, %add3A_32 : i32
    %dma_start3A_34 = arith.constant 0 : i32
    %dma_start3A_35 = tpu.memref_slice %arg11[%dma_start3A_34] : memref<6400xf32, #tpu.memory_space<vmem>> -> memref<6400xf32, #tpu.memory_space<vmem>>
    %dma_start3A_36 = tpu.memref_slice %arg4[%add3A_33] : memref<1000064xf32, #tpu.memory_space<hbm>> -> memref<6400xf32, #tpu.memory_space<hbm>>
    %dma_start3A_37 = arith.constant 0 : i32
    %dma_start3A_38 = tpu.memref_slice %arg11[%dma_start3A_37] : memref<6400xf32, #tpu.memory_space<vmem>> -> memref<6400xf32, #tpu.memory_space<vmem>>
    %dma_start3A_39 = tpu.memref_slice %arg4[%add3A_33] : memref<1000064xf32, #tpu.memory_space<hbm>> -> memref<6400xf32, #tpu.memory_space<hbm>>
    tpu.enqueue_dma source(%dma_start3A_39 : memref<6400xf32, #tpu.memory_space<hbm>>) target(%dma_start3A_38 : memref<6400xf32, #tpu.memory_space<vmem>>) target_semaphore(%arg21 : memref<!tpu.dma_semaphore, #tpu.memory_space<semaphore_mem>>)
    %mul3A_40 = arith.constant 62504 : i32
    %mul3A_41 = arith.muli %arg1, %mul3A_40 : i32
    %add3A_42 = arith.constant 6400 : i32
    %add3A_43 = arith.addi %mul3A_41, %add3A_42 : i32
    %dma_start3A_44 = arith.constant 0 : i32
    %dma_start3A_45 = tpu.memref_slice %arg12[%dma_start3A_44] : memref<6400xf32, #tpu.memory_space<vmem>> -> memref<6400xf32, #tpu.memory_space<vmem>>
    %dma_start3A_46 = tpu.memref_slice %arg4[%add3A_43] : memref<1000064xf32, #tpu.memory_space<hbm>> -> memref<6400xf32, #tpu.memory_space<hbm>>
    %dma_start3A_47 = arith.constant 0 : i32
    %dma_start3A_48 = tpu.memref_slice %arg12[%dma_start3A_47] : memref<6400xf32, #tpu.memory_space<vmem>> -> memref<6400xf32, #tpu.memory_space<vmem>>
    %dma_start3A_49 = tpu.memref_slice %arg4[%add3A_43] : memref<1000064xf32, #tpu.memory_space<hbm>> -> memref<6400xf32, #tpu.memory_space<hbm>>
    tpu.enqueue_dma source(%dma_start3A_49 : memref<6400xf32, #tpu.memory_space<hbm>>) target(%dma_start3A_48 : memref<6400xf32, #tpu.memory_space<vmem>>) target_semaphore(%arg22 : memref<!tpu.dma_semaphore, #tpu.memory_space<semaphore_mem>>)
    "tpu.region"() ({
      %run_scoped3A = tpu.sem_alloc : memref<!tpu.dma_semaphore, #tpu.memory_space<semaphore_mem>>
      tpu.enqueue_dma source(%arg5 : memref<1000xf32, #tpu.memory_space<hbm>>) target(%arg13 : memref<1000xf32, #tpu.memory_space<vmem>>) target_semaphore(%run_scoped3A : memref<!tpu.dma_semaphore, #tpu.memory_space<semaphore_mem>>)
      tpu.wait_dma2 semaphore(%run_scoped3A : memref<!tpu.dma_semaphore, #tpu.memory_space<semaphore_mem>>) src(%arg5 : memref<1000xf32, #tpu.memory_space<hbm>>) dst(%arg13 : memref<1000xf32, #tpu.memory_space<vmem>>)
      tpu.yield
    }) : () -> ()
    "tpu.region"() ({
      %run_scoped3A = tpu.sem_alloc : memref<!tpu.dma_semaphore, #tpu.memory_space<semaphore_mem>>
      %dma_start3A_550 = tpu.memref_slice %arg3[%mul3A_2] : memref<16384xi32, #tpu.memory_space<hbm>> -> memref<512xi32, #tpu.memory_space<hbm>>
      %dma_start3A_551 = tpu.memref_slice %arg3[%mul3A_2] : memref<16384xi32, #tpu.memory_space<hbm>> -> memref<512xi32, #tpu.memory_space<hbm>>
      tpu.enqueue_dma source(%dma_start3A_551 : memref<512xi32, #tpu.memory_space<hbm>>) target(%arg14 : memref<512xi32, #tpu.memory_space<vmem>>) target_semaphore(%run_scoped3A : memref<!tpu.dma_semaphore, #tpu.memory_space<semaphore_mem>>)
      %dma_wait3A_552 = tpu.memref_slice %arg3[%mul3A_2] : memref<16384xi32, #tpu.memory_space<hbm>> -> memref<512xi32, #tpu.memory_space<hbm>>
      %dma_wait3A_553 = tpu.memref_slice %arg3[%mul3A_2] : memref<16384xi32, #tpu.memory_space<hbm>> -> memref<512xi32, #tpu.memory_space<hbm>>
      tpu.wait_dma2 semaphore(%run_scoped3A : memref<!tpu.dma_semaphore, #tpu.memory_space<semaphore_mem>>) src(%dma_wait3A_553 : memref<512xi32, #tpu.memory_space<hbm>>) dst(%arg14 : memref<512xi32, #tpu.memory_space<vmem>>)
      tpu.yield
    }) : () -> ()
    %dma_wait3A = arith.constant 0 : i32
    %dma_wait3A_50 = tpu.memref_slice %arg11[%dma_wait3A] : memref<6400xf32, #tpu.memory_space<vmem>> -> memref<6400xf32, #tpu.memory_space<vmem>>
    %dma_wait3A_51 = tpu.memref_slice %arg4[%add3A_33] : memref<1000064xf32, #tpu.memory_space<hbm>> -> memref<6400xf32, #tpu.memory_space<hbm>>
    %dma_wait3A_52 = arith.constant 0 : i32
    %dma_wait3A_53 = tpu.memref_slice %arg11[%dma_wait3A_52] : memref<6400xf32, #tpu.memory_space<vmem>> -> memref<6400xf32, #tpu.memory_space<vmem>>
    %dma_wait3A_54 = tpu.memref_slice %arg4[%add3A_33] : memref<1000064xf32, #tpu.memory_space<hbm>> -> memref<6400xf32, #tpu.memory_space<hbm>>
    tpu.wait_dma2 semaphore(%arg21 : memref<!tpu.dma_semaphore, #tpu.memory_space<semaphore_mem>>) src(%dma_wait3A_54 : memref<6400xf32, #tpu.memory_space<hbm>>) dst(%dma_wait3A_53 : memref<6400xf32, #tpu.memory_space<vmem>>)
    %mul3A_55 = arith.constant 62504 : i32
    %mul3A_56 = arith.muli %arg1, %mul3A_55 : i32
    %add3A_57 = arith.constant 0 : i32
    %add3A_58 = arith.addi %mul3A_56, %add3A_57 : i32
    %dma_start3A_59 = arith.constant 0 : i32
    %dma_start3A_60 = tpu.memref_slice %arg11[%dma_start3A_59] : memref<6400xf32, #tpu.memory_space<vmem>> -> memref<6400xf32, #tpu.memory_space<vmem>>
    %dma_start3A_61 = tpu.memref_slice %arg16[%add3A_58] : memref<1000064xf32, #tpu.memory_space<vmem_shared>> -> memref<6400xf32, #tpu.memory_space<vmem_shared>>
    %dma_start3A_62 = tpu.memref_slice %arg16[%add3A_58] : memref<1000064xf32, #tpu.memory_space<vmem_shared>> -> memref<6400xf32, #tpu.memory_space<vmem_shared>>
    %dma_start3A_63 = arith.constant 0 : i32
    %dma_start3A_64 = tpu.memref_slice %arg11[%dma_start3A_63] : memref<6400xf32, #tpu.memory_space<vmem>> -> memref<6400xf32, #tpu.memory_space<vmem>>
    tpu.enqueue_dma source(%dma_start3A_64 : memref<6400xf32, #tpu.memory_space<vmem>>) target(%dma_start3A_62 : memref<6400xf32, #tpu.memory_space<vmem_shared>>) target_semaphore(%arg23 : memref<!tpu.dma_semaphore, #tpu.memory_space<semaphore_mem>>)
    %dma_wait3A_65 = arith.constant 0 : i32
    %dma_wait3A_66 = tpu.memref_slice %arg11[%dma_wait3A_65] : memref<6400xf32, #tpu.memory_space<vmem>> -> memref<6400xf32, #tpu.memory_space<vmem>>
    %dma_wait3A_67 = tpu.memref_slice %arg16[%add3A_58] : memref<1000064xf32, #tpu.memory_space<vmem_shared>> -> memref<6400xf32, #tpu.memory_space<vmem_shared>>
    %dma_wait3A_68 = tpu.memref_slice %arg16[%add3A_58] : memref<1000064xf32, #tpu.memory_space<vmem_shared>> -> memref<6400xf32, #tpu.memory_space<vmem_shared>>
    %dma_wait3A_69 = arith.constant 0 : i32
    %dma_wait3A_70 = tpu.memref_slice %arg11[%dma_wait3A_69] : memref<6400xf32, #tpu.memory_space<vmem>> -> memref<6400xf32, #tpu.memory_space<vmem>>
    tpu.wait_dma2 semaphore(%arg23 : memref<!tpu.dma_semaphore, #tpu.memory_space<semaphore_mem>>) src(%dma_wait3A_70 : memref<6400xf32, #tpu.memory_space<vmem>>) dst(%dma_wait3A_68 : memref<6400xf32, #tpu.memory_space<vmem_shared>>)
    %mul3A_71 = arith.constant 62504 : i32
    %mul3A_72 = arith.muli %arg1, %mul3A_71 : i32
    %add3A_73 = arith.constant 12800 : i32
    %add3A_74 = arith.addi %mul3A_72, %add3A_73 : i32
    %dma_start3A_75 = arith.constant 0 : i32
    %dma_start3A_76 = tpu.memref_slice %arg11[%dma_start3A_75] : memref<6400xf32, #tpu.memory_space<vmem>> -> memref<6400xf32, #tpu.memory_space<vmem>>
    %dma_start3A_77 = tpu.memref_slice %arg4[%add3A_74] : memref<1000064xf32, #tpu.memory_space<hbm>> -> memref<6400xf32, #tpu.memory_space<hbm>>
    %dma_start3A_78 = arith.constant 0 : i32
    %dma_start3A_79 = tpu.memref_slice %arg11[%dma_start3A_78] : memref<6400xf32, #tpu.memory_space<vmem>> -> memref<6400xf32, #tpu.memory_space<vmem>>
    %dma_start3A_80 = tpu.memref_slice %arg4[%add3A_74] : memref<1000064xf32, #tpu.memory_space<hbm>> -> memref<6400xf32, #tpu.memory_space<hbm>>
    tpu.enqueue_dma source(%dma_start3A_80 : memref<6400xf32, #tpu.memory_space<hbm>>) target(%dma_start3A_79 : memref<6400xf32, #tpu.memory_space<vmem>>) target_semaphore(%arg21 : memref<!tpu.dma_semaphore, #tpu.memory_space<semaphore_mem>>)
    %dma_wait3A_81 = arith.constant 0 : i32
    %dma_wait3A_82 = tpu.memref_slice %arg12[%dma_wait3A_81] : memref<6400xf32, #tpu.memory_space<vmem>> -> memref<6400xf32, #tpu.memory_space<vmem>>
    %dma_wait3A_83 = tpu.memref_slice %arg4[%add3A_43] : memref<1000064xf32, #tpu.memory_space<hbm>> -> memref<6400xf32, #tpu.memory_space<hbm>>
    %dma_wait3A_84 = arith.constant 0 : i32
    %dma_wait3A_85 = tpu.memref_slice %arg12[%dma_wait3A_84] : memref<6400xf32, #tpu.memory_space<vmem>> -> memref<6400xf32, #tpu.memory_space<vmem>>
    %dma_wait3A_86 = tpu.memref_slice %arg4[%add3A_43] : memref<1000064xf32, #tpu.memory_space<hbm>> -> memref<6400xf32, #tpu.memory_space<hbm>>
    tpu.wait_dma2 semaphore(%arg22 : memref<!tpu.dma_semaphore, #tpu.memory_space<semaphore_mem>>) src(%dma_wait3A_86 : memref<6400xf32, #tpu.memory_space<hbm>>) dst(%dma_wait3A_85 : memref<6400xf32, #tpu.memory_space<vmem>>)
    %mul3A_87 = arith.constant 62504 : i32
    %mul3A_88 = arith.muli %arg1, %mul3A_87 : i32
    %add3A_89 = arith.constant 6400 : i32
    %add3A_90 = arith.addi %mul3A_88, %add3A_89 : i32
    %dma_start3A_91 = arith.constant 0 : i32
    %dma_start3A_92 = tpu.memref_slice %arg12[%dma_start3A_91] : memref<6400xf32, #tpu.memory_space<vmem>> -> memref<6400xf32, #tpu.memory_space<vmem>>
    %dma_start3A_93 = tpu.memref_slice %arg16[%add3A_90] : memref<1000064xf32, #tpu.memory_space<vmem_shared>> -> memref<6400xf32, #tpu.memory_space<vmem_shared>>
    %dma_start3A_94 = tpu.memref_slice %arg16[%add3A_90] : memref<1000064xf32, #tpu.memory_space<vmem_shared>> -> memref<6400xf32, #tpu.memory_space<vmem_shared>>
    %dma_start3A_95 = arith.constant 0 : i32
    %dma_start3A_96 = tpu.memref_slice %arg12[%dma_start3A_95] : memref<6400xf32, #tpu.memory_space<vmem>> -> memref<6400xf32, #tpu.memory_space<vmem>>
    tpu.enqueue_dma source(%dma_start3A_96 : memref<6400xf32, #tpu.memory_space<vmem>>) target(%dma_start3A_94 : memref<6400xf32, #tpu.memory_space<vmem_shared>>) target_semaphore(%arg23 : memref<!tpu.dma_semaphore, #tpu.memory_space<semaphore_mem>>)
    %dma_wait3A_97 = arith.constant 0 : i32
    %dma_wait3A_98 = tpu.memref_slice %arg12[%dma_wait3A_97] : memref<6400xf32, #tpu.memory_space<vmem>> -> memref<6400xf32, #tpu.memory_space<vmem>>
    %dma_wait3A_99 = tpu.memref_slice %arg16[%add3A_90] : memref<1000064xf32, #tpu.memory_space<vmem_shared>> -> memref<6400xf32, #tpu.memory_space<vmem_shared>>
    %dma_wait3A_100 = tpu.memref_slice %arg16[%add3A_90] : memref<1000064xf32, #tpu.memory_space<vmem_shared>> -> memref<6400xf32, #tpu.memory_space<vmem_shared>>
    %dma_wait3A_101 = arith.constant 0 : i32
    %dma_wait3A_102 = tpu.memref_slice %arg12[%dma_wait3A_101] : memref<6400xf32, #tpu.memory_space<vmem>> -> memref<6400xf32, #tpu.memory_space<vmem>>
    tpu.wait_dma2 semaphore(%arg23 : memref<!tpu.dma_semaphore, #tpu.memory_space<semaphore_mem>>) src(%dma_wait3A_102 : memref<6400xf32, #tpu.memory_space<vmem>>) dst(%dma_wait3A_100 : memref<6400xf32, #tpu.memory_space<vmem_shared>>)
    %mul3A_103 = arith.constant 62504 : i32
    %mul3A_104 = arith.muli %arg1, %mul3A_103 : i32
    %add3A_105 = arith.constant 19200 : i32
    %add3A_106 = arith.addi %mul3A_104, %add3A_105 : i32
    %dma_start3A_107 = arith.constant 0 : i32
    %dma_start3A_108 = tpu.memref_slice %arg12[%dma_start3A_107] : memref<6400xf32, #tpu.memory_space<vmem>> -> memref<6400xf32, #tpu.memory_space<vmem>>
    %dma_start3A_109 = tpu.memref_slice %arg4[%add3A_106] : memref<1000064xf32, #tpu.memory_space<hbm>> -> memref<6400xf32, #tpu.memory_space<hbm>>
    %dma_start3A_110 = arith.constant 0 : i32
    %dma_start3A_111 = tpu.memref_slice %arg12[%dma_start3A_110] : memref<6400xf32, #tpu.memory_space<vmem>> -> memref<6400xf32, #tpu.memory_space<vmem>>
    %dma_start3A_112 = tpu.memref_slice %arg4[%add3A_106] : memref<1000064xf32, #tpu.memory_space<hbm>> -> memref<6400xf32, #tpu.memory_space<hbm>>
    tpu.enqueue_dma source(%dma_start3A_112 : memref<6400xf32, #tpu.memory_space<hbm>>) target(%dma_start3A_111 : memref<6400xf32, #tpu.memory_space<vmem>>) target_semaphore(%arg22 : memref<!tpu.dma_semaphore, #tpu.memory_space<semaphore_mem>>)
    %dma_wait3A_113 = arith.constant 0 : i32
    %dma_wait3A_114 = tpu.memref_slice %arg11[%dma_wait3A_113] : memref<6400xf32, #tpu.memory_space<vmem>> -> memref<6400xf32, #tpu.memory_space<vmem>>
    %dma_wait3A_115 = tpu.memref_slice %arg4[%add3A_74] : memref<1000064xf32, #tpu.memory_space<hbm>> -> memref<6400xf32, #tpu.memory_space<hbm>>
    %dma_wait3A_116 = arith.constant 0 : i32
    %dma_wait3A_117 = tpu.memref_slice %arg11[%dma_wait3A_116] : memref<6400xf32, #tpu.memory_space<vmem>> -> memref<6400xf32, #tpu.memory_space<vmem>>
    %dma_wait3A_118 = tpu.memref_slice %arg4[%add3A_74] : memref<1000064xf32, #tpu.memory_space<hbm>> -> memref<6400xf32, #tpu.memory_space<hbm>>
    tpu.wait_dma2 semaphore(%arg21 : memref<!tpu.dma_semaphore, #tpu.memory_space<semaphore_mem>>) src(%dma_wait3A_118 : memref<6400xf32, #tpu.memory_space<hbm>>) dst(%dma_wait3A_117 : memref<6400xf32, #tpu.memory_space<vmem>>)
    %mul3A_119 = arith.constant 62504 : i32
    %mul3A_120 = arith.muli %arg1, %mul3A_119 : i32
    %add3A_121 = arith.constant 12800 : i32
    %add3A_122 = arith.addi %mul3A_120, %add3A_121 : i32
    %dma_start3A_123 = arith.constant 0 : i32
    %dma_start3A_124 = tpu.memref_slice %arg11[%dma_start3A_123] : memref<6400xf32, #tpu.memory_space<vmem>> -> memref<6400xf32, #tpu.memory_space<vmem>>
    %dma_start3A_125 = tpu.memref_slice %arg16[%add3A_122] : memref<1000064xf32, #tpu.memory_space<vmem_shared>> -> memref<6400xf32, #tpu.memory_space<vmem_shared>>
    %dma_start3A_126 = tpu.memref_slice %arg16[%add3A_122] : memref<1000064xf32, #tpu.memory_space<vmem_shared>> -> memref<6400xf32, #tpu.memory_space<vmem_shared>>
    %dma_start3A_127 = arith.constant 0 : i32
    %dma_start3A_128 = tpu.memref_slice %arg11[%dma_start3A_127] : memref<6400xf32, #tpu.memory_space<vmem>> -> memref<6400xf32, #tpu.memory_space<vmem>>
    tpu.enqueue_dma source(%dma_start3A_128 : memref<6400xf32, #tpu.memory_space<vmem>>) target(%dma_start3A_126 : memref<6400xf32, #tpu.memory_space<vmem_shared>>) target_semaphore(%arg23 : memref<!tpu.dma_semaphore, #tpu.memory_space<semaphore_mem>>)
    %dma_wait3A_129 = arith.constant 0 : i32
    %dma_wait3A_130 = tpu.memref_slice %arg11[%dma_wait3A_129] : memref<6400xf32, #tpu.memory_space<vmem>> -> memref<6400xf32, #tpu.memory_space<vmem>>
    %dma_wait3A_131 = tpu.memref_slice %arg16[%add3A_122] : memref<1000064xf32, #tpu.memory_space<vmem_shared>> -> memref<6400xf32, #tpu.memory_space<vmem_shared>>
    %dma_wait3A_132 = tpu.memref_slice %arg16[%add3A_122] : memref<1000064xf32, #tpu.memory_space<vmem_shared>> -> memref<6400xf32, #tpu.memory_space<vmem_shared>>
    %dma_wait3A_133 = arith.constant 0 : i32
    %dma_wait3A_134 = tpu.memref_slice %arg11[%dma_wait3A_133] : memref<6400xf32, #tpu.memory_space<vmem>> -> memref<6400xf32, #tpu.memory_space<vmem>>
    tpu.wait_dma2 semaphore(%arg23 : memref<!tpu.dma_semaphore, #tpu.memory_space<semaphore_mem>>) src(%dma_wait3A_134 : memref<6400xf32, #tpu.memory_space<vmem>>) dst(%dma_wait3A_132 : memref<6400xf32, #tpu.memory_space<vmem_shared>>)
    %mul3A_135 = arith.constant 62504 : i32
    %mul3A_136 = arith.muli %arg1, %mul3A_135 : i32
    %add3A_137 = arith.constant 25600 : i32
    %add3A_138 = arith.addi %mul3A_136, %add3A_137 : i32
    %dma_start3A_139 = arith.constant 0 : i32
    %dma_start3A_140 = tpu.memref_slice %arg11[%dma_start3A_139] : memref<6400xf32, #tpu.memory_space<vmem>> -> memref<6400xf32, #tpu.memory_space<vmem>>
    %dma_start3A_141 = tpu.memref_slice %arg4[%add3A_138] : memref<1000064xf32, #tpu.memory_space<hbm>> -> memref<6400xf32, #tpu.memory_space<hbm>>
    %dma_start3A_142 = arith.constant 0 : i32
    %dma_start3A_143 = tpu.memref_slice %arg11[%dma_start3A_142] : memref<6400xf32, #tpu.memory_space<vmem>> -> memref<6400xf32, #tpu.memory_space<vmem>>
    %dma_start3A_144 = tpu.memref_slice %arg4[%add3A_138] : memref<1000064xf32, #tpu.memory_space<hbm>> -> memref<6400xf32, #tpu.memory_space<hbm>>
    tpu.enqueue_dma source(%dma_start3A_144 : memref<6400xf32, #tpu.memory_space<hbm>>) target(%dma_start3A_143 : memref<6400xf32, #tpu.memory_space<vmem>>) target_semaphore(%arg21 : memref<!tpu.dma_semaphore, #tpu.memory_space<semaphore_mem>>)
    %dma_wait3A_145 = arith.constant 0 : i32
    %dma_wait3A_146 = tpu.memref_slice %arg12[%dma_wait3A_145] : memref<6400xf32, #tpu.memory_space<vmem>> -> memref<6400xf32, #tpu.memory_space<vmem>>
    %dma_wait3A_147 = tpu.memref_slice %arg4[%add3A_106] : memref<1000064xf32, #tpu.memory_space<hbm>> -> memref<6400xf32, #tpu.memory_space<hbm>>
    %dma_wait3A_148 = arith.constant 0 : i32
    %dma_wait3A_149 = tpu.memref_slice %arg12[%dma_wait3A_148] : memref<6400xf32, #tpu.memory_space<vmem>> -> memref<6400xf32, #tpu.memory_space<vmem>>
    %dma_wait3A_150 = tpu.memref_slice %arg4[%add3A_106] : memref<1000064xf32, #tpu.memory_space<hbm>> -> memref<6400xf32, #tpu.memory_space<hbm>>
    tpu.wait_dma2 semaphore(%arg22 : memref<!tpu.dma_semaphore, #tpu.memory_space<semaphore_mem>>) src(%dma_wait3A_150 : memref<6400xf32, #tpu.memory_space<hbm>>) dst(%dma_wait3A_149 : memref<6400xf32, #tpu.memory_space<vmem>>)
    %mul3A_151 = arith.constant 62504 : i32
    %mul3A_152 = arith.muli %arg1, %mul3A_151 : i32
    %add3A_153 = arith.constant 19200 : i32
    %add3A_154 = arith.addi %mul3A_152, %add3A_153 : i32
    %dma_start3A_155 = arith.constant 0 : i32
    %dma_start3A_156 = tpu.memref_slice %arg12[%dma_start3A_155] : memref<6400xf32, #tpu.memory_space<vmem>> -> memref<6400xf32, #tpu.memory_space<vmem>>
    %dma_start3A_157 = tpu.memref_slice %arg16[%add3A_154] : memref<1000064xf32, #tpu.memory_space<vmem_shared>> -> memref<6400xf32, #tpu.memory_space<vmem_shared>>
    %dma_start3A_158 = tpu.memref_slice %arg16[%add3A_154] : memref<1000064xf32, #tpu.memory_space<vmem_shared>> -> memref<6400xf32, #tpu.memory_space<vmem_shared>>
    %dma_start3A_159 = arith.constant 0 : i32
    %dma_start3A_160 = tpu.memref_slice %arg12[%dma_start3A_159] : memref<6400xf32, #tpu.memory_space<vmem>> -> memref<6400xf32, #tpu.memory_space<vmem>>
    tpu.enqueue_dma source(%dma_start3A_160 : memref<6400xf32, #tpu.memory_space<vmem>>) target(%dma_start3A_158 : memref<6400xf32, #tpu.memory_space<vmem_shared>>) target_semaphore(%arg23 : memref<!tpu.dma_semaphore, #tpu.memory_space<semaphore_mem>>)
    %dma_wait3A_161 = arith.constant 0 : i32
    %dma_wait3A_162 = tpu.memref_slice %arg12[%dma_wait3A_161] : memref<6400xf32, #tpu.memory_space<vmem>> -> memref<6400xf32, #tpu.memory_space<vmem>>
    %dma_wait3A_163 = tpu.memref_slice %arg16[%add3A_154] : memref<1000064xf32, #tpu.memory_space<vmem_shared>> -> memref<6400xf32, #tpu.memory_space<vmem_shared>>
    %dma_wait3A_164 = tpu.memref_slice %arg16[%add3A_154] : memref<1000064xf32, #tpu.memory_space<vmem_shared>> -> memref<6400xf32, #tpu.memory_space<vmem_shared>>
    %dma_wait3A_165 = arith.constant 0 : i32
    %dma_wait3A_166 = tpu.memref_slice %arg12[%dma_wait3A_165] : memref<6400xf32, #tpu.memory_space<vmem>> -> memref<6400xf32, #tpu.memory_space<vmem>>
    tpu.wait_dma2 semaphore(%arg23 : memref<!tpu.dma_semaphore, #tpu.memory_space<semaphore_mem>>) src(%dma_wait3A_166 : memref<6400xf32, #tpu.memory_space<vmem>>) dst(%dma_wait3A_164 : memref<6400xf32, #tpu.memory_space<vmem_shared>>)
    %mul3A_167 = arith.constant 62504 : i32
    %mul3A_168 = arith.muli %arg1, %mul3A_167 : i32
    %add3A_169 = arith.constant 32000 : i32
    %add3A_170 = arith.addi %mul3A_168, %add3A_169 : i32
    %dma_start3A_171 = arith.constant 0 : i32
    %dma_start3A_172 = tpu.memref_slice %arg12[%dma_start3A_171] : memref<6400xf32, #tpu.memory_space<vmem>> -> memref<6400xf32, #tpu.memory_space<vmem>>
    %dma_start3A_173 = tpu.memref_slice %arg4[%add3A_170] : memref<1000064xf32, #tpu.memory_space<hbm>> -> memref<6400xf32, #tpu.memory_space<hbm>>
    %dma_start3A_174 = arith.constant 0 : i32
    %dma_start3A_175 = tpu.memref_slice %arg12[%dma_start3A_174] : memref<6400xf32, #tpu.memory_space<vmem>> -> memref<6400xf32, #tpu.memory_space<vmem>>
    %dma_start3A_176 = tpu.memref_slice %arg4[%add3A_170] : memref<1000064xf32, #tpu.memory_space<hbm>> -> memref<6400xf32, #tpu.memory_space<hbm>>
    tpu.enqueue_dma source(%dma_start3A_176 : memref<6400xf32, #tpu.memory_space<hbm>>) target(%dma_start3A_175 : memref<6400xf32, #tpu.memory_space<vmem>>) target_semaphore(%arg22 : memref<!tpu.dma_semaphore, #tpu.memory_space<semaphore_mem>>)
    %dma_wait3A_177 = arith.constant 0 : i32
    %dma_wait3A_178 = tpu.memref_slice %arg11[%dma_wait3A_177] : memref<6400xf32, #tpu.memory_space<vmem>> -> memref<6400xf32, #tpu.memory_space<vmem>>
    %dma_wait3A_179 = tpu.memref_slice %arg4[%add3A_138] : memref<1000064xf32, #tpu.memory_space<hbm>> -> memref<6400xf32, #tpu.memory_space<hbm>>
    %dma_wait3A_180 = arith.constant 0 : i32
    %dma_wait3A_181 = tpu.memref_slice %arg11[%dma_wait3A_180] : memref<6400xf32, #tpu.memory_space<vmem>> -> memref<6400xf32, #tpu.memory_space<vmem>>
    %dma_wait3A_182 = tpu.memref_slice %arg4[%add3A_138] : memref<1000064xf32, #tpu.memory_space<hbm>> -> memref<6400xf32, #tpu.memory_space<hbm>>
    tpu.wait_dma2 semaphore(%arg21 : memref<!tpu.dma_semaphore, #tpu.memory_space<semaphore_mem>>) src(%dma_wait3A_182 : memref<6400xf32, #tpu.memory_space<hbm>>) dst(%dma_wait3A_181 : memref<6400xf32, #tpu.memory_space<vmem>>)
    %mul3A_183 = arith.constant 62504 : i32
    %mul3A_184 = arith.muli %arg1, %mul3A_183 : i32
    %add3A_185 = arith.constant 25600 : i32
    %add3A_186 = arith.addi %mul3A_184, %add3A_185 : i32
    %dma_start3A_187 = arith.constant 0 : i32
    %dma_start3A_188 = tpu.memref_slice %arg11[%dma_start3A_187] : memref<6400xf32, #tpu.memory_space<vmem>> -> memref<6400xf32, #tpu.memory_space<vmem>>
    %dma_start3A_189 = tpu.memref_slice %arg16[%add3A_186] : memref<1000064xf32, #tpu.memory_space<vmem_shared>> -> memref<6400xf32, #tpu.memory_space<vmem_shared>>
    %dma_start3A_190 = tpu.memref_slice %arg16[%add3A_186] : memref<1000064xf32, #tpu.memory_space<vmem_shared>> -> memref<6400xf32, #tpu.memory_space<vmem_shared>>
    %dma_start3A_191 = arith.constant 0 : i32
    %dma_start3A_192 = tpu.memref_slice %arg11[%dma_start3A_191] : memref<6400xf32, #tpu.memory_space<vmem>> -> memref<6400xf32, #tpu.memory_space<vmem>>
    tpu.enqueue_dma source(%dma_start3A_192 : memref<6400xf32, #tpu.memory_space<vmem>>) target(%dma_start3A_190 : memref<6400xf32, #tpu.memory_space<vmem_shared>>) target_semaphore(%arg23 : memref<!tpu.dma_semaphore, #tpu.memory_space<semaphore_mem>>)
    %dma_wait3A_193 = arith.constant 0 : i32
    %dma_wait3A_194 = tpu.memref_slice %arg11[%dma_wait3A_193] : memref<6400xf32, #tpu.memory_space<vmem>> -> memref<6400xf32, #tpu.memory_space<vmem>>
    %dma_wait3A_195 = tpu.memref_slice %arg16[%add3A_186] : memref<1000064xf32, #tpu.memory_space<vmem_shared>> -> memref<6400xf32, #tpu.memory_space<vmem_shared>>
    %dma_wait3A_196 = tpu.memref_slice %arg16[%add3A_186] : memref<1000064xf32, #tpu.memory_space<vmem_shared>> -> memref<6400xf32, #tpu.memory_space<vmem_shared>>
    %dma_wait3A_197 = arith.constant 0 : i32
    %dma_wait3A_198 = tpu.memref_slice %arg11[%dma_wait3A_197] : memref<6400xf32, #tpu.memory_space<vmem>> -> memref<6400xf32, #tpu.memory_space<vmem>>
    tpu.wait_dma2 semaphore(%arg23 : memref<!tpu.dma_semaphore, #tpu.memory_space<semaphore_mem>>) src(%dma_wait3A_198 : memref<6400xf32, #tpu.memory_space<vmem>>) dst(%dma_wait3A_196 : memref<6400xf32, #tpu.memory_space<vmem_shared>>)
    %mul3A_199 = arith.constant 62504 : i32
    %mul3A_200 = arith.muli %arg1, %mul3A_199 : i32
    %add3A_201 = arith.constant 38400 : i32
    %add3A_202 = arith.addi %mul3A_200, %add3A_201 : i32
    %dma_start3A_203 = arith.constant 0 : i32
    %dma_start3A_204 = tpu.memref_slice %arg11[%dma_start3A_203] : memref<6400xf32, #tpu.memory_space<vmem>> -> memref<6400xf32, #tpu.memory_space<vmem>>
    %dma_start3A_205 = tpu.memref_slice %arg4[%add3A_202] : memref<1000064xf32, #tpu.memory_space<hbm>> -> memref<6400xf32, #tpu.memory_space<hbm>>
    %dma_start3A_206 = arith.constant 0 : i32
    %dma_start3A_207 = tpu.memref_slice %arg11[%dma_start3A_206] : memref<6400xf32, #tpu.memory_space<vmem>> -> memref<6400xf32, #tpu.memory_space<vmem>>
    %dma_start3A_208 = tpu.memref_slice %arg4[%add3A_202] : memref<1000064xf32, #tpu.memory_space<hbm>> -> memref<6400xf32, #tpu.memory_space<hbm>>
    tpu.enqueue_dma source(%dma_start3A_208 : memref<6400xf32, #tpu.memory_space<hbm>>) target(%dma_start3A_207 : memref<6400xf32, #tpu.memory_space<vmem>>) target_semaphore(%arg21 : memref<!tpu.dma_semaphore, #tpu.memory_space<semaphore_mem>>)
    %dma_wait3A_209 = arith.constant 0 : i32
    %dma_wait3A_210 = tpu.memref_slice %arg12[%dma_wait3A_209] : memref<6400xf32, #tpu.memory_space<vmem>> -> memref<6400xf32, #tpu.memory_space<vmem>>
    %dma_wait3A_211 = tpu.memref_slice %arg4[%add3A_170] : memref<1000064xf32, #tpu.memory_space<hbm>> -> memref<6400xf32, #tpu.memory_space<hbm>>
    %dma_wait3A_212 = arith.constant 0 : i32
    %dma_wait3A_213 = tpu.memref_slice %arg12[%dma_wait3A_212] : memref<6400xf32, #tpu.memory_space<vmem>> -> memref<6400xf32, #tpu.memory_space<vmem>>
    %dma_wait3A_214 = tpu.memref_slice %arg4[%add3A_170] : memref<1000064xf32, #tpu.memory_space<hbm>> -> memref<6400xf32, #tpu.memory_space<hbm>>
    tpu.wait_dma2 semaphore(%arg22 : memref<!tpu.dma_semaphore, #tpu.memory_space<semaphore_mem>>) src(%dma_wait3A_214 : memref<6400xf32, #tpu.memory_space<hbm>>) dst(%dma_wait3A_213 : memref<6400xf32, #tpu.memory_space<vmem>>)
    %mul3A_215 = arith.constant 62504 : i32
    %mul3A_216 = arith.muli %arg1, %mul3A_215 : i32
    %add3A_217 = arith.constant 32000 : i32
    %add3A_218 = arith.addi %mul3A_216, %add3A_217 : i32
    %dma_start3A_219 = arith.constant 0 : i32
    %dma_start3A_220 = tpu.memref_slice %arg12[%dma_start3A_219] : memref<6400xf32, #tpu.memory_space<vmem>> -> memref<6400xf32, #tpu.memory_space<vmem>>
    %dma_start3A_221 = tpu.memref_slice %arg16[%add3A_218] : memref<1000064xf32, #tpu.memory_space<vmem_shared>> -> memref<6400xf32, #tpu.memory_space<vmem_shared>>
    %dma_start3A_222 = tpu.memref_slice %arg16[%add3A_218] : memref<1000064xf32, #tpu.memory_space<vmem_shared>> -> memref<6400xf32, #tpu.memory_space<vmem_shared>>
    %dma_start3A_223 = arith.constant 0 : i32
    %dma_start3A_224 = tpu.memref_slice %arg12[%dma_start3A_223] : memref<6400xf32, #tpu.memory_space<vmem>> -> memref<6400xf32, #tpu.memory_space<vmem>>
    tpu.enqueue_dma source(%dma_start3A_224 : memref<6400xf32, #tpu.memory_space<vmem>>) target(%dma_start3A_222 : memref<6400xf32, #tpu.memory_space<vmem_shared>>) target_semaphore(%arg23 : memref<!tpu.dma_semaphore, #tpu.memory_space<semaphore_mem>>)
    %dma_wait3A_225 = arith.constant 0 : i32
    %dma_wait3A_226 = tpu.memref_slice %arg12[%dma_wait3A_225] : memref<6400xf32, #tpu.memory_space<vmem>> -> memref<6400xf32, #tpu.memory_space<vmem>>
    %dma_wait3A_227 = tpu.memref_slice %arg16[%add3A_218] : memref<1000064xf32, #tpu.memory_space<vmem_shared>> -> memref<6400xf32, #tpu.memory_space<vmem_shared>>
    %dma_wait3A_228 = tpu.memref_slice %arg16[%add3A_218] : memref<1000064xf32, #tpu.memory_space<vmem_shared>> -> memref<6400xf32, #tpu.memory_space<vmem_shared>>
    %dma_wait3A_229 = arith.constant 0 : i32
    %dma_wait3A_230 = tpu.memref_slice %arg12[%dma_wait3A_229] : memref<6400xf32, #tpu.memory_space<vmem>> -> memref<6400xf32, #tpu.memory_space<vmem>>
    tpu.wait_dma2 semaphore(%arg23 : memref<!tpu.dma_semaphore, #tpu.memory_space<semaphore_mem>>) src(%dma_wait3A_230 : memref<6400xf32, #tpu.memory_space<vmem>>) dst(%dma_wait3A_228 : memref<6400xf32, #tpu.memory_space<vmem_shared>>)
    %mul3A_231 = arith.constant 62504 : i32
    %mul3A_232 = arith.muli %arg1, %mul3A_231 : i32
    %add3A_233 = arith.constant 44800 : i32
    %add3A_234 = arith.addi %mul3A_232, %add3A_233 : i32
    %dma_start3A_235 = arith.constant 0 : i32
    %dma_start3A_236 = tpu.memref_slice %arg12[%dma_start3A_235] : memref<6400xf32, #tpu.memory_space<vmem>> -> memref<6400xf32, #tpu.memory_space<vmem>>
    %dma_start3A_237 = tpu.memref_slice %arg4[%add3A_234] : memref<1000064xf32, #tpu.memory_space<hbm>> -> memref<6400xf32, #tpu.memory_space<hbm>>
    %dma_start3A_238 = arith.constant 0 : i32
    %dma_start3A_239 = tpu.memref_slice %arg12[%dma_start3A_238] : memref<6400xf32, #tpu.memory_space<vmem>> -> memref<6400xf32, #tpu.memory_space<vmem>>
    %dma_start3A_240 = tpu.memref_slice %arg4[%add3A_234] : memref<1000064xf32, #tpu.memory_space<hbm>> -> memref<6400xf32, #tpu.memory_space<hbm>>
    tpu.enqueue_dma source(%dma_start3A_240 : memref<6400xf32, #tpu.memory_space<hbm>>) target(%dma_start3A_239 : memref<6400xf32, #tpu.memory_space<vmem>>) target_semaphore(%arg22 : memref<!tpu.dma_semaphore, #tpu.memory_space<semaphore_mem>>)
    %dma_wait3A_241 = arith.constant 0 : i32
    %dma_wait3A_242 = tpu.memref_slice %arg11[%dma_wait3A_241] : memref<6400xf32, #tpu.memory_space<vmem>> -> memref<6400xf32, #tpu.memory_space<vmem>>
    %dma_wait3A_243 = tpu.memref_slice %arg4[%add3A_202] : memref<1000064xf32, #tpu.memory_space<hbm>> -> memref<6400xf32, #tpu.memory_space<hbm>>
    %dma_wait3A_244 = arith.constant 0 : i32
    %dma_wait3A_245 = tpu.memref_slice %arg11[%dma_wait3A_244] : memref<6400xf32, #tpu.memory_space<vmem>> -> memref<6400xf32, #tpu.memory_space<vmem>>
    %dma_wait3A_246 = tpu.memref_slice %arg4[%add3A_202] : memref<1000064xf32, #tpu.memory_space<hbm>> -> memref<6400xf32, #tpu.memory_space<hbm>>
    tpu.wait_dma2 semaphore(%arg21 : memref<!tpu.dma_semaphore, #tpu.memory_space<semaphore_mem>>) src(%dma_wait3A_246 : memref<6400xf32, #tpu.memory_space<hbm>>) dst(%dma_wait3A_245 : memref<6400xf32, #tpu.memory_space<vmem>>)
    %mul3A_247 = arith.constant 62504 : i32
    %mul3A_248 = arith.muli %arg1, %mul3A_247 : i32
    %add3A_249 = arith.constant 38400 : i32
    %add3A_250 = arith.addi %mul3A_248, %add3A_249 : i32
    %dma_start3A_251 = arith.constant 0 : i32
    %dma_start3A_252 = tpu.memref_slice %arg11[%dma_start3A_251] : memref<6400xf32, #tpu.memory_space<vmem>> -> memref<6400xf32, #tpu.memory_space<vmem>>
    %dma_start3A_253 = tpu.memref_slice %arg16[%add3A_250] : memref<1000064xf32, #tpu.memory_space<vmem_shared>> -> memref<6400xf32, #tpu.memory_space<vmem_shared>>
    %dma_start3A_254 = tpu.memref_slice %arg16[%add3A_250] : memref<1000064xf32, #tpu.memory_space<vmem_shared>> -> memref<6400xf32, #tpu.memory_space<vmem_shared>>
    %dma_start3A_255 = arith.constant 0 : i32
    %dma_start3A_256 = tpu.memref_slice %arg11[%dma_start3A_255] : memref<6400xf32, #tpu.memory_space<vmem>> -> memref<6400xf32, #tpu.memory_space<vmem>>
    tpu.enqueue_dma source(%dma_start3A_256 : memref<6400xf32, #tpu.memory_space<vmem>>) target(%dma_start3A_254 : memref<6400xf32, #tpu.memory_space<vmem_shared>>) target_semaphore(%arg23 : memref<!tpu.dma_semaphore, #tpu.memory_space<semaphore_mem>>)
    %dma_wait3A_257 = arith.constant 0 : i32
    %dma_wait3A_258 = tpu.memref_slice %arg11[%dma_wait3A_257] : memref<6400xf32, #tpu.memory_space<vmem>> -> memref<6400xf32, #tpu.memory_space<vmem>>
    %dma_wait3A_259 = tpu.memref_slice %arg16[%add3A_250] : memref<1000064xf32, #tpu.memory_space<vmem_shared>> -> memref<6400xf32, #tpu.memory_space<vmem_shared>>
    %dma_wait3A_260 = tpu.memref_slice %arg16[%add3A_250] : memref<1000064xf32, #tpu.memory_space<vmem_shared>> -> memref<6400xf32, #tpu.memory_space<vmem_shared>>
    %dma_wait3A_261 = arith.constant 0 : i32
    %dma_wait3A_262 = tpu.memref_slice %arg11[%dma_wait3A_261] : memref<6400xf32, #tpu.memory_space<vmem>> -> memref<6400xf32, #tpu.memory_space<vmem>>
    tpu.wait_dma2 semaphore(%arg23 : memref<!tpu.dma_semaphore, #tpu.memory_space<semaphore_mem>>) src(%dma_wait3A_262 : memref<6400xf32, #tpu.memory_space<vmem>>) dst(%dma_wait3A_260 : memref<6400xf32, #tpu.memory_space<vmem_shared>>)
    %mul3A_263 = arith.constant 62504 : i32
    %mul3A_264 = arith.muli %arg1, %mul3A_263 : i32
    %add3A_265 = arith.constant 51200 : i32
    %add3A_266 = arith.addi %mul3A_264, %add3A_265 : i32
    %dma_start3A_267 = arith.constant 0 : i32
    %dma_start3A_268 = tpu.memref_slice %arg11[%dma_start3A_267] : memref<6400xf32, #tpu.memory_space<vmem>> -> memref<6400xf32, #tpu.memory_space<vmem>>
    %dma_start3A_269 = tpu.memref_slice %arg4[%add3A_266] : memref<1000064xf32, #tpu.memory_space<hbm>> -> memref<6400xf32, #tpu.memory_space<hbm>>
    %dma_start3A_270 = arith.constant 0 : i32
    %dma_start3A_271 = tpu.memref_slice %arg11[%dma_start3A_270] : memref<6400xf32, #tpu.memory_space<vmem>> -> memref<6400xf32, #tpu.memory_space<vmem>>
    %dma_start3A_272 = tpu.memref_slice %arg4[%add3A_266] : memref<1000064xf32, #tpu.memory_space<hbm>> -> memref<6400xf32, #tpu.memory_space<hbm>>
    tpu.enqueue_dma source(%dma_start3A_272 : memref<6400xf32, #tpu.memory_space<hbm>>) target(%dma_start3A_271 : memref<6400xf32, #tpu.memory_space<vmem>>) target_semaphore(%arg21 : memref<!tpu.dma_semaphore, #tpu.memory_space<semaphore_mem>>)
    %dma_wait3A_273 = arith.constant 0 : i32
    %dma_wait3A_274 = tpu.memref_slice %arg12[%dma_wait3A_273] : memref<6400xf32, #tpu.memory_space<vmem>> -> memref<6400xf32, #tpu.memory_space<vmem>>
    %dma_wait3A_275 = tpu.memref_slice %arg4[%add3A_234] : memref<1000064xf32, #tpu.memory_space<hbm>> -> memref<6400xf32, #tpu.memory_space<hbm>>
    %dma_wait3A_276 = arith.constant 0 : i32
    %dma_wait3A_277 = tpu.memref_slice %arg12[%dma_wait3A_276] : memref<6400xf32, #tpu.memory_space<vmem>> -> memref<6400xf32, #tpu.memory_space<vmem>>
    %dma_wait3A_278 = tpu.memref_slice %arg4[%add3A_234] : memref<1000064xf32, #tpu.memory_space<hbm>> -> memref<6400xf32, #tpu.memory_space<hbm>>
    tpu.wait_dma2 semaphore(%arg22 : memref<!tpu.dma_semaphore, #tpu.memory_space<semaphore_mem>>) src(%dma_wait3A_278 : memref<6400xf32, #tpu.memory_space<hbm>>) dst(%dma_wait3A_277 : memref<6400xf32, #tpu.memory_space<vmem>>)
    %mul3A_279 = arith.constant 62504 : i32
    %mul3A_280 = arith.muli %arg1, %mul3A_279 : i32
    %add3A_281 = arith.constant 44800 : i32
    %add3A_282 = arith.addi %mul3A_280, %add3A_281 : i32
    %dma_start3A_283 = arith.constant 0 : i32
    %dma_start3A_284 = tpu.memref_slice %arg12[%dma_start3A_283] : memref<6400xf32, #tpu.memory_space<vmem>> -> memref<6400xf32, #tpu.memory_space<vmem>>
    %dma_start3A_285 = tpu.memref_slice %arg16[%add3A_282] : memref<1000064xf32, #tpu.memory_space<vmem_shared>> -> memref<6400xf32, #tpu.memory_space<vmem_shared>>
    %dma_start3A_286 = tpu.memref_slice %arg16[%add3A_282] : memref<1000064xf32, #tpu.memory_space<vmem_shared>> -> memref<6400xf32, #tpu.memory_space<vmem_shared>>
    %dma_start3A_287 = arith.constant 0 : i32
    %dma_start3A_288 = tpu.memref_slice %arg12[%dma_start3A_287] : memref<6400xf32, #tpu.memory_space<vmem>> -> memref<6400xf32, #tpu.memory_space<vmem>>
    tpu.enqueue_dma source(%dma_start3A_288 : memref<6400xf32, #tpu.memory_space<vmem>>) target(%dma_start3A_286 : memref<6400xf32, #tpu.memory_space<vmem_shared>>) target_semaphore(%arg23 : memref<!tpu.dma_semaphore, #tpu.memory_space<semaphore_mem>>)
    %dma_wait3A_289 = arith.constant 0 : i32
    %dma_wait3A_290 = tpu.memref_slice %arg12[%dma_wait3A_289] : memref<6400xf32, #tpu.memory_space<vmem>> -> memref<6400xf32, #tpu.memory_space<vmem>>
    %dma_wait3A_291 = tpu.memref_slice %arg16[%add3A_282] : memref<1000064xf32, #tpu.memory_space<vmem_shared>> -> memref<6400xf32, #tpu.memory_space<vmem_shared>>
    %dma_wait3A_292 = tpu.memref_slice %arg16[%add3A_282] : memref<1000064xf32, #tpu.memory_space<vmem_shared>> -> memref<6400xf32, #tpu.memory_space<vmem_shared>>
    %dma_wait3A_293 = arith.constant 0 : i32
    %dma_wait3A_294 = tpu.memref_slice %arg12[%dma_wait3A_293] : memref<6400xf32, #tpu.memory_space<vmem>> -> memref<6400xf32, #tpu.memory_space<vmem>>
    tpu.wait_dma2 semaphore(%arg23 : memref<!tpu.dma_semaphore, #tpu.memory_space<semaphore_mem>>) src(%dma_wait3A_294 : memref<6400xf32, #tpu.memory_space<vmem>>) dst(%dma_wait3A_292 : memref<6400xf32, #tpu.memory_space<vmem_shared>>)
    %mul3A_295 = arith.constant 62504 : i32
    %mul3A_296 = arith.muli %arg1, %mul3A_295 : i32
    %add3A_297 = arith.constant 57600 : i32
    %add3A_298 = arith.addi %mul3A_296, %add3A_297 : i32
    %dma_start3A_299 = arith.constant 0 : i32
    %dma_start3A_300 = tpu.memref_slice %arg12[%dma_start3A_299] : memref<6400xf32, #tpu.memory_space<vmem>> -> memref<4904xf32, #tpu.memory_space<vmem>>
    %dma_start3A_301 = tpu.memref_slice %arg4[%add3A_298] : memref<1000064xf32, #tpu.memory_space<hbm>> -> memref<4904xf32, #tpu.memory_space<hbm>>
    %dma_start3A_302 = arith.constant 0 : i32
    %dma_start3A_303 = tpu.memref_slice %arg12[%dma_start3A_302] : memref<6400xf32, #tpu.memory_space<vmem>> -> memref<4904xf32, #tpu.memory_space<vmem>>
    %dma_start3A_304 = tpu.memref_slice %arg4[%add3A_298] : memref<1000064xf32, #tpu.memory_space<hbm>> -> memref<4904xf32, #tpu.memory_space<hbm>>
    tpu.enqueue_dma source(%dma_start3A_304 : memref<4904xf32, #tpu.memory_space<hbm>>) target(%dma_start3A_303 : memref<4904xf32, #tpu.memory_space<vmem>>) target_semaphore(%arg22 : memref<!tpu.dma_semaphore, #tpu.memory_space<semaphore_mem>>)
    %dma_wait3A_305 = arith.constant 0 : i32
    %dma_wait3A_306 = tpu.memref_slice %arg11[%dma_wait3A_305] : memref<6400xf32, #tpu.memory_space<vmem>> -> memref<6400xf32, #tpu.memory_space<vmem>>
    %dma_wait3A_307 = tpu.memref_slice %arg4[%add3A_266] : memref<1000064xf32, #tpu.memory_space<hbm>> -> memref<6400xf32, #tpu.memory_space<hbm>>
    %dma_wait3A_308 = arith.constant 0 : i32
    %dma_wait3A_309 = tpu.memref_slice %arg11[%dma_wait3A_308] : memref<6400xf32, #tpu.memory_space<vmem>> -> memref<6400xf32, #tpu.memory_space<vmem>>
    %dma_wait3A_310 = tpu.memref_slice %arg4[%add3A_266] : memref<1000064xf32, #tpu.memory_space<hbm>> -> memref<6400xf32, #tpu.memory_space<hbm>>
    tpu.wait_dma2 semaphore(%arg21 : memref<!tpu.dma_semaphore, #tpu.memory_space<semaphore_mem>>) src(%dma_wait3A_310 : memref<6400xf32, #tpu.memory_space<hbm>>) dst(%dma_wait3A_309 : memref<6400xf32, #tpu.memory_space<vmem>>)
    %mul3A_311 = arith.constant 62504 : i32
    %mul3A_312 = arith.muli %arg1, %mul3A_311 : i32
    %add3A_313 = arith.constant 51200 : i32
    %add3A_314 = arith.addi %mul3A_312, %add3A_313 : i32
    %dma_start3A_315 = arith.constant 0 : i32
    %dma_start3A_316 = tpu.memref_slice %arg11[%dma_start3A_315] : memref<6400xf32, #tpu.memory_space<vmem>> -> memref<6400xf32, #tpu.memory_space<vmem>>
    %dma_start3A_317 = tpu.memref_slice %arg16[%add3A_314] : memref<1000064xf32, #tpu.memory_space<vmem_shared>> -> memref<6400xf32, #tpu.memory_space<vmem_shared>>
    %dma_start3A_318 = tpu.memref_slice %arg16[%add3A_314] : memref<1000064xf32, #tpu.memory_space<vmem_shared>> -> memref<6400xf32, #tpu.memory_space<vmem_shared>>
    %dma_start3A_319 = arith.constant 0 : i32
    %dma_start3A_320 = tpu.memref_slice %arg11[%dma_start3A_319] : memref<6400xf32, #tpu.memory_space<vmem>> -> memref<6400xf32, #tpu.memory_space<vmem>>
    tpu.enqueue_dma source(%dma_start3A_320 : memref<6400xf32, #tpu.memory_space<vmem>>) target(%dma_start3A_318 : memref<6400xf32, #tpu.memory_space<vmem_shared>>) target_semaphore(%arg23 : memref<!tpu.dma_semaphore, #tpu.memory_space<semaphore_mem>>)
    %dma_wait3A_321 = arith.constant 0 : i32
    %dma_wait3A_322 = tpu.memref_slice %arg11[%dma_wait3A_321] : memref<6400xf32, #tpu.memory_space<vmem>> -> memref<6400xf32, #tpu.memory_space<vmem>>
    %dma_wait3A_323 = tpu.memref_slice %arg16[%add3A_314] : memref<1000064xf32, #tpu.memory_space<vmem_shared>> -> memref<6400xf32, #tpu.memory_space<vmem_shared>>
    %dma_wait3A_324 = tpu.memref_slice %arg16[%add3A_314] : memref<1000064xf32, #tpu.memory_space<vmem_shared>> -> memref<6400xf32, #tpu.memory_space<vmem_shared>>
    %dma_wait3A_325 = arith.constant 0 : i32
    %dma_wait3A_326 = tpu.memref_slice %arg11[%dma_wait3A_325] : memref<6400xf32, #tpu.memory_space<vmem>> -> memref<6400xf32, #tpu.memory_space<vmem>>
    tpu.wait_dma2 semaphore(%arg23 : memref<!tpu.dma_semaphore, #tpu.memory_space<semaphore_mem>>) src(%dma_wait3A_326 : memref<6400xf32, #tpu.memory_space<vmem>>) dst(%dma_wait3A_324 : memref<6400xf32, #tpu.memory_space<vmem_shared>>)
    %dma_wait3A_327 = arith.constant 0 : i32
    %dma_wait3A_328 = tpu.memref_slice %arg12[%dma_wait3A_327] : memref<6400xf32, #tpu.memory_space<vmem>> -> memref<4904xf32, #tpu.memory_space<vmem>>
    %dma_wait3A_329 = tpu.memref_slice %arg4[%add3A_298] : memref<1000064xf32, #tpu.memory_space<hbm>> -> memref<4904xf32, #tpu.memory_space<hbm>>
    %dma_wait3A_330 = arith.constant 0 : i32
    %dma_wait3A_331 = tpu.memref_slice %arg12[%dma_wait3A_330] : memref<6400xf32, #tpu.memory_space<vmem>> -> memref<4904xf32, #tpu.memory_space<vmem>>
    %dma_wait3A_332 = tpu.memref_slice %arg4[%add3A_298] : memref<1000064xf32, #tpu.memory_space<hbm>> -> memref<4904xf32, #tpu.memory_space<hbm>>
    tpu.wait_dma2 semaphore(%arg22 : memref<!tpu.dma_semaphore, #tpu.memory_space<semaphore_mem>>) src(%dma_wait3A_332 : memref<4904xf32, #tpu.memory_space<hbm>>) dst(%dma_wait3A_331 : memref<4904xf32, #tpu.memory_space<vmem>>)
    %mul3A_333 = arith.constant 62504 : i32
    %mul3A_334 = arith.muli %arg1, %mul3A_333 : i32
    %add3A_335 = arith.constant 57600 : i32
    %add3A_336 = arith.addi %mul3A_334, %add3A_335 : i32
    %dma_start3A_337 = arith.constant 0 : i32
    %dma_start3A_338 = tpu.memref_slice %arg12[%dma_start3A_337] : memref<6400xf32, #tpu.memory_space<vmem>> -> memref<4904xf32, #tpu.memory_space<vmem>>
    %dma_start3A_339 = tpu.memref_slice %arg16[%add3A_336] : memref<1000064xf32, #tpu.memory_space<vmem_shared>> -> memref<4904xf32, #tpu.memory_space<vmem_shared>>
    %dma_start3A_340 = tpu.memref_slice %arg16[%add3A_336] : memref<1000064xf32, #tpu.memory_space<vmem_shared>> -> memref<4904xf32, #tpu.memory_space<vmem_shared>>
    %dma_start3A_341 = arith.constant 0 : i32
    %dma_start3A_342 = tpu.memref_slice %arg12[%dma_start3A_341] : memref<6400xf32, #tpu.memory_space<vmem>> -> memref<4904xf32, #tpu.memory_space<vmem>>
    tpu.enqueue_dma source(%dma_start3A_342 : memref<4904xf32, #tpu.memory_space<vmem>>) target(%dma_start3A_340 : memref<4904xf32, #tpu.memory_space<vmem_shared>>) target_semaphore(%arg23 : memref<!tpu.dma_semaphore, #tpu.memory_space<semaphore_mem>>)
    %dma_wait3A_343 = arith.constant 0 : i32
    %dma_wait3A_344 = tpu.memref_slice %arg12[%dma_wait3A_343] : memref<6400xf32, #tpu.memory_space<vmem>> -> memref<4904xf32, #tpu.memory_space<vmem>>
    %dma_wait3A_345 = tpu.memref_slice %arg16[%add3A_336] : memref<1000064xf32, #tpu.memory_space<vmem_shared>> -> memref<4904xf32, #tpu.memory_space<vmem_shared>>
    %dma_wait3A_346 = tpu.memref_slice %arg16[%add3A_336] : memref<1000064xf32, #tpu.memory_space<vmem_shared>> -> memref<4904xf32, #tpu.memory_space<vmem_shared>>
    %dma_wait3A_347 = arith.constant 0 : i32
    %dma_wait3A_348 = tpu.memref_slice %arg12[%dma_wait3A_347] : memref<6400xf32, #tpu.memory_space<vmem>> -> memref<4904xf32, #tpu.memory_space<vmem>>
    tpu.wait_dma2 semaphore(%arg23 : memref<!tpu.dma_semaphore, #tpu.memory_space<semaphore_mem>>) src(%dma_wait3A_348 : memref<4904xf32, #tpu.memory_space<vmem>>) dst(%dma_wait3A_346 : memref<4904xf32, #tpu.memory_space<vmem_shared>>)
    %barrier3A = arith.constant 0 : index
    tpu.barrier barrier_id(%barrier3A)
    %barrier3A_349 = arith.constant 0 : index
    tpu.barrier barrier_id(%barrier3A_349)
    %dma_wait3A_350 = tpu.memref_slice %arg2[%mul3A_22] : memref<3276800xi32, #tpu.memory_space<hbm>> -> memref<12800xi32, #tpu.memory_space<hbm>>
    %dma_wait3A_351 = tpu.memref_slice %arg2[%mul3A_22] : memref<3276800xi32, #tpu.memory_space<hbm>> -> memref<12800xi32, #tpu.memory_space<hbm>>
    tpu.wait_dma2 semaphore(%arg17 : memref<!tpu.dma_semaphore, #tpu.memory_space<semaphore_mem>>) src(%dma_wait3A_351 : memref<12800xi32, #tpu.memory_space<hbm>>) dst(%arg7 : memref<12800xi32, #tpu.memory_space<vmem>>)
    %dma_start3A_352 = arith.constant 0 : i32
    %dma_start3A_353 = tpu.memref_slice %arg16[%dma_start3A_352] : memref<1000064xf32, #tpu.memory_space<vmem_shared>> -> memref<1000064xf32, #tpu.memory_space<vmem_shared>>
    tpu.enqueue_indirect_dma source(%dma_start3A_353 : memref<1000064xf32, #tpu.memory_space<vmem_shared>>) target(%arg9 : memref<12800xf32, #tpu.memory_space<vmem>>) offsets(%arg7 : memref<12800xi32, #tpu.memory_space<vmem>>) semaphore(%arg19 : memref<!tpu.dma_semaphore, #tpu.memory_space<semaphore_mem>>)
    %dma_wait3A_354 = arith.constant 0 : i32
    %dma_wait3A_355 = tpu.memref_slice %arg16[%dma_wait3A_354] : memref<1000064xf32, #tpu.memory_space<vmem_shared>> -> memref<1000064xf32, #tpu.memory_space<vmem_shared>>
    tpu.wait_indirect_dma semaphore(%arg19 : memref<!tpu.dma_semaphore, #tpu.memory_space<semaphore_mem>>) src(%dma_wait3A_355 : memref<1000064xf32, #tpu.memory_space<vmem_shared>>) dst(%arg9 : memref<12800xf32, #tpu.memory_space<vmem>>)
    %dma_wait3A_356 = tpu.memref_slice %arg2[%mul3A_27] : memref<3276800xi32, #tpu.memory_space<hbm>> -> memref<12800xi32, #tpu.memory_space<hbm>>
    %dma_wait3A_357 = tpu.memref_slice %arg2[%mul3A_27] : memref<3276800xi32, #tpu.memory_space<hbm>> -> memref<12800xi32, #tpu.memory_space<hbm>>
    tpu.wait_dma2 semaphore(%arg18 : memref<!tpu.dma_semaphore, #tpu.memory_space<semaphore_mem>>) src(%dma_wait3A_357 : memref<12800xi32, #tpu.memory_space<hbm>>) dst(%arg8 : memref<12800xi32, #tpu.memory_space<vmem>>)
    %dma_start3A_358 = arith.constant 0 : i32
    %dma_start3A_359 = tpu.memref_slice %arg16[%dma_start3A_358] : memref<1000064xf32, #tpu.memory_space<vmem_shared>> -> memref<1000064xf32, #tpu.memory_space<vmem_shared>>
    tpu.enqueue_indirect_dma source(%dma_start3A_359 : memref<1000064xf32, #tpu.memory_space<vmem_shared>>) target(%arg10 : memref<12800xf32, #tpu.memory_space<vmem>>) offsets(%arg8 : memref<12800xi32, #tpu.memory_space<vmem>>) semaphore(%arg20 : memref<!tpu.dma_semaphore, #tpu.memory_space<semaphore_mem>>)
    %add3A_360 = arith.constant 128 : i32
    %add3A_361 = arith.addi %mul3A_2, %add3A_360 : i32
    %mul3A_362 = arith.constant 200 : i32
    %mul3A_363 = arith.muli %add3A_361, %mul3A_362 : i32
    %dma_start3A_364 = tpu.memref_slice %arg2[%mul3A_363] : memref<3276800xi32, #tpu.memory_space<hbm>> -> memref<12800xi32, #tpu.memory_space<hbm>>
    %dma_start3A_365 = tpu.memref_slice %arg2[%mul3A_363] : memref<3276800xi32, #tpu.memory_space<hbm>> -> memref<12800xi32, #tpu.memory_space<hbm>>
    tpu.enqueue_dma source(%dma_start3A_365 : memref<12800xi32, #tpu.memory_space<hbm>>) target(%arg7 : memref<12800xi32, #tpu.memory_space<vmem>>) target_semaphore(%arg17 : memref<!tpu.dma_semaphore, #tpu.memory_space<semaphore_mem>>)
    %scan3A = arith.constant 0 : i32
    %scan3A_366 = arith.constant 200 : i32
    %scan3A_367 = arith.addi %scan3A, %scan3A_366 : i32
    %scan3A_368 = arith.constant 8 : i32
    %scan3A_369:4 = scf.for %scan3A_550 = %scan3A to %scan3A_367 step %scan3A_368 iter_args(%scan3A_551 = %broadcast_in_dim3A_18, %scan3A_552 = %broadcast_in_dim3A_18, %scan3A_553 = %broadcast_in_dim3A_18, %scan3A_554 = %broadcast_in_dim3A_18) -> (vector<16xf32>, vector<16xf32>, vector<16xf32>, vector<16xf32>)  : i32 {
      %add3A_555 = vector.broadcast %scan3A_550 : i32 to vector<16xi32>
      %add3A_556 = arith.addi %add3A_8, %add3A_555 : vector<16xi32>
      %gather3A = tpu.vector_load_idx %arg9[%add3A_556] : memref<12800xf32, #tpu.memory_space<vmem>>[vector<16xi32>], vector<16xf32>,
      %add3A_557 = arith.addf %scan3A_551, %gather3A : vector<16xf32>
      %add3A_558 = vector.broadcast %scan3A_550 : i32 to vector<16xi32>
      %add3A_559 = arith.addi %add3A_11, %add3A_558 : vector<16xi32>
      %gather3A_560 = tpu.vector_load_idx %arg9[%add3A_559] : memref<12800xf32, #tpu.memory_space<vmem>>[vector<16xi32>], vector<16xf32>,
      %add3A_561 = arith.addf %scan3A_552, %gather3A_560 : vector<16xf32>
      %add3A_562 = vector.broadcast %scan3A_550 : i32 to vector<16xi32>
      %add3A_563 = arith.addi %add3A_14, %add3A_562 : vector<16xi32>
      %gather3A_564 = tpu.vector_load_idx %arg9[%add3A_563] : memref<12800xf32, #tpu.memory_space<vmem>>[vector<16xi32>], vector<16xf32>,
      %add3A_565 = arith.addf %scan3A_553, %gather3A_564 : vector<16xf32>
      %add3A_566 = vector.broadcast %scan3A_550 : i32 to vector<16xi32>
      %add3A_567 = arith.addi %add3A_17, %add3A_566 : vector<16xi32>
      %gather3A_568 = tpu.vector_load_idx %arg9[%add3A_567] : memref<12800xf32, #tpu.memory_space<vmem>>[vector<16xi32>], vector<16xf32>,
      %add3A_569 = arith.addf %scan3A_554, %gather3A_568 : vector<16xf32>
      %scan3A_570 = arith.constant 1 : i32
      %scan3A_571 = arith.addi %scan3A_550, %scan3A_570 : i32
      %add3A_572 = vector.broadcast %scan3A_571 : i32 to vector<16xi32>
      %add3A_573 = arith.addi %add3A_8, %add3A_572 : vector<16xi32>
      %gather3A_574 = tpu.vector_load_idx %arg9[%add3A_573] : memref<12800xf32, #tpu.memory_space<vmem>>[vector<16xi32>], vector<16xf32>,
      %add3A_575 = arith.addf %add3A_557, %gather3A_574 : vector<16xf32>
      %add3A_576 = vector.broadcast %scan3A_571 : i32 to vector<16xi32>
      %add3A_577 = arith.addi %add3A_11, %add3A_576 : vector<16xi32>
      %gather3A_578 = tpu.vector_load_idx %arg9[%add3A_577] : memref<12800xf32, #tpu.memory_space<vmem>>[vector<16xi32>], vector<16xf32>,
      %add3A_579 = arith.addf %add3A_561, %gather3A_578 : vector<16xf32>
      %add3A_580 = vector.broadcast %scan3A_571 : i32 to vector<16xi32>
      %add3A_581 = arith.addi %add3A_14, %add3A_580 : vector<16xi32>
      %gather3A_582 = tpu.vector_load_idx %arg9[%add3A_581] : memref<12800xf32, #tpu.memory_space<vmem>>[vector<16xi32>], vector<16xf32>,
      %add3A_583 = arith.addf %add3A_565, %gather3A_582 : vector<16xf32>
      %add3A_584 = vector.broadcast %scan3A_571 : i32 to vector<16xi32>
      %add3A_585 = arith.addi %add3A_17, %add3A_584 : vector<16xi32>
      %gather3A_586 = tpu.vector_load_idx %arg9[%add3A_585] : memref<12800xf32, #tpu.memory_space<vmem>>[vector<16xi32>], vector<16xf32>,
      %add3A_587 = arith.addf %add3A_569, %gather3A_586 : vector<16xf32>
      %scan3A_588 = arith.constant 2 : i32
      %scan3A_589 = arith.addi %scan3A_550, %scan3A_588 : i32
      %add3A_590 = vector.broadcast %scan3A_589 : i32 to vector<16xi32>
      %add3A_591 = arith.addi %add3A_8, %add3A_590 : vector<16xi32>
      %gather3A_592 = tpu.vector_load_idx %arg9[%add3A_591] : memref<12800xf32, #tpu.memory_space<vmem>>[vector<16xi32>], vector<16xf32>,
      %add3A_593 = arith.addf %add3A_575, %gather3A_592 : vector<16xf32>
      %add3A_594 = vector.broadcast %scan3A_589 : i32 to vector<16xi32>
      %add3A_595 = arith.addi %add3A_11, %add3A_594 : vector<16xi32>
      %gather3A_596 = tpu.vector_load_idx %arg9[%add3A_595] : memref<12800xf32, #tpu.memory_space<vmem>>[vector<16xi32>], vector<16xf32>,
      %add3A_597 = arith.addf %add3A_579, %gather3A_596 : vector<16xf32>
      %add3A_598 = vector.broadcast %scan3A_589 : i32 to vector<16xi32>
      %add3A_599 = arith.addi %add3A_14, %add3A_598 : vector<16xi32>
      %gather3A_600 = tpu.vector_load_idx %arg9[%add3A_599] : memref<12800xf32, #tpu.memory_space<vmem>>[vector<16xi32>], vector<16xf32>,
      %add3A_601 = arith.addf %add3A_583, %gather3A_600 : vector<16xf32>
      %add3A_602 = vector.broadcast %scan3A_589 : i32 to vector<16xi32>
      %add3A_603 = arith.addi %add3A_17, %add3A_602 : vector<16xi32>
      %gather3A_604 = tpu.vector_load_idx %arg9[%add3A_603] : memref<12800xf32, #tpu.memory_space<vmem>>[vector<16xi32>], vector<16xf32>,
      %add3A_605 = arith.addf %add3A_587, %gather3A_604 : vector<16xf32>
      %scan3A_606 = arith.constant 3 : i32
      %scan3A_607 = arith.addi %scan3A_550, %scan3A_606 : i32
      %add3A_608 = vector.broadcast %scan3A_607 : i32 to vector<16xi32>
      %add3A_609 = arith.addi %add3A_8, %add3A_608 : vector<16xi32>
      %gather3A_610 = tpu.vector_load_idx %arg9[%add3A_609] : memref<12800xf32, #tpu.memory_space<vmem>>[vector<16xi32>], vector<16xf32>,
      %add3A_611 = arith.addf %add3A_593, %gather3A_610 : vector<16xf32>
      %add3A_612 = vector.broadcast %scan3A_607 : i32 to vector<16xi32>
      %add3A_613 = arith.addi %add3A_11, %add3A_612 : vector<16xi32>
      %gather3A_614 = tpu.vector_load_idx %arg9[%add3A_613] : memref<12800xf32, #tpu.memory_space<vmem>>[vector<16xi32>], vector<16xf32>,
      %add3A_615 = arith.addf %add3A_597, %gather3A_614 : vector<16xf32>
      %add3A_616 = vector.broadcast %scan3A_607 : i32 to vector<16xi32>
      %add3A_617 = arith.addi %add3A_14, %add3A_616 : vector<16xi32>
      %gather3A_618 = tpu.vector_load_idx %arg9[%add3A_617] : memref<12800xf32, #tpu.memory_space<vmem>>[vector<16xi32>], vector<16xf32>,
      %add3A_619 = arith.addf %add3A_601, %gather3A_618 : vector<16xf32>
      %add3A_620 = vector.broadcast %scan3A_607 : i32 to vector<16xi32>
      %add3A_621 = arith.addi %add3A_17, %add3A_620 : vector<16xi32>
      %gather3A_622 = tpu.vector_load_idx %arg9[%add3A_621] : memref<12800xf32, #tpu.memory_space<vmem>>[vector<16xi32>], vector<16xf32>,
      %add3A_623 = arith.addf %add3A_605, %gather3A_622 : vector<16xf32>
      %scan3A_624 = arith.constant 4 : i32
      %scan3A_625 = arith.addi %scan3A_550, %scan3A_624 : i32
      %add3A_626 = vector.broadcast %scan3A_625 : i32 to vector<16xi32>
      %add3A_627 = arith.addi %add3A_8, %add3A_626 : vector<16xi32>
      %gather3A_628 = tpu.vector_load_idx %arg9[%add3A_627] : memref<12800xf32, #tpu.memory_space<vmem>>[vector<16xi32>], vector<16xf32>,
      %add3A_629 = arith.addf %add3A_611, %gather3A_628 : vector<16xf32>
      %add3A_630 = vector.broadcast %scan3A_625 : i32 to vector<16xi32>
      %add3A_631 = arith.addi %add3A_11, %add3A_630 : vector<16xi32>
      %gather3A_632 = tpu.vector_load_idx %arg9[%add3A_631] : memref<12800xf32, #tpu.memory_space<vmem>>[vector<16xi32>], vector<16xf32>,
      %add3A_633 = arith.addf %add3A_615, %gather3A_632 : vector<16xf32>
      %add3A_634 = vector.broadcast %scan3A_625 : i32 to vector<16xi32>
      %add3A_635 = arith.addi %add3A_14, %add3A_634 : vector<16xi32>
      %gather3A_636 = tpu.vector_load_idx %arg9[%add3A_635] : memref<12800xf32, #tpu.memory_space<vmem>>[vector<16xi32>], vector<16xf32>,
      %add3A_637 = arith.addf %add3A_619, %gather3A_636 : vector<16xf32>
      %add3A_638 = vector.broadcast %scan3A_625 : i32 to vector<16xi32>
      %add3A_639 = arith.addi %add3A_17, %add3A_638 : vector<16xi32>
      %gather3A_640 = tpu.vector_load_idx %arg9[%add3A_639] : memref<12800xf32, #tpu.memory_space<vmem>>[vector<16xi32>], vector<16xf32>,
      %add3A_641 = arith.addf %add3A_623, %gather3A_640 : vector<16xf32>
      %scan3A_642 = arith.constant 5 : i32
      %scan3A_643 = arith.addi %scan3A_550, %scan3A_642 : i32
      %add3A_644 = vector.broadcast %scan3A_643 : i32 to vector<16xi32>
      %add3A_645 = arith.addi %add3A_8, %add3A_644 : vector<16xi32>
      %gather3A_646 = tpu.vector_load_idx %arg9[%add3A_645] : memref<12800xf32, #tpu.memory_space<vmem>>[vector<16xi32>], vector<16xf32>,
      %add3A_647 = arith.addf %add3A_629, %gather3A_646 : vector<16xf32>
      %add3A_648 = vector.broadcast %scan3A_643 : i32 to vector<16xi32>
      %add3A_649 = arith.addi %add3A_11, %add3A_648 : vector<16xi32>
      %gather3A_650 = tpu.vector_load_idx %arg9[%add3A_649] : memref<12800xf32, #tpu.memory_space<vmem>>[vector<16xi32>], vector<16xf32>,
      %add3A_651 = arith.addf %add3A_633, %gather3A_650 : vector<16xf32>
      %add3A_652 = vector.broadcast %scan3A_643 : i32 to vector<16xi32>
      %add3A_653 = arith.addi %add3A_14, %add3A_652 : vector<16xi32>
      %gather3A_654 = tpu.vector_load_idx %arg9[%add3A_653] : memref<12800xf32, #tpu.memory_space<vmem>>[vector<16xi32>], vector<16xf32>,
      %add3A_655 = arith.addf %add3A_637, %gather3A_654 : vector<16xf32>
      %add3A_656 = vector.broadcast %scan3A_643 : i32 to vector<16xi32>
      %add3A_657 = arith.addi %add3A_17, %add3A_656 : vector<16xi32>
      %gather3A_658 = tpu.vector_load_idx %arg9[%add3A_657] : memref<12800xf32, #tpu.memory_space<vmem>>[vector<16xi32>], vector<16xf32>,
      %add3A_659 = arith.addf %add3A_641, %gather3A_658 : vector<16xf32>
      %scan3A_660 = arith.constant 6 : i32
      %scan3A_661 = arith.addi %scan3A_550, %scan3A_660 : i32
      %add3A_662 = vector.broadcast %scan3A_661 : i32 to vector<16xi32>
      %add3A_663 = arith.addi %add3A_8, %add3A_662 : vector<16xi32>
      %gather3A_664 = tpu.vector_load_idx %arg9[%add3A_663] : memref<12800xf32, #tpu.memory_space<vmem>>[vector<16xi32>], vector<16xf32>,
      %add3A_665 = arith.addf %add3A_647, %gather3A_664 : vector<16xf32>
      %add3A_666 = vector.broadcast %scan3A_661 : i32 to vector<16xi32>
      %add3A_667 = arith.addi %add3A_11, %add3A_666 : vector<16xi32>
      %gather3A_668 = tpu.vector_load_idx %arg9[%add3A_667] : memref<12800xf32, #tpu.memory_space<vmem>>[vector<16xi32>], vector<16xf32>,
      %add3A_669 = arith.addf %add3A_651, %gather3A_668 : vector<16xf32>
      %add3A_670 = vector.broadcast %scan3A_661 : i32 to vector<16xi32>
      %add3A_671 = arith.addi %add3A_14, %add3A_670 : vector<16xi32>
      %gather3A_672 = tpu.vector_load_idx %arg9[%add3A_671] : memref<12800xf32, #tpu.memory_space<vmem>>[vector<16xi32>], vector<16xf32>,
      %add3A_673 = arith.addf %add3A_655, %gather3A_672 : vector<16xf32>
      %add3A_674 = vector.broadcast %scan3A_661 : i32 to vector<16xi32>
      %add3A_675 = arith.addi %add3A_17, %add3A_674 : vector<16xi32>
      %gather3A_676 = tpu.vector_load_idx %arg9[%add3A_675] : memref<12800xf32, #tpu.memory_space<vmem>>[vector<16xi32>], vector<16xf32>,
      %add3A_677 = arith.addf %add3A_659, %gather3A_676 : vector<16xf32>
      %scan3A_678 = arith.constant 7 : i32
      %scan3A_679 = arith.addi %scan3A_550, %scan3A_678 : i32
      %add3A_680 = vector.broadcast %scan3A_679 : i32 to vector<16xi32>
      %add3A_681 = arith.addi %add3A_8, %add3A_680 : vector<16xi32>
      %gather3A_682 = tpu.vector_load_idx %arg9[%add3A_681] : memref<12800xf32, #tpu.memory_space<vmem>>[vector<16xi32>], vector<16xf32>,
      %add3A_683 = arith.addf %add3A_665, %gather3A_682 : vector<16xf32>
      %add3A_684 = vector.broadcast %scan3A_679 : i32 to vector<16xi32>
      %add3A_685 = arith.addi %add3A_11, %add3A_684 : vector<16xi32>
      %gather3A_686 = tpu.vector_load_idx %arg9[%add3A_685] : memref<12800xf32, #tpu.memory_space<vmem>>[vector<16xi32>], vector<16xf32>,
      %add3A_687 = arith.addf %add3A_669, %gather3A_686 : vector<16xf32>
      %add3A_688 = vector.broadcast %scan3A_679 : i32 to vector<16xi32>
      %add3A_689 = arith.addi %add3A_14, %add3A_688 : vector<16xi32>
      %gather3A_690 = tpu.vector_load_idx %arg9[%add3A_689] : memref<12800xf32, #tpu.memory_space<vmem>>[vector<16xi32>], vector<16xf32>,
      %add3A_691 = arith.addf %add3A_673, %gather3A_690 : vector<16xf32>
      %add3A_692 = vector.broadcast %scan3A_679 : i32 to vector<16xi32>
      %add3A_693 = arith.addi %add3A_17, %add3A_692 : vector<16xi32>
      %gather3A_694 = tpu.vector_load_idx %arg9[%add3A_693] : memref<12800xf32, #tpu.memory_space<vmem>>[vector<16xi32>], vector<16xf32>,
      %add3A_695 = arith.addf %add3A_677, %gather3A_694 : vector<16xf32>
      scf.yield %add3A_683, %add3A_687, %add3A_691, %add3A_695 : vector<16xf32>, vector<16xf32>, vector<16xf32>, vector<16xf32>
    }
    %scan3A_370 = arith.constant 200 : i32
    %swap3A = arith.constant 0 : index
    %swap3A_371 = tpu.vector_load %arg15[%swap3A] {strides = array<i32>} : memref<512xf32, #tpu.memory_space<vmem>>, vector<16xf32>,
    tpu.vector_store %arg15[%swap3A], %scan3A_369#0 {strides = array<i32>} : memref<512xf32, #tpu.memory_space<vmem>>, vector<16xf32>,
    %swap3A_372 = arith.constant 16 : index
    %swap3A_373 = tpu.vector_load %arg15[%swap3A_372] {strides = array<i32>} : memref<512xf32, #tpu.memory_space<vmem>>, vector<16xf32>,
    tpu.vector_store %arg15[%swap3A_372], %scan3A_369#1 {strides = array<i32>} : memref<512xf32, #tpu.memory_space<vmem>>, vector<16xf32>,
    %swap3A_374 = arith.constant 32 : index
    %swap3A_375 = tpu.vector_load %arg15[%swap3A_374] {strides = array<i32>} : memref<512xf32, #tpu.memory_space<vmem>>, vector<16xf32>,
    tpu.vector_store %arg15[%swap3A_374], %scan3A_369#2 {strides = array<i32>} : memref<512xf32, #tpu.memory_space<vmem>>, vector<16xf32>,
    %swap3A_376 = arith.constant 48 : index
    %swap3A_377 = tpu.vector_load %arg15[%swap3A_376] {strides = array<i32>} : memref<512xf32, #tpu.memory_space<vmem>>, vector<16xf32>,
    tpu.vector_store %arg15[%swap3A_376], %scan3A_369#3 {strides = array<i32>} : memref<512xf32, #tpu.memory_space<vmem>>, vector<16xf32>,
    %dma_wait3A_378 = arith.constant 0 : i32
    %dma_wait3A_379 = tpu.memref_slice %arg16[%dma_wait3A_378] : memref<1000064xf32, #tpu.memory_space<vmem_shared>> -> memref<1000064xf32, #tpu.memory_space<vmem_shared>>
    tpu.wait_indirect_dma semaphore(%arg20 : memref<!tpu.dma_semaphore, #tpu.memory_space<semaphore_mem>>) src(%dma_wait3A_379 : memref<1000064xf32, #tpu.memory_space<vmem_shared>>) dst(%arg10 : memref<12800xf32, #tpu.memory_space<vmem>>)
    %dma_wait3A_380 = tpu.memref_slice %arg2[%mul3A_363] : memref<3276800xi32, #tpu.memory_space<hbm>> -> memref<12800xi32, #tpu.memory_space<hbm>>
    %dma_wait3A_381 = tpu.memref_slice %arg2[%mul3A_363] : memref<3276800xi32, #tpu.memory_space<hbm>> -> memref<12800xi32, #tpu.memory_space<hbm>>
    tpu.wait_dma2 semaphore(%arg17 : memref<!tpu.dma_semaphore, #tpu.memory_space<semaphore_mem>>) src(%dma_wait3A_381 : memref<12800xi32, #tpu.memory_space<hbm>>) dst(%arg7 : memref<12800xi32, #tpu.memory_space<vmem>>)
    %dma_start3A_382 = arith.constant 0 : i32
    %dma_start3A_383 = tpu.memref_slice %arg16[%dma_start3A_382] : memref<1000064xf32, #tpu.memory_space<vmem_shared>> -> memref<1000064xf32, #tpu.memory_space<vmem_shared>>
    tpu.enqueue_indirect_dma source(%dma_start3A_383 : memref<1000064xf32, #tpu.memory_space<vmem_shared>>) target(%arg9 : memref<12800xf32, #tpu.memory_space<vmem>>) offsets(%arg7 : memref<12800xi32, #tpu.memory_space<vmem>>) semaphore(%arg19 : memref<!tpu.dma_semaphore, #tpu.memory_space<semaphore_mem>>)
    %add3A_384 = arith.constant 192 : i32
    %add3A_385 = arith.addi %mul3A_2, %add3A_384 : i32
    %mul3A_386 = arith.constant 200 : i32
    %mul3A_387 = arith.muli %add3A_385, %mul3A_386 : i32
    %dma_start3A_388 = tpu.memref_slice %arg2[%mul3A_387] : memref<3276800xi32, #tpu.memory_space<hbm>> -> memref<12800xi32, #tpu.memory_space<hbm>>
    %dma_start3A_389 = tpu.memref_slice %arg2[%mul3A_387] : memref<3276800xi32, #tpu.memory_space<hbm>> -> memref<12800xi32, #tpu.memory_space<hbm>>
    tpu.enqueue_dma source(%dma_start3A_389 : memref<12800xi32, #tpu.memory_space<hbm>>) target(%arg8 : memref<12800xi32, #tpu.memory_space<vmem>>) target_semaphore(%arg18 : memref<!tpu.dma_semaphore, #tpu.memory_space<semaphore_mem>>)
    %scan3A_390 = arith.constant 0 : i32
    %scan3A_391 = arith.constant 200 : i32
    %scan3A_392 = arith.addi %scan3A_390, %scan3A_391 : i32
    %scan3A_393 = arith.constant 8 : i32
    %scan3A_394:4 = scf.for %scan3A_550 = %scan3A_390 to %scan3A_392 step %scan3A_393 iter_args(%scan3A_551 = %broadcast_in_dim3A_18, %scan3A_552 = %broadcast_in_dim3A_18, %scan3A_553 = %broadcast_in_dim3A_18, %scan3A_554 = %broadcast_in_dim3A_18) -> (vector<16xf32>, vector<16xf32>, vector<16xf32>, vector<16xf32>)  : i32 {
      %add3A_555 = vector.broadcast %scan3A_550 : i32 to vector<16xi32>
      %add3A_556 = arith.addi %add3A_8, %add3A_555 : vector<16xi32>
      %gather3A = tpu.vector_load_idx %arg10[%add3A_556] : memref<12800xf32, #tpu.memory_space<vmem>>[vector<16xi32>], vector<16xf32>,
      %add3A_557 = arith.addf %scan3A_551, %gather3A : vector<16xf32>
      %add3A_558 = vector.broadcast %scan3A_550 : i32 to vector<16xi32>
      %add3A_559 = arith.addi %add3A_11, %add3A_558 : vector<16xi32>
      %gather3A_560 = tpu.vector_load_idx %arg10[%add3A_559] : memref<12800xf32, #tpu.memory_space<vmem>>[vector<16xi32>], vector<16xf32>,
      %add3A_561 = arith.addf %scan3A_552, %gather3A_560 : vector<16xf32>
      %add3A_562 = vector.broadcast %scan3A_550 : i32 to vector<16xi32>
      %add3A_563 = arith.addi %add3A_14, %add3A_562 : vector<16xi32>
      %gather3A_564 = tpu.vector_load_idx %arg10[%add3A_563] : memref<12800xf32, #tpu.memory_space<vmem>>[vector<16xi32>], vector<16xf32>,
      %add3A_565 = arith.addf %scan3A_553, %gather3A_564 : vector<16xf32>
      %add3A_566 = vector.broadcast %scan3A_550 : i32 to vector<16xi32>
      %add3A_567 = arith.addi %add3A_17, %add3A_566 : vector<16xi32>
      %gather3A_568 = tpu.vector_load_idx %arg10[%add3A_567] : memref<12800xf32, #tpu.memory_space<vmem>>[vector<16xi32>], vector<16xf32>,
      %add3A_569 = arith.addf %scan3A_554, %gather3A_568 : vector<16xf32>
      %scan3A_570 = arith.constant 1 : i32
      %scan3A_571 = arith.addi %scan3A_550, %scan3A_570 : i32
      %add3A_572 = vector.broadcast %scan3A_571 : i32 to vector<16xi32>
      %add3A_573 = arith.addi %add3A_8, %add3A_572 : vector<16xi32>
      %gather3A_574 = tpu.vector_load_idx %arg10[%add3A_573] : memref<12800xf32, #tpu.memory_space<vmem>>[vector<16xi32>], vector<16xf32>,
      %add3A_575 = arith.addf %add3A_557, %gather3A_574 : vector<16xf32>
      %add3A_576 = vector.broadcast %scan3A_571 : i32 to vector<16xi32>
      %add3A_577 = arith.addi %add3A_11, %add3A_576 : vector<16xi32>
      %gather3A_578 = tpu.vector_load_idx %arg10[%add3A_577] : memref<12800xf32, #tpu.memory_space<vmem>>[vector<16xi32>], vector<16xf32>,
      %add3A_579 = arith.addf %add3A_561, %gather3A_578 : vector<16xf32>
      %add3A_580 = vector.broadcast %scan3A_571 : i32 to vector<16xi32>
      %add3A_581 = arith.addi %add3A_14, %add3A_580 : vector<16xi32>
      %gather3A_582 = tpu.vector_load_idx %arg10[%add3A_581] : memref<12800xf32, #tpu.memory_space<vmem>>[vector<16xi32>], vector<16xf32>,
      %add3A_583 = arith.addf %add3A_565, %gather3A_582 : vector<16xf32>
      %add3A_584 = vector.broadcast %scan3A_571 : i32 to vector<16xi32>
      %add3A_585 = arith.addi %add3A_17, %add3A_584 : vector<16xi32>
      %gather3A_586 = tpu.vector_load_idx %arg10[%add3A_585] : memref<12800xf32, #tpu.memory_space<vmem>>[vector<16xi32>], vector<16xf32>,
      %add3A_587 = arith.addf %add3A_569, %gather3A_586 : vector<16xf32>
      %scan3A_588 = arith.constant 2 : i32
      %scan3A_589 = arith.addi %scan3A_550, %scan3A_588 : i32
      %add3A_590 = vector.broadcast %scan3A_589 : i32 to vector<16xi32>
      %add3A_591 = arith.addi %add3A_8, %add3A_590 : vector<16xi32>
      %gather3A_592 = tpu.vector_load_idx %arg10[%add3A_591] : memref<12800xf32, #tpu.memory_space<vmem>>[vector<16xi32>], vector<16xf32>,
      %add3A_593 = arith.addf %add3A_575, %gather3A_592 : vector<16xf32>
      %add3A_594 = vector.broadcast %scan3A_589 : i32 to vector<16xi32>
      %add3A_595 = arith.addi %add3A_11, %add3A_594 : vector<16xi32>
      %gather3A_596 = tpu.vector_load_idx %arg10[%add3A_595] : memref<12800xf32, #tpu.memory_space<vmem>>[vector<16xi32>], vector<16xf32>,
      %add3A_597 = arith.addf %add3A_579, %gather3A_596 : vector<16xf32>
      %add3A_598 = vector.broadcast %scan3A_589 : i32 to vector<16xi32>
      %add3A_599 = arith.addi %add3A_14, %add3A_598 : vector<16xi32>
      %gather3A_600 = tpu.vector_load_idx %arg10[%add3A_599] : memref<12800xf32, #tpu.memory_space<vmem>>[vector<16xi32>], vector<16xf32>,
      %add3A_601 = arith.addf %add3A_583, %gather3A_600 : vector<16xf32>
      %add3A_602 = vector.broadcast %scan3A_589 : i32 to vector<16xi32>
      %add3A_603 = arith.addi %add3A_17, %add3A_602 : vector<16xi32>
      %gather3A_604 = tpu.vector_load_idx %arg10[%add3A_603] : memref<12800xf32, #tpu.memory_space<vmem>>[vector<16xi32>], vector<16xf32>,
      %add3A_605 = arith.addf %add3A_587, %gather3A_604 : vector<16xf32>
      %scan3A_606 = arith.constant 3 : i32
      %scan3A_607 = arith.addi %scan3A_550, %scan3A_606 : i32
      %add3A_608 = vector.broadcast %scan3A_607 : i32 to vector<16xi32>
      %add3A_609 = arith.addi %add3A_8, %add3A_608 : vector<16xi32>
      %gather3A_610 = tpu.vector_load_idx %arg10[%add3A_609] : memref<12800xf32, #tpu.memory_space<vmem>>[vector<16xi32>], vector<16xf32>,
      %add3A_611 = arith.addf %add3A_593, %gather3A_610 : vector<16xf32>
      %add3A_612 = vector.broadcast %scan3A_607 : i32 to vector<16xi32>
      %add3A_613 = arith.addi %add3A_11, %add3A_612 : vector<16xi32>
      %gather3A_614 = tpu.vector_load_idx %arg10[%add3A_613] : memref<12800xf32, #tpu.memory_space<vmem>>[vector<16xi32>], vector<16xf32>,
      %add3A_615 = arith.addf %add3A_597, %gather3A_614 : vector<16xf32>
      %add3A_616 = vector.broadcast %scan3A_607 : i32 to vector<16xi32>
      %add3A_617 = arith.addi %add3A_14, %add3A_616 : vector<16xi32>
      %gather3A_618 = tpu.vector_load_idx %arg10[%add3A_617] : memref<12800xf32, #tpu.memory_space<vmem>>[vector<16xi32>], vector<16xf32>,
      %add3A_619 = arith.addf %add3A_601, %gather3A_618 : vector<16xf32>
      %add3A_620 = vector.broadcast %scan3A_607 : i32 to vector<16xi32>
      %add3A_621 = arith.addi %add3A_17, %add3A_620 : vector<16xi32>
      %gather3A_622 = tpu.vector_load_idx %arg10[%add3A_621] : memref<12800xf32, #tpu.memory_space<vmem>>[vector<16xi32>], vector<16xf32>,
      %add3A_623 = arith.addf %add3A_605, %gather3A_622 : vector<16xf32>
      %scan3A_624 = arith.constant 4 : i32
      %scan3A_625 = arith.addi %scan3A_550, %scan3A_624 : i32
      %add3A_626 = vector.broadcast %scan3A_625 : i32 to vector<16xi32>
      %add3A_627 = arith.addi %add3A_8, %add3A_626 : vector<16xi32>
      %gather3A_628 = tpu.vector_load_idx %arg10[%add3A_627] : memref<12800xf32, #tpu.memory_space<vmem>>[vector<16xi32>], vector<16xf32>,
      %add3A_629 = arith.addf %add3A_611, %gather3A_628 : vector<16xf32>
      %add3A_630 = vector.broadcast %scan3A_625 : i32 to vector<16xi32>
      %add3A_631 = arith.addi %add3A_11, %add3A_630 : vector<16xi32>
      %gather3A_632 = tpu.vector_load_idx %arg10[%add3A_631] : memref<12800xf32, #tpu.memory_space<vmem>>[vector<16xi32>], vector<16xf32>,
      %add3A_633 = arith.addf %add3A_615, %gather3A_632 : vector<16xf32>
      %add3A_634 = vector.broadcast %scan3A_625 : i32 to vector<16xi32>
      %add3A_635 = arith.addi %add3A_14, %add3A_634 : vector<16xi32>
      %gather3A_636 = tpu.vector_load_idx %arg10[%add3A_635] : memref<12800xf32, #tpu.memory_space<vmem>>[vector<16xi32>], vector<16xf32>,
      %add3A_637 = arith.addf %add3A_619, %gather3A_636 : vector<16xf32>
      %add3A_638 = vector.broadcast %scan3A_625 : i32 to vector<16xi32>
      %add3A_639 = arith.addi %add3A_17, %add3A_638 : vector<16xi32>
      %gather3A_640 = tpu.vector_load_idx %arg10[%add3A_639] : memref<12800xf32, #tpu.memory_space<vmem>>[vector<16xi32>], vector<16xf32>,
      %add3A_641 = arith.addf %add3A_623, %gather3A_640 : vector<16xf32>
      %scan3A_642 = arith.constant 5 : i32
      %scan3A_643 = arith.addi %scan3A_550, %scan3A_642 : i32
      %add3A_644 = vector.broadcast %scan3A_643 : i32 to vector<16xi32>
      %add3A_645 = arith.addi %add3A_8, %add3A_644 : vector<16xi32>
      %gather3A_646 = tpu.vector_load_idx %arg10[%add3A_645] : memref<12800xf32, #tpu.memory_space<vmem>>[vector<16xi32>], vector<16xf32>,
      %add3A_647 = arith.addf %add3A_629, %gather3A_646 : vector<16xf32>
      %add3A_648 = vector.broadcast %scan3A_643 : i32 to vector<16xi32>
      %add3A_649 = arith.addi %add3A_11, %add3A_648 : vector<16xi32>
      %gather3A_650 = tpu.vector_load_idx %arg10[%add3A_649] : memref<12800xf32, #tpu.memory_space<vmem>>[vector<16xi32>], vector<16xf32>,
      %add3A_651 = arith.addf %add3A_633, %gather3A_650 : vector<16xf32>
      %add3A_652 = vector.broadcast %scan3A_643 : i32 to vector<16xi32>
      %add3A_653 = arith.addi %add3A_14, %add3A_652 : vector<16xi32>
      %gather3A_654 = tpu.vector_load_idx %arg10[%add3A_653] : memref<12800xf32, #tpu.memory_space<vmem>>[vector<16xi32>], vector<16xf32>,
      %add3A_655 = arith.addf %add3A_637, %gather3A_654 : vector<16xf32>
      %add3A_656 = vector.broadcast %scan3A_643 : i32 to vector<16xi32>
      %add3A_657 = arith.addi %add3A_17, %add3A_656 : vector<16xi32>
      %gather3A_658 = tpu.vector_load_idx %arg10[%add3A_657] : memref<12800xf32, #tpu.memory_space<vmem>>[vector<16xi32>], vector<16xf32>,
      %add3A_659 = arith.addf %add3A_641, %gather3A_658 : vector<16xf32>
      %scan3A_660 = arith.constant 6 : i32
      %scan3A_661 = arith.addi %scan3A_550, %scan3A_660 : i32
      %add3A_662 = vector.broadcast %scan3A_661 : i32 to vector<16xi32>
      %add3A_663 = arith.addi %add3A_8, %add3A_662 : vector<16xi32>
      %gather3A_664 = tpu.vector_load_idx %arg10[%add3A_663] : memref<12800xf32, #tpu.memory_space<vmem>>[vector<16xi32>], vector<16xf32>,
      %add3A_665 = arith.addf %add3A_647, %gather3A_664 : vector<16xf32>
      %add3A_666 = vector.broadcast %scan3A_661 : i32 to vector<16xi32>
      %add3A_667 = arith.addi %add3A_11, %add3A_666 : vector<16xi32>
      %gather3A_668 = tpu.vector_load_idx %arg10[%add3A_667] : memref<12800xf32, #tpu.memory_space<vmem>>[vector<16xi32>], vector<16xf32>,
      %add3A_669 = arith.addf %add3A_651, %gather3A_668 : vector<16xf32>
      %add3A_670 = vector.broadcast %scan3A_661 : i32 to vector<16xi32>
      %add3A_671 = arith.addi %add3A_14, %add3A_670 : vector<16xi32>
      %gather3A_672 = tpu.vector_load_idx %arg10[%add3A_671] : memref<12800xf32, #tpu.memory_space<vmem>>[vector<16xi32>], vector<16xf32>,
      %add3A_673 = arith.addf %add3A_655, %gather3A_672 : vector<16xf32>
      %add3A_674 = vector.broadcast %scan3A_661 : i32 to vector<16xi32>
      %add3A_675 = arith.addi %add3A_17, %add3A_674 : vector<16xi32>
      %gather3A_676 = tpu.vector_load_idx %arg10[%add3A_675] : memref<12800xf32, #tpu.memory_space<vmem>>[vector<16xi32>], vector<16xf32>,
      %add3A_677 = arith.addf %add3A_659, %gather3A_676 : vector<16xf32>
      %scan3A_678 = arith.constant 7 : i32
      %scan3A_679 = arith.addi %scan3A_550, %scan3A_678 : i32
      %add3A_680 = vector.broadcast %scan3A_679 : i32 to vector<16xi32>
      %add3A_681 = arith.addi %add3A_8, %add3A_680 : vector<16xi32>
      %gather3A_682 = tpu.vector_load_idx %arg10[%add3A_681] : memref<12800xf32, #tpu.memory_space<vmem>>[vector<16xi32>], vector<16xf32>,
      %add3A_683 = arith.addf %add3A_665, %gather3A_682 : vector<16xf32>
      %add3A_684 = vector.broadcast %scan3A_679 : i32 to vector<16xi32>
      %add3A_685 = arith.addi %add3A_11, %add3A_684 : vector<16xi32>
      %gather3A_686 = tpu.vector_load_idx %arg10[%add3A_685] : memref<12800xf32, #tpu.memory_space<vmem>>[vector<16xi32>], vector<16xf32>,
      %add3A_687 = arith.addf %add3A_669, %gather3A_686 : vector<16xf32>
      %add3A_688 = vector.broadcast %scan3A_679 : i32 to vector<16xi32>
      %add3A_689 = arith.addi %add3A_14, %add3A_688 : vector<16xi32>
      %gather3A_690 = tpu.vector_load_idx %arg10[%add3A_689] : memref<12800xf32, #tpu.memory_space<vmem>>[vector<16xi32>], vector<16xf32>,
      %add3A_691 = arith.addf %add3A_673, %gather3A_690 : vector<16xf32>
      %add3A_692 = vector.broadcast %scan3A_679 : i32 to vector<16xi32>
      %add3A_693 = arith.addi %add3A_17, %add3A_692 : vector<16xi32>
      %gather3A_694 = tpu.vector_load_idx %arg10[%add3A_693] : memref<12800xf32, #tpu.memory_space<vmem>>[vector<16xi32>], vector<16xf32>,
      %add3A_695 = arith.addf %add3A_677, %gather3A_694 : vector<16xf32>
      scf.yield %add3A_683, %add3A_687, %add3A_691, %add3A_695 : vector<16xf32>, vector<16xf32>, vector<16xf32>, vector<16xf32>
    }
    %scan3A_395 = arith.constant 200 : i32
    %swap3A_396 = arith.constant 64 : index
    %swap3A_397 = tpu.vector_load %arg15[%swap3A_396] {strides = array<i32>} : memref<512xf32, #tpu.memory_space<vmem>>, vector<16xf32>,
    tpu.vector_store %arg15[%swap3A_396], %scan3A_394#0 {strides = array<i32>} : memref<512xf32, #tpu.memory_space<vmem>>, vector<16xf32>,
    %swap3A_398 = arith.constant 80 : index
    %swap3A_399 = tpu.vector_load %arg15[%swap3A_398] {strides = array<i32>} : memref<512xf32, #tpu.memory_space<vmem>>, vector<16xf32>,
    tpu.vector_store %arg15[%swap3A_398], %scan3A_394#1 {strides = array<i32>} : memref<512xf32, #tpu.memory_space<vmem>>, vector<16xf32>,
    %swap3A_400 = arith.constant 96 : index
    %swap3A_401 = tpu.vector_load %arg15[%swap3A_400] {strides = array<i32>} : memref<512xf32, #tpu.memory_space<vmem>>, vector<16xf32>,
    tpu.vector_store %arg15[%swap3A_400], %scan3A_394#2 {strides = array<i32>} : memref<512xf32, #tpu.memory_space<vmem>>, vector<16xf32>,
    %swap3A_402 = arith.constant 112 : index
    %swap3A_403 = tpu.vector_load %arg15[%swap3A_402] {strides = array<i32>} : memref<512xf32, #tpu.memory_space<vmem>>, vector<16xf32>,
    tpu.vector_store %arg15[%swap3A_402], %scan3A_394#3 {strides = array<i32>} : memref<512xf32, #tpu.memory_space<vmem>>, vector<16xf32>,
    %dma_wait3A_404 = arith.constant 0 : i32
    %dma_wait3A_405 = tpu.memref_slice %arg16[%dma_wait3A_404] : memref<1000064xf32, #tpu.memory_space<vmem_shared>> -> memref<1000064xf32, #tpu.memory_space<vmem_shared>>
    tpu.wait_indirect_dma semaphore(%arg19 : memref<!tpu.dma_semaphore, #tpu.memory_space<semaphore_mem>>) src(%dma_wait3A_405 : memref<1000064xf32, #tpu.memory_space<vmem_shared>>) dst(%arg9 : memref<12800xf32, #tpu.memory_space<vmem>>)
    %dma_wait3A_406 = tpu.memref_slice %arg2[%mul3A_387] : memref<3276800xi32, #tpu.memory_space<hbm>> -> memref<12800xi32, #tpu.memory_space<hbm>>
    %dma_wait3A_407 = tpu.memref_slice %arg2[%mul3A_387] : memref<3276800xi32, #tpu.memory_space<hbm>> -> memref<12800xi32, #tpu.memory_space<hbm>>
    tpu.wait_dma2 semaphore(%arg18 : memref<!tpu.dma_semaphore, #tpu.memory_space<semaphore_mem>>) src(%dma_wait3A_407 : memref<12800xi32, #tpu.memory_space<hbm>>) dst(%arg8 : memref<12800xi32, #tpu.memory_space<vmem>>)
    %dma_start3A_408 = arith.constant 0 : i32
    %dma_start3A_409 = tpu.memref_slice %arg16[%dma_start3A_408] : memref<1000064xf32, #tpu.memory_space<vmem_shared>> -> memref<1000064xf32, #tpu.memory_space<vmem_shared>>
    tpu.enqueue_indirect_dma source(%dma_start3A_409 : memref<1000064xf32, #tpu.memory_space<vmem_shared>>) target(%arg10 : memref<12800xf32, #tpu.memory_space<vmem>>) offsets(%arg8 : memref<12800xi32, #tpu.memory_space<vmem>>) semaphore(%arg20 : memref<!tpu.dma_semaphore, #tpu.memory_space<semaphore_mem>>)
    %add3A_410 = arith.constant 256 : i32
    %add3A_411 = arith.addi %mul3A_2, %add3A_410 : i32
    %mul3A_412 = arith.constant 200 : i32
    %mul3A_413 = arith.muli %add3A_411, %mul3A_412 : i32
    %dma_start3A_414 = tpu.memref_slice %arg2[%mul3A_413] : memref<3276800xi32, #tpu.memory_space<hbm>> -> memref<12800xi32, #tpu.memory_space<hbm>>
    %dma_start3A_415 = tpu.memref_slice %arg2[%mul3A_413] : memref<3276800xi32, #tpu.memory_space<hbm>> -> memref<12800xi32, #tpu.memory_space<hbm>>
    tpu.enqueue_dma source(%dma_start3A_415 : memref<12800xi32, #tpu.memory_space<hbm>>) target(%arg7 : memref<12800xi32, #tpu.memory_space<vmem>>) target_semaphore(%arg17 : memref<!tpu.dma_semaphore, #tpu.memory_space<semaphore_mem>>)
    %scan3A_416 = arith.constant 0 : i32
    %scan3A_417 = arith.constant 200 : i32
    %scan3A_418 = arith.addi %scan3A_416, %scan3A_417 : i32
    %scan3A_419 = arith.constant 8 : i32
    %scan3A_420:4 = scf.for %scan3A_550 = %scan3A_416 to %scan3A_418 step %scan3A_419 iter_args(%scan3A_551 = %broadcast_in_dim3A_18, %scan3A_552 = %broadcast_in_dim3A_18, %scan3A_553 = %broadcast_in_dim3A_18, %scan3A_554 = %broadcast_in_dim3A_18) -> (vector<16xf32>, vector<16xf32>, vector<16xf32>, vector<16xf32>)  : i32 {
      %add3A_555 = vector.broadcast %scan3A_550 : i32 to vector<16xi32>
      %add3A_556 = arith.addi %add3A_8, %add3A_555 : vector<16xi32>
      %gather3A = tpu.vector_load_idx %arg9[%add3A_556] : memref<12800xf32, #tpu.memory_space<vmem>>[vector<16xi32>], vector<16xf32>,
      %add3A_557 = arith.addf %scan3A_551, %gather3A : vector<16xf32>
      %add3A_558 = vector.broadcast %scan3A_550 : i32 to vector<16xi32>
      %add3A_559 = arith.addi %add3A_11, %add3A_558 : vector<16xi32>
      %gather3A_560 = tpu.vector_load_idx %arg9[%add3A_559] : memref<12800xf32, #tpu.memory_space<vmem>>[vector<16xi32>], vector<16xf32>,
      %add3A_561 = arith.addf %scan3A_552, %gather3A_560 : vector<16xf32>
      %add3A_562 = vector.broadcast %scan3A_550 : i32 to vector<16xi32>
      %add3A_563 = arith.addi %add3A_14, %add3A_562 : vector<16xi32>
      %gather3A_564 = tpu.vector_load_idx %arg9[%add3A_563] : memref<12800xf32, #tpu.memory_space<vmem>>[vector<16xi32>], vector<16xf32>,
      %add3A_565 = arith.addf %scan3A_553, %gather3A_564 : vector<16xf32>
      %add3A_566 = vector.broadcast %scan3A_550 : i32 to vector<16xi32>
      %add3A_567 = arith.addi %add3A_17, %add3A_566 : vector<16xi32>
      %gather3A_568 = tpu.vector_load_idx %arg9[%add3A_567] : memref<12800xf32, #tpu.memory_space<vmem>>[vector<16xi32>], vector<16xf32>,
      %add3A_569 = arith.addf %scan3A_554, %gather3A_568 : vector<16xf32>
      %scan3A_570 = arith.constant 1 : i32
      %scan3A_571 = arith.addi %scan3A_550, %scan3A_570 : i32
      %add3A_572 = vector.broadcast %scan3A_571 : i32 to vector<16xi32>
      %add3A_573 = arith.addi %add3A_8, %add3A_572 : vector<16xi32>
      %gather3A_574 = tpu.vector_load_idx %arg9[%add3A_573] : memref<12800xf32, #tpu.memory_space<vmem>>[vector<16xi32>], vector<16xf32>,
      %add3A_575 = arith.addf %add3A_557, %gather3A_574 : vector<16xf32>
      %add3A_576 = vector.broadcast %scan3A_571 : i32 to vector<16xi32>
      %add3A_577 = arith.addi %add3A_11, %add3A_576 : vector<16xi32>
      %gather3A_578 = tpu.vector_load_idx %arg9[%add3A_577] : memref<12800xf32, #tpu.memory_space<vmem>>[vector<16xi32>], vector<16xf32>,
      %add3A_579 = arith.addf %add3A_561, %gather3A_578 : vector<16xf32>
      %add3A_580 = vector.broadcast %scan3A_571 : i32 to vector<16xi32>
      %add3A_581 = arith.addi %add3A_14, %add3A_580 : vector<16xi32>
      %gather3A_582 = tpu.vector_load_idx %arg9[%add3A_581] : memref<12800xf32, #tpu.memory_space<vmem>>[vector<16xi32>], vector<16xf32>,
      %add3A_583 = arith.addf %add3A_565, %gather3A_582 : vector<16xf32>
      %add3A_584 = vector.broadcast %scan3A_571 : i32 to vector<16xi32>
      %add3A_585 = arith.addi %add3A_17, %add3A_584 : vector<16xi32>
      %gather3A_586 = tpu.vector_load_idx %arg9[%add3A_585] : memref<12800xf32, #tpu.memory_space<vmem>>[vector<16xi32>], vector<16xf32>,
      %add3A_587 = arith.addf %add3A_569, %gather3A_586 : vector<16xf32>
      %scan3A_588 = arith.constant 2 : i32
      %scan3A_589 = arith.addi %scan3A_550, %scan3A_588 : i32
      %add3A_590 = vector.broadcast %scan3A_589 : i32 to vector<16xi32>
      %add3A_591 = arith.addi %add3A_8, %add3A_590 : vector<16xi32>
      %gather3A_592 = tpu.vector_load_idx %arg9[%add3A_591] : memref<12800xf32, #tpu.memory_space<vmem>>[vector<16xi32>], vector<16xf32>,
      %add3A_593 = arith.addf %add3A_575, %gather3A_592 : vector<16xf32>
      %add3A_594 = vector.broadcast %scan3A_589 : i32 to vector<16xi32>
      %add3A_595 = arith.addi %add3A_11, %add3A_594 : vector<16xi32>
      %gather3A_596 = tpu.vector_load_idx %arg9[%add3A_595] : memref<12800xf32, #tpu.memory_space<vmem>>[vector<16xi32>], vector<16xf32>,
      %add3A_597 = arith.addf %add3A_579, %gather3A_596 : vector<16xf32>
      %add3A_598 = vector.broadcast %scan3A_589 : i32 to vector<16xi32>
      %add3A_599 = arith.addi %add3A_14, %add3A_598 : vector<16xi32>
      %gather3A_600 = tpu.vector_load_idx %arg9[%add3A_599] : memref<12800xf32, #tpu.memory_space<vmem>>[vector<16xi32>], vector<16xf32>,
      %add3A_601 = arith.addf %add3A_583, %gather3A_600 : vector<16xf32>
      %add3A_602 = vector.broadcast %scan3A_589 : i32 to vector<16xi32>
      %add3A_603 = arith.addi %add3A_17, %add3A_602 : vector<16xi32>
      %gather3A_604 = tpu.vector_load_idx %arg9[%add3A_603] : memref<12800xf32, #tpu.memory_space<vmem>>[vector<16xi32>], vector<16xf32>,
      %add3A_605 = arith.addf %add3A_587, %gather3A_604 : vector<16xf32>
      %scan3A_606 = arith.constant 3 : i32
      %scan3A_607 = arith.addi %scan3A_550, %scan3A_606 : i32
      %add3A_608 = vector.broadcast %scan3A_607 : i32 to vector<16xi32>
      %add3A_609 = arith.addi %add3A_8, %add3A_608 : vector<16xi32>
      %gather3A_610 = tpu.vector_load_idx %arg9[%add3A_609] : memref<12800xf32, #tpu.memory_space<vmem>>[vector<16xi32>], vector<16xf32>,
      %add3A_611 = arith.addf %add3A_593, %gather3A_610 : vector<16xf32>
      %add3A_612 = vector.broadcast %scan3A_607 : i32 to vector<16xi32>
      %add3A_613 = arith.addi %add3A_11, %add3A_612 : vector<16xi32>
      %gather3A_614 = tpu.vector_load_idx %arg9[%add3A_613] : memref<12800xf32, #tpu.memory_space<vmem>>[vector<16xi32>], vector<16xf32>,
      %add3A_615 = arith.addf %add3A_597, %gather3A_614 : vector<16xf32>
      %add3A_616 = vector.broadcast %scan3A_607 : i32 to vector<16xi32>
      %add3A_617 = arith.addi %add3A_14, %add3A_616 : vector<16xi32>
      %gather3A_618 = tpu.vector_load_idx %arg9[%add3A_617] : memref<12800xf32, #tpu.memory_space<vmem>>[vector<16xi32>], vector<16xf32>,
      %add3A_619 = arith.addf %add3A_601, %gather3A_618 : vector<16xf32>
      %add3A_620 = vector.broadcast %scan3A_607 : i32 to vector<16xi32>
      %add3A_621 = arith.addi %add3A_17, %add3A_620 : vector<16xi32>
      %gather3A_622 = tpu.vector_load_idx %arg9[%add3A_621] : memref<12800xf32, #tpu.memory_space<vmem>>[vector<16xi32>], vector<16xf32>,
      %add3A_623 = arith.addf %add3A_605, %gather3A_622 : vector<16xf32>
      %scan3A_624 = arith.constant 4 : i32
      %scan3A_625 = arith.addi %scan3A_550, %scan3A_624 : i32
      %add3A_626 = vector.broadcast %scan3A_625 : i32 to vector<16xi32>
      %add3A_627 = arith.addi %add3A_8, %add3A_626 : vector<16xi32>
      %gather3A_628 = tpu.vector_load_idx %arg9[%add3A_627] : memref<12800xf32, #tpu.memory_space<vmem>>[vector<16xi32>], vector<16xf32>,
      %add3A_629 = arith.addf %add3A_611, %gather3A_628 : vector<16xf32>
      %add3A_630 = vector.broadcast %scan3A_625 : i32 to vector<16xi32>
      %add3A_631 = arith.addi %add3A_11, %add3A_630 : vector<16xi32>
      %gather3A_632 = tpu.vector_load_idx %arg9[%add3A_631] : memref<12800xf32, #tpu.memory_space<vmem>>[vector<16xi32>], vector<16xf32>,
      %add3A_633 = arith.addf %add3A_615, %gather3A_632 : vector<16xf32>
      %add3A_634 = vector.broadcast %scan3A_625 : i32 to vector<16xi32>
      %add3A_635 = arith.addi %add3A_14, %add3A_634 : vector<16xi32>
      %gather3A_636 = tpu.vector_load_idx %arg9[%add3A_635] : memref<12800xf32, #tpu.memory_space<vmem>>[vector<16xi32>], vector<16xf32>,
      %add3A_637 = arith.addf %add3A_619, %gather3A_636 : vector<16xf32>
      %add3A_638 = vector.broadcast %scan3A_625 : i32 to vector<16xi32>
      %add3A_639 = arith.addi %add3A_17, %add3A_638 : vector<16xi32>
      %gather3A_640 = tpu.vector_load_idx %arg9[%add3A_639] : memref<12800xf32, #tpu.memory_space<vmem>>[vector<16xi32>], vector<16xf32>,
      %add3A_641 = arith.addf %add3A_623, %gather3A_640 : vector<16xf32>
      %scan3A_642 = arith.constant 5 : i32
      %scan3A_643 = arith.addi %scan3A_550, %scan3A_642 : i32
      %add3A_644 = vector.broadcast %scan3A_643 : i32 to vector<16xi32>
      %add3A_645 = arith.addi %add3A_8, %add3A_644 : vector<16xi32>
      %gather3A_646 = tpu.vector_load_idx %arg9[%add3A_645] : memref<12800xf32, #tpu.memory_space<vmem>>[vector<16xi32>], vector<16xf32>,
      %add3A_647 = arith.addf %add3A_629, %gather3A_646 : vector<16xf32>
      %add3A_648 = vector.broadcast %scan3A_643 : i32 to vector<16xi32>
      %add3A_649 = arith.addi %add3A_11, %add3A_648 : vector<16xi32>
      %gather3A_650 = tpu.vector_load_idx %arg9[%add3A_649] : memref<12800xf32, #tpu.memory_space<vmem>>[vector<16xi32>], vector<16xf32>,
      %add3A_651 = arith.addf %add3A_633, %gather3A_650 : vector<16xf32>
      %add3A_652 = vector.broadcast %scan3A_643 : i32 to vector<16xi32>
      %add3A_653 = arith.addi %add3A_14, %add3A_652 : vector<16xi32>
      %gather3A_654 = tpu.vector_load_idx %arg9[%add3A_653] : memref<12800xf32, #tpu.memory_space<vmem>>[vector<16xi32>], vector<16xf32>,
      %add3A_655 = arith.addf %add3A_637, %gather3A_654 : vector<16xf32>
      %add3A_656 = vector.broadcast %scan3A_643 : i32 to vector<16xi32>
      %add3A_657 = arith.addi %add3A_17, %add3A_656 : vector<16xi32>
      %gather3A_658 = tpu.vector_load_idx %arg9[%add3A_657] : memref<12800xf32, #tpu.memory_space<vmem>>[vector<16xi32>], vector<16xf32>,
      %add3A_659 = arith.addf %add3A_641, %gather3A_658 : vector<16xf32>
      %scan3A_660 = arith.constant 6 : i32
      %scan3A_661 = arith.addi %scan3A_550, %scan3A_660 : i32
      %add3A_662 = vector.broadcast %scan3A_661 : i32 to vector<16xi32>
      %add3A_663 = arith.addi %add3A_8, %add3A_662 : vector<16xi32>
      %gather3A_664 = tpu.vector_load_idx %arg9[%add3A_663] : memref<12800xf32, #tpu.memory_space<vmem>>[vector<16xi32>], vector<16xf32>,
      %add3A_665 = arith.addf %add3A_647, %gather3A_664 : vector<16xf32>
      %add3A_666 = vector.broadcast %scan3A_661 : i32 to vector<16xi32>
      %add3A_667 = arith.addi %add3A_11, %add3A_666 : vector<16xi32>
      %gather3A_668 = tpu.vector_load_idx %arg9[%add3A_667] : memref<12800xf32, #tpu.memory_space<vmem>>[vector<16xi32>], vector<16xf32>,
      %add3A_669 = arith.addf %add3A_651, %gather3A_668 : vector<16xf32>
      %add3A_670 = vector.broadcast %scan3A_661 : i32 to vector<16xi32>
      %add3A_671 = arith.addi %add3A_14, %add3A_670 : vector<16xi32>
      %gather3A_672 = tpu.vector_load_idx %arg9[%add3A_671] : memref<12800xf32, #tpu.memory_space<vmem>>[vector<16xi32>], vector<16xf32>,
      %add3A_673 = arith.addf %add3A_655, %gather3A_672 : vector<16xf32>
      %add3A_674 = vector.broadcast %scan3A_661 : i32 to vector<16xi32>
      %add3A_675 = arith.addi %add3A_17, %add3A_674 : vector<16xi32>
      %gather3A_676 = tpu.vector_load_idx %arg9[%add3A_675] : memref<12800xf32, #tpu.memory_space<vmem>>[vector<16xi32>], vector<16xf32>,
      %add3A_677 = arith.addf %add3A_659, %gather3A_676 : vector<16xf32>
      %scan3A_678 = arith.constant 7 : i32
      %scan3A_679 = arith.addi %scan3A_550, %scan3A_678 : i32
      %add3A_680 = vector.broadcast %scan3A_679 : i32 to vector<16xi32>
      %add3A_681 = arith.addi %add3A_8, %add3A_680 : vector<16xi32>
      %gather3A_682 = tpu.vector_load_idx %arg9[%add3A_681] : memref<12800xf32, #tpu.memory_space<vmem>>[vector<16xi32>], vector<16xf32>,
      %add3A_683 = arith.addf %add3A_665, %gather3A_682 : vector<16xf32>
      %add3A_684 = vector.broadcast %scan3A_679 : i32 to vector<16xi32>
      %add3A_685 = arith.addi %add3A_11, %add3A_684 : vector<16xi32>
      %gather3A_686 = tpu.vector_load_idx %arg9[%add3A_685] : memref<12800xf32, #tpu.memory_space<vmem>>[vector<16xi32>], vector<16xf32>,
      %add3A_687 = arith.addf %add3A_669, %gather3A_686 : vector<16xf32>
      %add3A_688 = vector.broadcast %scan3A_679 : i32 to vector<16xi32>
      %add3A_689 = arith.addi %add3A_14, %add3A_688 : vector<16xi32>
      %gather3A_690 = tpu.vector_load_idx %arg9[%add3A_689] : memref<12800xf32, #tpu.memory_space<vmem>>[vector<16xi32>], vector<16xf32>,
      %add3A_691 = arith.addf %add3A_673, %gather3A_690 : vector<16xf32>
      %add3A_692 = vector.broadcast %scan3A_679 : i32 to vector<16xi32>
      %add3A_693 = arith.addi %add3A_17, %add3A_692 : vector<16xi32>
      %gather3A_694 = tpu.vector_load_idx %arg9[%add3A_693] : memref<12800xf32, #tpu.memory_space<vmem>>[vector<16xi32>], vector<16xf32>,
      %add3A_695 = arith.addf %add3A_677, %gather3A_694 : vector<16xf32>
      scf.yield %add3A_683, %add3A_687, %add3A_691, %add3A_695 : vector<16xf32>, vector<16xf32>, vector<16xf32>, vector<16xf32>
    }
    %scan3A_421 = arith.constant 200 : i32
    %swap3A_422 = arith.constant 128 : index
    %swap3A_423 = tpu.vector_load %arg15[%swap3A_422] {strides = array<i32>} : memref<512xf32, #tpu.memory_space<vmem>>, vector<16xf32>,
    tpu.vector_store %arg15[%swap3A_422], %scan3A_420#0 {strides = array<i32>} : memref<512xf32, #tpu.memory_space<vmem>>, vector<16xf32>,
    %swap3A_424 = arith.constant 144 : index
    %swap3A_425 = tpu.vector_load %arg15[%swap3A_424] {strides = array<i32>} : memref<512xf32, #tpu.memory_space<vmem>>, vector<16xf32>,
    tpu.vector_store %arg15[%swap3A_424], %scan3A_420#1 {strides = array<i32>} : memref<512xf32, #tpu.memory_space<vmem>>, vector<16xf32>,
    %swap3A_426 = arith.constant 160 : index
    %swap3A_427 = tpu.vector_load %arg15[%swap3A_426] {strides = array<i32>} : memref<512xf32, #tpu.memory_space<vmem>>, vector<16xf32>,
    tpu.vector_store %arg15[%swap3A_426], %scan3A_420#2 {strides = array<i32>} : memref<512xf32, #tpu.memory_space<vmem>>, vector<16xf32>,
    %swap3A_428 = arith.constant 176 : index
    %swap3A_429 = tpu.vector_load %arg15[%swap3A_428] {strides = array<i32>} : memref<512xf32, #tpu.memory_space<vmem>>, vector<16xf32>,
    tpu.vector_store %arg15[%swap3A_428], %scan3A_420#3 {strides = array<i32>} : memref<512xf32, #tpu.memory_space<vmem>>, vector<16xf32>,
    %dma_wait3A_430 = arith.constant 0 : i32
    %dma_wait3A_431 = tpu.memref_slice %arg16[%dma_wait3A_430] : memref<1000064xf32, #tpu.memory_space<vmem_shared>> -> memref<1000064xf32, #tpu.memory_space<vmem_shared>>
    tpu.wait_indirect_dma semaphore(%arg20 : memref<!tpu.dma_semaphore, #tpu.memory_space<semaphore_mem>>) src(%dma_wait3A_431 : memref<1000064xf32, #tpu.memory_space<vmem_shared>>) dst(%arg10 : memref<12800xf32, #tpu.memory_space<vmem>>)
    %dma_wait3A_432 = tpu.memref_slice %arg2[%mul3A_413] : memref<3276800xi32, #tpu.memory_space<hbm>> -> memref<12800xi32, #tpu.memory_space<hbm>>
    %dma_wait3A_433 = tpu.memref_slice %arg2[%mul3A_413] : memref<3276800xi32, #tpu.memory_space<hbm>> -> memref<12800xi32, #tpu.memory_space<hbm>>
    tpu.wait_dma2 semaphore(%arg17 : memref<!tpu.dma_semaphore, #tpu.memory_space<semaphore_mem>>) src(%dma_wait3A_433 : memref<12800xi32, #tpu.memory_space<hbm>>) dst(%arg7 : memref<12800xi32, #tpu.memory_space<vmem>>)
    %dma_start3A_434 = arith.constant 0 : i32
    %dma_start3A_435 = tpu.memref_slice %arg16[%dma_start3A_434] : memref<1000064xf32, #tpu.memory_space<vmem_shared>> -> memref<1000064xf32, #tpu.memory_space<vmem_shared>>
    tpu.enqueue_indirect_dma source(%dma_start3A_435 : memref<1000064xf32, #tpu.memory_space<vmem_shared>>) target(%arg9 : memref<12800xf32, #tpu.memory_space<vmem>>) offsets(%arg7 : memref<12800xi32, #tpu.memory_space<vmem>>) semaphore(%arg19 : memref<!tpu.dma_semaphore, #tpu.memory_space<semaphore_mem>>)
    %add3A_436 = arith.constant 320 : i32
    %add3A_437 = arith.addi %mul3A_2, %add3A_436 : i32
    %mul3A_438 = arith.constant 200 : i32
    %mul3A_439 = arith.muli %add3A_437, %mul3A_438 : i32
    %dma_start3A_440 = tpu.memref_slice %arg2[%mul3A_439] : memref<3276800xi32, #tpu.memory_space<hbm>> -> memref<12800xi32, #tpu.memory_space<hbm>>
    %dma_start3A_441 = tpu.memref_slice %arg2[%mul3A_439] : memref<3276800xi32, #tpu.memory_space<hbm>> -> memref<12800xi32, #tpu.memory_space<hbm>>
    tpu.enqueue_dma source(%dma_start3A_441 : memref<12800xi32, #tpu.memory_space<hbm>>) target(%arg8 : memref<12800xi32, #tpu.memory_space<vmem>>) target_semaphore(%arg18 : memref<!tpu.dma_semaphore, #tpu.memory_space<semaphore_mem>>)
    %scan3A_442 = arith.constant 0 : i32
    %scan3A_443 = arith.constant 200 : i32
    %scan3A_444 = arith.addi %scan3A_442, %scan3A_443 : i32
    %scan3A_445 = arith.constant 8 : i32
    %scan3A_446:4 = scf.for %scan3A_550 = %scan3A_442 to %scan3A_444 step %scan3A_445 iter_args(%scan3A_551 = %broadcast_in_dim3A_18, %scan3A_552 = %broadcast_in_dim3A_18, %scan3A_553 = %broadcast_in_dim3A_18, %scan3A_554 = %broadcast_in_dim3A_18) -> (vector<16xf32>, vector<16xf32>, vector<16xf32>, vector<16xf32>)  : i32 {
      %add3A_555 = vector.broadcast %scan3A_550 : i32 to vector<16xi32>
      %add3A_556 = arith.addi %add3A_8, %add3A_555 : vector<16xi32>
      %gather3A = tpu.vector_load_idx %arg10[%add3A_556] : memref<12800xf32, #tpu.memory_space<vmem>>[vector<16xi32>], vector<16xf32>,
      %add3A_557 = arith.addf %scan3A_551, %gather3A : vector<16xf32>
      %add3A_558 = vector.broadcast %scan3A_550 : i32 to vector<16xi32>
      %add3A_559 = arith.addi %add3A_11, %add3A_558 : vector<16xi32>
      %gather3A_560 = tpu.vector_load_idx %arg10[%add3A_559] : memref<12800xf32, #tpu.memory_space<vmem>>[vector<16xi32>], vector<16xf32>,
      %add3A_561 = arith.addf %scan3A_552, %gather3A_560 : vector<16xf32>
      %add3A_562 = vector.broadcast %scan3A_550 : i32 to vector<16xi32>
      %add3A_563 = arith.addi %add3A_14, %add3A_562 : vector<16xi32>
      %gather3A_564 = tpu.vector_load_idx %arg10[%add3A_563] : memref<12800xf32, #tpu.memory_space<vmem>>[vector<16xi32>], vector<16xf32>,
      %add3A_565 = arith.addf %scan3A_553, %gather3A_564 : vector<16xf32>
      %add3A_566 = vector.broadcast %scan3A_550 : i32 to vector<16xi32>
      %add3A_567 = arith.addi %add3A_17, %add3A_566 : vector<16xi32>
      %gather3A_568 = tpu.vector_load_idx %arg10[%add3A_567] : memref<12800xf32, #tpu.memory_space<vmem>>[vector<16xi32>], vector<16xf32>,
      %add3A_569 = arith.addf %scan3A_554, %gather3A_568 : vector<16xf32>
      %scan3A_570 = arith.constant 1 : i32
      %scan3A_571 = arith.addi %scan3A_550, %scan3A_570 : i32
      %add3A_572 = vector.broadcast %scan3A_571 : i32 to vector<16xi32>
      %add3A_573 = arith.addi %add3A_8, %add3A_572 : vector<16xi32>
      %gather3A_574 = tpu.vector_load_idx %arg10[%add3A_573] : memref<12800xf32, #tpu.memory_space<vmem>>[vector<16xi32>], vector<16xf32>,
      %add3A_575 = arith.addf %add3A_557, %gather3A_574 : vector<16xf32>
      %add3A_576 = vector.broadcast %scan3A_571 : i32 to vector<16xi32>
      %add3A_577 = arith.addi %add3A_11, %add3A_576 : vector<16xi32>
      %gather3A_578 = tpu.vector_load_idx %arg10[%add3A_577] : memref<12800xf32, #tpu.memory_space<vmem>>[vector<16xi32>], vector<16xf32>,
      %add3A_579 = arith.addf %add3A_561, %gather3A_578 : vector<16xf32>
      %add3A_580 = vector.broadcast %scan3A_571 : i32 to vector<16xi32>
      %add3A_581 = arith.addi %add3A_14, %add3A_580 : vector<16xi32>
      %gather3A_582 = tpu.vector_load_idx %arg10[%add3A_581] : memref<12800xf32, #tpu.memory_space<vmem>>[vector<16xi32>], vector<16xf32>,
      %add3A_583 = arith.addf %add3A_565, %gather3A_582 : vector<16xf32>
      %add3A_584 = vector.broadcast %scan3A_571 : i32 to vector<16xi32>
      %add3A_585 = arith.addi %add3A_17, %add3A_584 : vector<16xi32>
      %gather3A_586 = tpu.vector_load_idx %arg10[%add3A_585] : memref<12800xf32, #tpu.memory_space<vmem>>[vector<16xi32>], vector<16xf32>,
      %add3A_587 = arith.addf %add3A_569, %gather3A_586 : vector<16xf32>
      %scan3A_588 = arith.constant 2 : i32
      %scan3A_589 = arith.addi %scan3A_550, %scan3A_588 : i32
      %add3A_590 = vector.broadcast %scan3A_589 : i32 to vector<16xi32>
      %add3A_591 = arith.addi %add3A_8, %add3A_590 : vector<16xi32>
      %gather3A_592 = tpu.vector_load_idx %arg10[%add3A_591] : memref<12800xf32, #tpu.memory_space<vmem>>[vector<16xi32>], vector<16xf32>,
      %add3A_593 = arith.addf %add3A_575, %gather3A_592 : vector<16xf32>
      %add3A_594 = vector.broadcast %scan3A_589 : i32 to vector<16xi32>
      %add3A_595 = arith.addi %add3A_11, %add3A_594 : vector<16xi32>
      %gather3A_596 = tpu.vector_load_idx %arg10[%add3A_595] : memref<12800xf32, #tpu.memory_space<vmem>>[vector<16xi32>], vector<16xf32>,
      %add3A_597 = arith.addf %add3A_579, %gather3A_596 : vector<16xf32>
      %add3A_598 = vector.broadcast %scan3A_589 : i32 to vector<16xi32>
      %add3A_599 = arith.addi %add3A_14, %add3A_598 : vector<16xi32>
      %gather3A_600 = tpu.vector_load_idx %arg10[%add3A_599] : memref<12800xf32, #tpu.memory_space<vmem>>[vector<16xi32>], vector<16xf32>,
      %add3A_601 = arith.addf %add3A_583, %gather3A_600 : vector<16xf32>
      %add3A_602 = vector.broadcast %scan3A_589 : i32 to vector<16xi32>
      %add3A_603 = arith.addi %add3A_17, %add3A_602 : vector<16xi32>
      %gather3A_604 = tpu.vector_load_idx %arg10[%add3A_603] : memref<12800xf32, #tpu.memory_space<vmem>>[vector<16xi32>], vector<16xf32>,
      %add3A_605 = arith.addf %add3A_587, %gather3A_604 : vector<16xf32>
      %scan3A_606 = arith.constant 3 : i32
      %scan3A_607 = arith.addi %scan3A_550, %scan3A_606 : i32
      %add3A_608 = vector.broadcast %scan3A_607 : i32 to vector<16xi32>
      %add3A_609 = arith.addi %add3A_8, %add3A_608 : vector<16xi32>
      %gather3A_610 = tpu.vector_load_idx %arg10[%add3A_609] : memref<12800xf32, #tpu.memory_space<vmem>>[vector<16xi32>], vector<16xf32>,
      %add3A_611 = arith.addf %add3A_593, %gather3A_610 : vector<16xf32>
      %add3A_612 = vector.broadcast %scan3A_607 : i32 to vector<16xi32>
      %add3A_613 = arith.addi %add3A_11, %add3A_612 : vector<16xi32>
      %gather3A_614 = tpu.vector_load_idx %arg10[%add3A_613] : memref<12800xf32, #tpu.memory_space<vmem>>[vector<16xi32>], vector<16xf32>,
      %add3A_615 = arith.addf %add3A_597, %gather3A_614 : vector<16xf32>
      %add3A_616 = vector.broadcast %scan3A_607 : i32 to vector<16xi32>
      %add3A_617 = arith.addi %add3A_14, %add3A_616 : vector<16xi32>
      %gather3A_618 = tpu.vector_load_idx %arg10[%add3A_617] : memref<12800xf32, #tpu.memory_space<vmem>>[vector<16xi32>], vector<16xf32>,
      %add3A_619 = arith.addf %add3A_601, %gather3A_618 : vector<16xf32>
      %add3A_620 = vector.broadcast %scan3A_607 : i32 to vector<16xi32>
      %add3A_621 = arith.addi %add3A_17, %add3A_620 : vector<16xi32>
      %gather3A_622 = tpu.vector_load_idx %arg10[%add3A_621] : memref<12800xf32, #tpu.memory_space<vmem>>[vector<16xi32>], vector<16xf32>,
      %add3A_623 = arith.addf %add3A_605, %gather3A_622 : vector<16xf32>
      %scan3A_624 = arith.constant 4 : i32
      %scan3A_625 = arith.addi %scan3A_550, %scan3A_624 : i32
      %add3A_626 = vector.broadcast %scan3A_625 : i32 to vector<16xi32>
      %add3A_627 = arith.addi %add3A_8, %add3A_626 : vector<16xi32>
      %gather3A_628 = tpu.vector_load_idx %arg10[%add3A_627] : memref<12800xf32, #tpu.memory_space<vmem>>[vector<16xi32>], vector<16xf32>,
      %add3A_629 = arith.addf %add3A_611, %gather3A_628 : vector<16xf32>
      %add3A_630 = vector.broadcast %scan3A_625 : i32 to vector<16xi32>
      %add3A_631 = arith.addi %add3A_11, %add3A_630 : vector<16xi32>
      %gather3A_632 = tpu.vector_load_idx %arg10[%add3A_631] : memref<12800xf32, #tpu.memory_space<vmem>>[vector<16xi32>], vector<16xf32>,
      %add3A_633 = arith.addf %add3A_615, %gather3A_632 : vector<16xf32>
      %add3A_634 = vector.broadcast %scan3A_625 : i32 to vector<16xi32>
      %add3A_635 = arith.addi %add3A_14, %add3A_634 : vector<16xi32>
      %gather3A_636 = tpu.vector_load_idx %arg10[%add3A_635] : memref<12800xf32, #tpu.memory_space<vmem>>[vector<16xi32>], vector<16xf32>,
      %add3A_637 = arith.addf %add3A_619, %gather3A_636 : vector<16xf32>
      %add3A_638 = vector.broadcast %scan3A_625 : i32 to vector<16xi32>
      %add3A_639 = arith.addi %add3A_17, %add3A_638 : vector<16xi32>
      %gather3A_640 = tpu.vector_load_idx %arg10[%add3A_639] : memref<12800xf32, #tpu.memory_space<vmem>>[vector<16xi32>], vector<16xf32>,
      %add3A_641 = arith.addf %add3A_623, %gather3A_640 : vector<16xf32>
      %scan3A_642 = arith.constant 5 : i32
      %scan3A_643 = arith.addi %scan3A_550, %scan3A_642 : i32
      %add3A_644 = vector.broadcast %scan3A_643 : i32 to vector<16xi32>
      %add3A_645 = arith.addi %add3A_8, %add3A_644 : vector<16xi32>
      %gather3A_646 = tpu.vector_load_idx %arg10[%add3A_645] : memref<12800xf32, #tpu.memory_space<vmem>>[vector<16xi32>], vector<16xf32>,
      %add3A_647 = arith.addf %add3A_629, %gather3A_646 : vector<16xf32>
      %add3A_648 = vector.broadcast %scan3A_643 : i32 to vector<16xi32>
      %add3A_649 = arith.addi %add3A_11, %add3A_648 : vector<16xi32>
      %gather3A_650 = tpu.vector_load_idx %arg10[%add3A_649] : memref<12800xf32, #tpu.memory_space<vmem>>[vector<16xi32>], vector<16xf32>,
      %add3A_651 = arith.addf %add3A_633, %gather3A_650 : vector<16xf32>
      %add3A_652 = vector.broadcast %scan3A_643 : i32 to vector<16xi32>
      %add3A_653 = arith.addi %add3A_14, %add3A_652 : vector<16xi32>
      %gather3A_654 = tpu.vector_load_idx %arg10[%add3A_653] : memref<12800xf32, #tpu.memory_space<vmem>>[vector<16xi32>], vector<16xf32>,
      %add3A_655 = arith.addf %add3A_637, %gather3A_654 : vector<16xf32>
      %add3A_656 = vector.broadcast %scan3A_643 : i32 to vector<16xi32>
      %add3A_657 = arith.addi %add3A_17, %add3A_656 : vector<16xi32>
      %gather3A_658 = tpu.vector_load_idx %arg10[%add3A_657] : memref<12800xf32, #tpu.memory_space<vmem>>[vector<16xi32>], vector<16xf32>,
      %add3A_659 = arith.addf %add3A_641, %gather3A_658 : vector<16xf32>
      %scan3A_660 = arith.constant 6 : i32
      %scan3A_661 = arith.addi %scan3A_550, %scan3A_660 : i32
      %add3A_662 = vector.broadcast %scan3A_661 : i32 to vector<16xi32>
      %add3A_663 = arith.addi %add3A_8, %add3A_662 : vector<16xi32>
      %gather3A_664 = tpu.vector_load_idx %arg10[%add3A_663] : memref<12800xf32, #tpu.memory_space<vmem>>[vector<16xi32>], vector<16xf32>,
      %add3A_665 = arith.addf %add3A_647, %gather3A_664 : vector<16xf32>
      %add3A_666 = vector.broadcast %scan3A_661 : i32 to vector<16xi32>
      %add3A_667 = arith.addi %add3A_11, %add3A_666 : vector<16xi32>
      %gather3A_668 = tpu.vector_load_idx %arg10[%add3A_667] : memref<12800xf32, #tpu.memory_space<vmem>>[vector<16xi32>], vector<16xf32>,
      %add3A_669 = arith.addf %add3A_651, %gather3A_668 : vector<16xf32>
      %add3A_670 = vector.broadcast %scan3A_661 : i32 to vector<16xi32>
      %add3A_671 = arith.addi %add3A_14, %add3A_670 : vector<16xi32>
      %gather3A_672 = tpu.vector_load_idx %arg10[%add3A_671] : memref<12800xf32, #tpu.memory_space<vmem>>[vector<16xi32>], vector<16xf32>,
      %add3A_673 = arith.addf %add3A_655, %gather3A_672 : vector<16xf32>
      %add3A_674 = vector.broadcast %scan3A_661 : i32 to vector<16xi32>
      %add3A_675 = arith.addi %add3A_17, %add3A_674 : vector<16xi32>
      %gather3A_676 = tpu.vector_load_idx %arg10[%add3A_675] : memref<12800xf32, #tpu.memory_space<vmem>>[vector<16xi32>], vector<16xf32>,
      %add3A_677 = arith.addf %add3A_659, %gather3A_676 : vector<16xf32>
      %scan3A_678 = arith.constant 7 : i32
      %scan3A_679 = arith.addi %scan3A_550, %scan3A_678 : i32
      %add3A_680 = vector.broadcast %scan3A_679 : i32 to vector<16xi32>
      %add3A_681 = arith.addi %add3A_8, %add3A_680 : vector<16xi32>
      %gather3A_682 = tpu.vector_load_idx %arg10[%add3A_681] : memref<12800xf32, #tpu.memory_space<vmem>>[vector<16xi32>], vector<16xf32>,
      %add3A_683 = arith.addf %add3A_665, %gather3A_682 : vector<16xf32>
      %add3A_684 = vector.broadcast %scan3A_679 : i32 to vector<16xi32>
      %add3A_685 = arith.addi %add3A_11, %add3A_684 : vector<16xi32>
      %gather3A_686 = tpu.vector_load_idx %arg10[%add3A_685] : memref<12800xf32, #tpu.memory_space<vmem>>[vector<16xi32>], vector<16xf32>,
      %add3A_687 = arith.addf %add3A_669, %gather3A_686 : vector<16xf32>
      %add3A_688 = vector.broadcast %scan3A_679 : i32 to vector<16xi32>
      %add3A_689 = arith.addi %add3A_14, %add3A_688 : vector<16xi32>
      %gather3A_690 = tpu.vector_load_idx %arg10[%add3A_689] : memref<12800xf32, #tpu.memory_space<vmem>>[vector<16xi32>], vector<16xf32>,
      %add3A_691 = arith.addf %add3A_673, %gather3A_690 : vector<16xf32>
      %add3A_692 = vector.broadcast %scan3A_679 : i32 to vector<16xi32>
      %add3A_693 = arith.addi %add3A_17, %add3A_692 : vector<16xi32>
      %gather3A_694 = tpu.vector_load_idx %arg10[%add3A_693] : memref<12800xf32, #tpu.memory_space<vmem>>[vector<16xi32>], vector<16xf32>,
      %add3A_695 = arith.addf %add3A_677, %gather3A_694 : vector<16xf32>
      scf.yield %add3A_683, %add3A_687, %add3A_691, %add3A_695 : vector<16xf32>, vector<16xf32>, vector<16xf32>, vector<16xf32>
    }
    %scan3A_447 = arith.constant 200 : i32
    %swap3A_448 = arith.constant 192 : index
    %swap3A_449 = tpu.vector_load %arg15[%swap3A_448] {strides = array<i32>} : memref<512xf32, #tpu.memory_space<vmem>>, vector<16xf32>,
    tpu.vector_store %arg15[%swap3A_448], %scan3A_446#0 {strides = array<i32>} : memref<512xf32, #tpu.memory_space<vmem>>, vector<16xf32>,
    %swap3A_450 = arith.constant 208 : index
    %swap3A_451 = tpu.vector_load %arg15[%swap3A_450] {strides = array<i32>} : memref<512xf32, #tpu.memory_space<vmem>>, vector<16xf32>,
    tpu.vector_store %arg15[%swap3A_450], %scan3A_446#1 {strides = array<i32>} : memref<512xf32, #tpu.memory_space<vmem>>, vector<16xf32>,
    %swap3A_452 = arith.constant 224 : index
    %swap3A_453 = tpu.vector_load %arg15[%swap3A_452] {strides = array<i32>} : memref<512xf32, #tpu.memory_space<vmem>>, vector<16xf32>,
    tpu.vector_store %arg15[%swap3A_452], %scan3A_446#2 {strides = array<i32>} : memref<512xf32, #tpu.memory_space<vmem>>, vector<16xf32>,
    %swap3A_454 = arith.constant 240 : index
    %swap3A_455 = tpu.vector_load %arg15[%swap3A_454] {strides = array<i32>} : memref<512xf32, #tpu.memory_space<vmem>>, vector<16xf32>,
    tpu.vector_store %arg15[%swap3A_454], %scan3A_446#3 {strides = array<i32>} : memref<512xf32, #tpu.memory_space<vmem>>, vector<16xf32>,
    %dma_wait3A_456 = arith.constant 0 : i32
    %dma_wait3A_457 = tpu.memref_slice %arg16[%dma_wait3A_456] : memref<1000064xf32, #tpu.memory_space<vmem_shared>> -> memref<1000064xf32, #tpu.memory_space<vmem_shared>>
    tpu.wait_indirect_dma semaphore(%arg19 : memref<!tpu.dma_semaphore, #tpu.memory_space<semaphore_mem>>) src(%dma_wait3A_457 : memref<1000064xf32, #tpu.memory_space<vmem_shared>>) dst(%arg9 : memref<12800xf32, #tpu.memory_space<vmem>>)
    %dma_wait3A_458 = tpu.memref_slice %arg2[%mul3A_439] : memref<3276800xi32, #tpu.memory_space<hbm>> -> memref<12800xi32, #tpu.memory_space<hbm>>
    %dma_wait3A_459 = tpu.memref_slice %arg2[%mul3A_439] : memref<3276800xi32, #tpu.memory_space<hbm>> -> memref<12800xi32, #tpu.memory_space<hbm>>
    tpu.wait_dma2 semaphore(%arg18 : memref<!tpu.dma_semaphore, #tpu.memory_space<semaphore_mem>>) src(%dma_wait3A_459 : memref<12800xi32, #tpu.memory_space<hbm>>) dst(%arg8 : memref<12800xi32, #tpu.memory_space<vmem>>)
    %dma_start3A_460 = arith.constant 0 : i32
    %dma_start3A_461 = tpu.memref_slice %arg16[%dma_start3A_460] : memref<1000064xf32, #tpu.memory_space<vmem_shared>> -> memref<1000064xf32, #tpu.memory_space<vmem_shared>>
    tpu.enqueue_indirect_dma source(%dma_start3A_461 : memref<1000064xf32, #tpu.memory_space<vmem_shared>>) target(%arg10 : memref<12800xf32, #tpu.memory_space<vmem>>) offsets(%arg8 : memref<12800xi32, #tpu.memory_space<vmem>>) semaphore(%arg20 : memref<!tpu.dma_semaphore, #tpu.memory_space<semaphore_mem>>)
    %add3A_462 = arith.constant 384 : i32
    %add3A_463 = arith.addi %mul3A_2, %add3A_462 : i32
    %mul3A_464 = arith.constant 200 : i32
    %mul3A_465 = arith.muli %add3A_463, %mul3A_464 : i32
    %dma_start3A_466 = tpu.memref_slice %arg2[%mul3A_465] : memref<3276800xi32, #tpu.memory_space<hbm>> -> memref<12800xi32, #tpu.memory_space<hbm>>
    %dma_start3A_467 = tpu.memref_slice %arg2[%mul3A_465] : memref<3276800xi32, #tpu.memory_space<hbm>> -> memref<12800xi32, #tpu.memory_space<hbm>>
    tpu.enqueue_dma source(%dma_start3A_467 : memref<12800xi32, #tpu.memory_space<hbm>>) target(%arg7 : memref<12800xi32, #tpu.memory_space<vmem>>) target_semaphore(%arg17 : memref<!tpu.dma_semaphore, #tpu.memory_space<semaphore_mem>>)
    %scan3A_468 = arith.constant 0 : i32
    %scan3A_469 = arith.constant 200 : i32
    %scan3A_470 = arith.addi %scan3A_468, %scan3A_469 : i32
    %scan3A_471 = arith.constant 8 : i32
    %scan3A_472:4 = scf.for %scan3A_550 = %scan3A_468 to %scan3A_470 step %scan3A_471 iter_args(%scan3A_551 = %broadcast_in_dim3A_18, %scan3A_552 = %broadcast_in_dim3A_18, %scan3A_553 = %broadcast_in_dim3A_18, %scan3A_554 = %broadcast_in_dim3A_18) -> (vector<16xf32>, vector<16xf32>, vector<16xf32>, vector<16xf32>)  : i32 {
      %add3A_555 = vector.broadcast %scan3A_550 : i32 to vector<16xi32>
      %add3A_556 = arith.addi %add3A_8, %add3A_555 : vector<16xi32>
      %gather3A = tpu.vector_load_idx %arg9[%add3A_556] : memref<12800xf32, #tpu.memory_space<vmem>>[vector<16xi32>], vector<16xf32>,
      %add3A_557 = arith.addf %scan3A_551, %gather3A : vector<16xf32>
      %add3A_558 = vector.broadcast %scan3A_550 : i32 to vector<16xi32>
      %add3A_559 = arith.addi %add3A_11, %add3A_558 : vector<16xi32>
      %gather3A_560 = tpu.vector_load_idx %arg9[%add3A_559] : memref<12800xf32, #tpu.memory_space<vmem>>[vector<16xi32>], vector<16xf32>,
      %add3A_561 = arith.addf %scan3A_552, %gather3A_560 : vector<16xf32>
      %add3A_562 = vector.broadcast %scan3A_550 : i32 to vector<16xi32>
      %add3A_563 = arith.addi %add3A_14, %add3A_562 : vector<16xi32>
      %gather3A_564 = tpu.vector_load_idx %arg9[%add3A_563] : memref<12800xf32, #tpu.memory_space<vmem>>[vector<16xi32>], vector<16xf32>,
      %add3A_565 = arith.addf %scan3A_553, %gather3A_564 : vector<16xf32>
      %add3A_566 = vector.broadcast %scan3A_550 : i32 to vector<16xi32>
      %add3A_567 = arith.addi %add3A_17, %add3A_566 : vector<16xi32>
      %gather3A_568 = tpu.vector_load_idx %arg9[%add3A_567] : memref<12800xf32, #tpu.memory_space<vmem>>[vector<16xi32>], vector<16xf32>,
      %add3A_569 = arith.addf %scan3A_554, %gather3A_568 : vector<16xf32>
      %scan3A_570 = arith.constant 1 : i32
      %scan3A_571 = arith.addi %scan3A_550, %scan3A_570 : i32
      %add3A_572 = vector.broadcast %scan3A_571 : i32 to vector<16xi32>
      %add3A_573 = arith.addi %add3A_8, %add3A_572 : vector<16xi32>
      %gather3A_574 = tpu.vector_load_idx %arg9[%add3A_573] : memref<12800xf32, #tpu.memory_space<vmem>>[vector<16xi32>], vector<16xf32>,
      %add3A_575 = arith.addf %add3A_557, %gather3A_574 : vector<16xf32>
      %add3A_576 = vector.broadcast %scan3A_571 : i32 to vector<16xi32>
      %add3A_577 = arith.addi %add3A_11, %add3A_576 : vector<16xi32>
      %gather3A_578 = tpu.vector_load_idx %arg9[%add3A_577] : memref<12800xf32, #tpu.memory_space<vmem>>[vector<16xi32>], vector<16xf32>,
      %add3A_579 = arith.addf %add3A_561, %gather3A_578 : vector<16xf32>
      %add3A_580 = vector.broadcast %scan3A_571 : i32 to vector<16xi32>
      %add3A_581 = arith.addi %add3A_14, %add3A_580 : vector<16xi32>
      %gather3A_582 = tpu.vector_load_idx %arg9[%add3A_581] : memref<12800xf32, #tpu.memory_space<vmem>>[vector<16xi32>], vector<16xf32>,
      %add3A_583 = arith.addf %add3A_565, %gather3A_582 : vector<16xf32>
      %add3A_584 = vector.broadcast %scan3A_571 : i32 to vector<16xi32>
      %add3A_585 = arith.addi %add3A_17, %add3A_584 : vector<16xi32>
      %gather3A_586 = tpu.vector_load_idx %arg9[%add3A_585] : memref<12800xf32, #tpu.memory_space<vmem>>[vector<16xi32>], vector<16xf32>,
      %add3A_587 = arith.addf %add3A_569, %gather3A_586 : vector<16xf32>
      %scan3A_588 = arith.constant 2 : i32
      %scan3A_589 = arith.addi %scan3A_550, %scan3A_588 : i32
      %add3A_590 = vector.broadcast %scan3A_589 : i32 to vector<16xi32>
      %add3A_591 = arith.addi %add3A_8, %add3A_590 : vector<16xi32>
      %gather3A_592 = tpu.vector_load_idx %arg9[%add3A_591] : memref<12800xf32, #tpu.memory_space<vmem>>[vector<16xi32>], vector<16xf32>,
      %add3A_593 = arith.addf %add3A_575, %gather3A_592 : vector<16xf32>
      %add3A_594 = vector.broadcast %scan3A_589 : i32 to vector<16xi32>
      %add3A_595 = arith.addi %add3A_11, %add3A_594 : vector<16xi32>
      %gather3A_596 = tpu.vector_load_idx %arg9[%add3A_595] : memref<12800xf32, #tpu.memory_space<vmem>>[vector<16xi32>], vector<16xf32>,
      %add3A_597 = arith.addf %add3A_579, %gather3A_596 : vector<16xf32>
      %add3A_598 = vector.broadcast %scan3A_589 : i32 to vector<16xi32>
      %add3A_599 = arith.addi %add3A_14, %add3A_598 : vector<16xi32>
      %gather3A_600 = tpu.vector_load_idx %arg9[%add3A_599] : memref<12800xf32, #tpu.memory_space<vmem>>[vector<16xi32>], vector<16xf32>,
      %add3A_601 = arith.addf %add3A_583, %gather3A_600 : vector<16xf32>
      %add3A_602 = vector.broadcast %scan3A_589 : i32 to vector<16xi32>
      %add3A_603 = arith.addi %add3A_17, %add3A_602 : vector<16xi32>
      %gather3A_604 = tpu.vector_load_idx %arg9[%add3A_603] : memref<12800xf32, #tpu.memory_space<vmem>>[vector<16xi32>], vector<16xf32>,
      %add3A_605 = arith.addf %add3A_587, %gather3A_604 : vector<16xf32>
      %scan3A_606 = arith.constant 3 : i32
      %scan3A_607 = arith.addi %scan3A_550, %scan3A_606 : i32
      %add3A_608 = vector.broadcast %scan3A_607 : i32 to vector<16xi32>
      %add3A_609 = arith.addi %add3A_8, %add3A_608 : vector<16xi32>
      %gather3A_610 = tpu.vector_load_idx %arg9[%add3A_609] : memref<12800xf32, #tpu.memory_space<vmem>>[vector<16xi32>], vector<16xf32>,
      %add3A_611 = arith.addf %add3A_593, %gather3A_610 : vector<16xf32>
      %add3A_612 = vector.broadcast %scan3A_607 : i32 to vector<16xi32>
      %add3A_613 = arith.addi %add3A_11, %add3A_612 : vector<16xi32>
      %gather3A_614 = tpu.vector_load_idx %arg9[%add3A_613] : memref<12800xf32, #tpu.memory_space<vmem>>[vector<16xi32>], vector<16xf32>,
      %add3A_615 = arith.addf %add3A_597, %gather3A_614 : vector<16xf32>
      %add3A_616 = vector.broadcast %scan3A_607 : i32 to vector<16xi32>
      %add3A_617 = arith.addi %add3A_14, %add3A_616 : vector<16xi32>
      %gather3A_618 = tpu.vector_load_idx %arg9[%add3A_617] : memref<12800xf32, #tpu.memory_space<vmem>>[vector<16xi32>], vector<16xf32>,
      %add3A_619 = arith.addf %add3A_601, %gather3A_618 : vector<16xf32>
      %add3A_620 = vector.broadcast %scan3A_607 : i32 to vector<16xi32>
      %add3A_621 = arith.addi %add3A_17, %add3A_620 : vector<16xi32>
      %gather3A_622 = tpu.vector_load_idx %arg9[%add3A_621] : memref<12800xf32, #tpu.memory_space<vmem>>[vector<16xi32>], vector<16xf32>,
      %add3A_623 = arith.addf %add3A_605, %gather3A_622 : vector<16xf32>
      %scan3A_624 = arith.constant 4 : i32
      %scan3A_625 = arith.addi %scan3A_550, %scan3A_624 : i32
      %add3A_626 = vector.broadcast %scan3A_625 : i32 to vector<16xi32>
      %add3A_627 = arith.addi %add3A_8, %add3A_626 : vector<16xi32>
      %gather3A_628 = tpu.vector_load_idx %arg9[%add3A_627] : memref<12800xf32, #tpu.memory_space<vmem>>[vector<16xi32>], vector<16xf32>,
      %add3A_629 = arith.addf %add3A_611, %gather3A_628 : vector<16xf32>
      %add3A_630 = vector.broadcast %scan3A_625 : i32 to vector<16xi32>
      %add3A_631 = arith.addi %add3A_11, %add3A_630 : vector<16xi32>
      %gather3A_632 = tpu.vector_load_idx %arg9[%add3A_631] : memref<12800xf32, #tpu.memory_space<vmem>>[vector<16xi32>], vector<16xf32>,
      %add3A_633 = arith.addf %add3A_615, %gather3A_632 : vector<16xf32>
      %add3A_634 = vector.broadcast %scan3A_625 : i32 to vector<16xi32>
      %add3A_635 = arith.addi %add3A_14, %add3A_634 : vector<16xi32>
      %gather3A_636 = tpu.vector_load_idx %arg9[%add3A_635] : memref<12800xf32, #tpu.memory_space<vmem>>[vector<16xi32>], vector<16xf32>,
      %add3A_637 = arith.addf %add3A_619, %gather3A_636 : vector<16xf32>
      %add3A_638 = vector.broadcast %scan3A_625 : i32 to vector<16xi32>
      %add3A_639 = arith.addi %add3A_17, %add3A_638 : vector<16xi32>
      %gather3A_640 = tpu.vector_load_idx %arg9[%add3A_639] : memref<12800xf32, #tpu.memory_space<vmem>>[vector<16xi32>], vector<16xf32>,
      %add3A_641 = arith.addf %add3A_623, %gather3A_640 : vector<16xf32>
      %scan3A_642 = arith.constant 5 : i32
      %scan3A_643 = arith.addi %scan3A_550, %scan3A_642 : i32
      %add3A_644 = vector.broadcast %scan3A_643 : i32 to vector<16xi32>
      %add3A_645 = arith.addi %add3A_8, %add3A_644 : vector<16xi32>
      %gather3A_646 = tpu.vector_load_idx %arg9[%add3A_645] : memref<12800xf32, #tpu.memory_space<vmem>>[vector<16xi32>], vector<16xf32>,
      %add3A_647 = arith.addf %add3A_629, %gather3A_646 : vector<16xf32>
      %add3A_648 = vector.broadcast %scan3A_643 : i32 to vector<16xi32>
      %add3A_649 = arith.addi %add3A_11, %add3A_648 : vector<16xi32>
      %gather3A_650 = tpu.vector_load_idx %arg9[%add3A_649] : memref<12800xf32, #tpu.memory_space<vmem>>[vector<16xi32>], vector<16xf32>,
      %add3A_651 = arith.addf %add3A_633, %gather3A_650 : vector<16xf32>
      %add3A_652 = vector.broadcast %scan3A_643 : i32 to vector<16xi32>
      %add3A_653 = arith.addi %add3A_14, %add3A_652 : vector<16xi32>
      %gather3A_654 = tpu.vector_load_idx %arg9[%add3A_653] : memref<12800xf32, #tpu.memory_space<vmem>>[vector<16xi32>], vector<16xf32>,
      %add3A_655 = arith.addf %add3A_637, %gather3A_654 : vector<16xf32>
      %add3A_656 = vector.broadcast %scan3A_643 : i32 to vector<16xi32>
      %add3A_657 = arith.addi %add3A_17, %add3A_656 : vector<16xi32>
      %gather3A_658 = tpu.vector_load_idx %arg9[%add3A_657] : memref<12800xf32, #tpu.memory_space<vmem>>[vector<16xi32>], vector<16xf32>,
      %add3A_659 = arith.addf %add3A_641, %gather3A_658 : vector<16xf32>
      %scan3A_660 = arith.constant 6 : i32
      %scan3A_661 = arith.addi %scan3A_550, %scan3A_660 : i32
      %add3A_662 = vector.broadcast %scan3A_661 : i32 to vector<16xi32>
      %add3A_663 = arith.addi %add3A_8, %add3A_662 : vector<16xi32>
      %gather3A_664 = tpu.vector_load_idx %arg9[%add3A_663] : memref<12800xf32, #tpu.memory_space<vmem>>[vector<16xi32>], vector<16xf32>,
      %add3A_665 = arith.addf %add3A_647, %gather3A_664 : vector<16xf32>
      %add3A_666 = vector.broadcast %scan3A_661 : i32 to vector<16xi32>
      %add3A_667 = arith.addi %add3A_11, %add3A_666 : vector<16xi32>
      %gather3A_668 = tpu.vector_load_idx %arg9[%add3A_667] : memref<12800xf32, #tpu.memory_space<vmem>>[vector<16xi32>], vector<16xf32>,
      %add3A_669 = arith.addf %add3A_651, %gather3A_668 : vector<16xf32>
      %add3A_670 = vector.broadcast %scan3A_661 : i32 to vector<16xi32>
      %add3A_671 = arith.addi %add3A_14, %add3A_670 : vector<16xi32>
      %gather3A_672 = tpu.vector_load_idx %arg9[%add3A_671] : memref<12800xf32, #tpu.memory_space<vmem>>[vector<16xi32>], vector<16xf32>,
      %add3A_673 = arith.addf %add3A_655, %gather3A_672 : vector<16xf32>
      %add3A_674 = vector.broadcast %scan3A_661 : i32 to vector<16xi32>
      %add3A_675 = arith.addi %add3A_17, %add3A_674 : vector<16xi32>
      %gather3A_676 = tpu.vector_load_idx %arg9[%add3A_675] : memref<12800xf32, #tpu.memory_space<vmem>>[vector<16xi32>], vector<16xf32>,
      %add3A_677 = arith.addf %add3A_659, %gather3A_676 : vector<16xf32>
      %scan3A_678 = arith.constant 7 : i32
      %scan3A_679 = arith.addi %scan3A_550, %scan3A_678 : i32
      %add3A_680 = vector.broadcast %scan3A_679 : i32 to vector<16xi32>
      %add3A_681 = arith.addi %add3A_8, %add3A_680 : vector<16xi32>
      %gather3A_682 = tpu.vector_load_idx %arg9[%add3A_681] : memref<12800xf32, #tpu.memory_space<vmem>>[vector<16xi32>], vector<16xf32>,
      %add3A_683 = arith.addf %add3A_665, %gather3A_682 : vector<16xf32>
      %add3A_684 = vector.broadcast %scan3A_679 : i32 to vector<16xi32>
      %add3A_685 = arith.addi %add3A_11, %add3A_684 : vector<16xi32>
      %gather3A_686 = tpu.vector_load_idx %arg9[%add3A_685] : memref<12800xf32, #tpu.memory_space<vmem>>[vector<16xi32>], vector<16xf32>,
      %add3A_687 = arith.addf %add3A_669, %gather3A_686 : vector<16xf32>
      %add3A_688 = vector.broadcast %scan3A_679 : i32 to vector<16xi32>
      %add3A_689 = arith.addi %add3A_14, %add3A_688 : vector<16xi32>
      %gather3A_690 = tpu.vector_load_idx %arg9[%add3A_689] : memref<12800xf32, #tpu.memory_space<vmem>>[vector<16xi32>], vector<16xf32>,
      %add3A_691 = arith.addf %add3A_673, %gather3A_690 : vector<16xf32>
      %add3A_692 = vector.broadcast %scan3A_679 : i32 to vector<16xi32>
      %add3A_693 = arith.addi %add3A_17, %add3A_692 : vector<16xi32>
      %gather3A_694 = tpu.vector_load_idx %arg9[%add3A_693] : memref<12800xf32, #tpu.memory_space<vmem>>[vector<16xi32>], vector<16xf32>,
      %add3A_695 = arith.addf %add3A_677, %gather3A_694 : vector<16xf32>
      scf.yield %add3A_683, %add3A_687, %add3A_691, %add3A_695 : vector<16xf32>, vector<16xf32>, vector<16xf32>, vector<16xf32>
    }
    %scan3A_473 = arith.constant 200 : i32
    %swap3A_474 = arith.constant 256 : index
    %swap3A_475 = tpu.vector_load %arg15[%swap3A_474] {strides = array<i32>} : memref<512xf32, #tpu.memory_space<vmem>>, vector<16xf32>,
    tpu.vector_store %arg15[%swap3A_474], %scan3A_472#0 {strides = array<i32>} : memref<512xf32, #tpu.memory_space<vmem>>, vector<16xf32>,
    %swap3A_476 = arith.constant 272 : index
    %swap3A_477 = tpu.vector_load %arg15[%swap3A_476] {strides = array<i32>} : memref<512xf32, #tpu.memory_space<vmem>>, vector<16xf32>,
    tpu.vector_store %arg15[%swap3A_476], %scan3A_472#1 {strides = array<i32>} : memref<512xf32, #tpu.memory_space<vmem>>, vector<16xf32>,
    %swap3A_478 = arith.constant 288 : index
    %swap3A_479 = tpu.vector_load %arg15[%swap3A_478] {strides = array<i32>} : memref<512xf32, #tpu.memory_space<vmem>>, vector<16xf32>,
    tpu.vector_store %arg15[%swap3A_478], %scan3A_472#2 {strides = array<i32>} : memref<512xf32, #tpu.memory_space<vmem>>, vector<16xf32>,
    %swap3A_480 = arith.constant 304 : index
    %swap3A_481 = tpu.vector_load %arg15[%swap3A_480] {strides = array<i32>} : memref<512xf32, #tpu.memory_space<vmem>>, vector<16xf32>,
    tpu.vector_store %arg15[%swap3A_480], %scan3A_472#3 {strides = array<i32>} : memref<512xf32, #tpu.memory_space<vmem>>, vector<16xf32>,
    %dma_wait3A_482 = arith.constant 0 : i32
    %dma_wait3A_483 = tpu.memref_slice %arg16[%dma_wait3A_482] : memref<1000064xf32, #tpu.memory_space<vmem_shared>> -> memref<1000064xf32, #tpu.memory_space<vmem_shared>>
    tpu.wait_indirect_dma semaphore(%arg20 : memref<!tpu.dma_semaphore, #tpu.memory_space<semaphore_mem>>) src(%dma_wait3A_483 : memref<1000064xf32, #tpu.memory_space<vmem_shared>>) dst(%arg10 : memref<12800xf32, #tpu.memory_space<vmem>>)
    %dma_wait3A_484 = tpu.memref_slice %arg2[%mul3A_465] : memref<3276800xi32, #tpu.memory_space<hbm>> -> memref<12800xi32, #tpu.memory_space<hbm>>
    %dma_wait3A_485 = tpu.memref_slice %arg2[%mul3A_465] : memref<3276800xi32, #tpu.memory_space<hbm>> -> memref<12800xi32, #tpu.memory_space<hbm>>
    tpu.wait_dma2 semaphore(%arg17 : memref<!tpu.dma_semaphore, #tpu.memory_space<semaphore_mem>>) src(%dma_wait3A_485 : memref<12800xi32, #tpu.memory_space<hbm>>) dst(%arg7 : memref<12800xi32, #tpu.memory_space<vmem>>)
    %dma_start3A_486 = arith.constant 0 : i32
    %dma_start3A_487 = tpu.memref_slice %arg16[%dma_start3A_486] : memref<1000064xf32, #tpu.memory_space<vmem_shared>> -> memref<1000064xf32, #tpu.memory_space<vmem_shared>>
    tpu.enqueue_indirect_dma source(%dma_start3A_487 : memref<1000064xf32, #tpu.memory_space<vmem_shared>>) target(%arg9 : memref<12800xf32, #tpu.memory_space<vmem>>) offsets(%arg7 : memref<12800xi32, #tpu.memory_space<vmem>>) semaphore(%arg19 : memref<!tpu.dma_semaphore, #tpu.memory_space<semaphore_mem>>)
    %add3A_488 = arith.constant 448 : i32
    %add3A_489 = arith.addi %mul3A_2, %add3A_488 : i32
    %mul3A_490 = arith.constant 200 : i32
    %mul3A_491 = arith.muli %add3A_489, %mul3A_490 : i32
    %dma_start3A_492 = tpu.memref_slice %arg2[%mul3A_491] : memref<3276800xi32, #tpu.memory_space<hbm>> -> memref<12800xi32, #tpu.memory_space<hbm>>
    %dma_start3A_493 = tpu.memref_slice %arg2[%mul3A_491] : memref<3276800xi32, #tpu.memory_space<hbm>> -> memref<12800xi32, #tpu.memory_space<hbm>>
    tpu.enqueue_dma source(%dma_start3A_493 : memref<12800xi32, #tpu.memory_space<hbm>>) target(%arg8 : memref<12800xi32, #tpu.memory_space<vmem>>) target_semaphore(%arg18 : memref<!tpu.dma_semaphore, #tpu.memory_space<semaphore_mem>>)
    %scan3A_494 = arith.constant 0 : i32
    %scan3A_495 = arith.constant 200 : i32
    %scan3A_496 = arith.addi %scan3A_494, %scan3A_495 : i32
    %scan3A_497 = arith.constant 8 : i32
    %scan3A_498:4 = scf.for %scan3A_550 = %scan3A_494 to %scan3A_496 step %scan3A_497 iter_args(%scan3A_551 = %broadcast_in_dim3A_18, %scan3A_552 = %broadcast_in_dim3A_18, %scan3A_553 = %broadcast_in_dim3A_18, %scan3A_554 = %broadcast_in_dim3A_18) -> (vector<16xf32>, vector<16xf32>, vector<16xf32>, vector<16xf32>)  : i32 {
      %add3A_555 = vector.broadcast %scan3A_550 : i32 to vector<16xi32>
      %add3A_556 = arith.addi %add3A_8, %add3A_555 : vector<16xi32>
      %gather3A = tpu.vector_load_idx %arg10[%add3A_556] : memref<12800xf32, #tpu.memory_space<vmem>>[vector<16xi32>], vector<16xf32>,
      %add3A_557 = arith.addf %scan3A_551, %gather3A : vector<16xf32>
      %add3A_558 = vector.broadcast %scan3A_550 : i32 to vector<16xi32>
      %add3A_559 = arith.addi %add3A_11, %add3A_558 : vector<16xi32>
      %gather3A_560 = tpu.vector_load_idx %arg10[%add3A_559] : memref<12800xf32, #tpu.memory_space<vmem>>[vector<16xi32>], vector<16xf32>,
      %add3A_561 = arith.addf %scan3A_552, %gather3A_560 : vector<16xf32>
      %add3A_562 = vector.broadcast %scan3A_550 : i32 to vector<16xi32>
      %add3A_563 = arith.addi %add3A_14, %add3A_562 : vector<16xi32>
      %gather3A_564 = tpu.vector_load_idx %arg10[%add3A_563] : memref<12800xf32, #tpu.memory_space<vmem>>[vector<16xi32>], vector<16xf32>,
      %add3A_565 = arith.addf %scan3A_553, %gather3A_564 : vector<16xf32>
      %add3A_566 = vector.broadcast %scan3A_550 : i32 to vector<16xi32>
      %add3A_567 = arith.addi %add3A_17, %add3A_566 : vector<16xi32>
      %gather3A_568 = tpu.vector_load_idx %arg10[%add3A_567] : memref<12800xf32, #tpu.memory_space<vmem>>[vector<16xi32>], vector<16xf32>,
      %add3A_569 = arith.addf %scan3A_554, %gather3A_568 : vector<16xf32>
      %scan3A_570 = arith.constant 1 : i32
      %scan3A_571 = arith.addi %scan3A_550, %scan3A_570 : i32
      %add3A_572 = vector.broadcast %scan3A_571 : i32 to vector<16xi32>
      %add3A_573 = arith.addi %add3A_8, %add3A_572 : vector<16xi32>
      %gather3A_574 = tpu.vector_load_idx %arg10[%add3A_573] : memref<12800xf32, #tpu.memory_space<vmem>>[vector<16xi32>], vector<16xf32>,
      %add3A_575 = arith.addf %add3A_557, %gather3A_574 : vector<16xf32>
      %add3A_576 = vector.broadcast %scan3A_571 : i32 to vector<16xi32>
      %add3A_577 = arith.addi %add3A_11, %add3A_576 : vector<16xi32>
      %gather3A_578 = tpu.vector_load_idx %arg10[%add3A_577] : memref<12800xf32, #tpu.memory_space<vmem>>[vector<16xi32>], vector<16xf32>,
      %add3A_579 = arith.addf %add3A_561, %gather3A_578 : vector<16xf32>
      %add3A_580 = vector.broadcast %scan3A_571 : i32 to vector<16xi32>
      %add3A_581 = arith.addi %add3A_14, %add3A_580 : vector<16xi32>
      %gather3A_582 = tpu.vector_load_idx %arg10[%add3A_581] : memref<12800xf32, #tpu.memory_space<vmem>>[vector<16xi32>], vector<16xf32>,
      %add3A_583 = arith.addf %add3A_565, %gather3A_582 : vector<16xf32>
      %add3A_584 = vector.broadcast %scan3A_571 : i32 to vector<16xi32>
      %add3A_585 = arith.addi %add3A_17, %add3A_584 : vector<16xi32>
      %gather3A_586 = tpu.vector_load_idx %arg10[%add3A_585] : memref<12800xf32, #tpu.memory_space<vmem>>[vector<16xi32>], vector<16xf32>,
      %add3A_587 = arith.addf %add3A_569, %gather3A_586 : vector<16xf32>
      %scan3A_588 = arith.constant 2 : i32
      %scan3A_589 = arith.addi %scan3A_550, %scan3A_588 : i32
      %add3A_590 = vector.broadcast %scan3A_589 : i32 to vector<16xi32>
      %add3A_591 = arith.addi %add3A_8, %add3A_590 : vector<16xi32>
      %gather3A_592 = tpu.vector_load_idx %arg10[%add3A_591] : memref<12800xf32, #tpu.memory_space<vmem>>[vector<16xi32>], vector<16xf32>,
      %add3A_593 = arith.addf %add3A_575, %gather3A_592 : vector<16xf32>
      %add3A_594 = vector.broadcast %scan3A_589 : i32 to vector<16xi32>
      %add3A_595 = arith.addi %add3A_11, %add3A_594 : vector<16xi32>
      %gather3A_596 = tpu.vector_load_idx %arg10[%add3A_595] : memref<12800xf32, #tpu.memory_space<vmem>>[vector<16xi32>], vector<16xf32>,
      %add3A_597 = arith.addf %add3A_579, %gather3A_596 : vector<16xf32>
      %add3A_598 = vector.broadcast %scan3A_589 : i32 to vector<16xi32>
      %add3A_599 = arith.addi %add3A_14, %add3A_598 : vector<16xi32>
      %gather3A_600 = tpu.vector_load_idx %arg10[%add3A_599] : memref<12800xf32, #tpu.memory_space<vmem>>[vector<16xi32>], vector<16xf32>,
      %add3A_601 = arith.addf %add3A_583, %gather3A_600 : vector<16xf32>
      %add3A_602 = vector.broadcast %scan3A_589 : i32 to vector<16xi32>
      %add3A_603 = arith.addi %add3A_17, %add3A_602 : vector<16xi32>
      %gather3A_604 = tpu.vector_load_idx %arg10[%add3A_603] : memref<12800xf32, #tpu.memory_space<vmem>>[vector<16xi32>], vector<16xf32>,
      %add3A_605 = arith.addf %add3A_587, %gather3A_604 : vector<16xf32>
      %scan3A_606 = arith.constant 3 : i32
      %scan3A_607 = arith.addi %scan3A_550, %scan3A_606 : i32
      %add3A_608 = vector.broadcast %scan3A_607 : i32 to vector<16xi32>
      %add3A_609 = arith.addi %add3A_8, %add3A_608 : vector<16xi32>
      %gather3A_610 = tpu.vector_load_idx %arg10[%add3A_609] : memref<12800xf32, #tpu.memory_space<vmem>>[vector<16xi32>], vector<16xf32>,
      %add3A_611 = arith.addf %add3A_593, %gather3A_610 : vector<16xf32>
      %add3A_612 = vector.broadcast %scan3A_607 : i32 to vector<16xi32>
      %add3A_613 = arith.addi %add3A_11, %add3A_612 : vector<16xi32>
      %gather3A_614 = tpu.vector_load_idx %arg10[%add3A_613] : memref<12800xf32, #tpu.memory_space<vmem>>[vector<16xi32>], vector<16xf32>,
      %add3A_615 = arith.addf %add3A_597, %gather3A_614 : vector<16xf32>
      %add3A_616 = vector.broadcast %scan3A_607 : i32 to vector<16xi32>
      %add3A_617 = arith.addi %add3A_14, %add3A_616 : vector<16xi32>
      %gather3A_618 = tpu.vector_load_idx %arg10[%add3A_617] : memref<12800xf32, #tpu.memory_space<vmem>>[vector<16xi32>], vector<16xf32>,
      %add3A_619 = arith.addf %add3A_601, %gather3A_618 : vector<16xf32>
      %add3A_620 = vector.broadcast %scan3A_607 : i32 to vector<16xi32>
      %add3A_621 = arith.addi %add3A_17, %add3A_620 : vector<16xi32>
      %gather3A_622 = tpu.vector_load_idx %arg10[%add3A_621] : memref<12800xf32, #tpu.memory_space<vmem>>[vector<16xi32>], vector<16xf32>,
      %add3A_623 = arith.addf %add3A_605, %gather3A_622 : vector<16xf32>
      %scan3A_624 = arith.constant 4 : i32
      %scan3A_625 = arith.addi %scan3A_550, %scan3A_624 : i32
      %add3A_626 = vector.broadcast %scan3A_625 : i32 to vector<16xi32>
      %add3A_627 = arith.addi %add3A_8, %add3A_626 : vector<16xi32>
      %gather3A_628 = tpu.vector_load_idx %arg10[%add3A_627] : memref<12800xf32, #tpu.memory_space<vmem>>[vector<16xi32>], vector<16xf32>,
      %add3A_629 = arith.addf %add3A_611, %gather3A_628 : vector<16xf32>
      %add3A_630 = vector.broadcast %scan3A_625 : i32 to vector<16xi32>
      %add3A_631 = arith.addi %add3A_11, %add3A_630 : vector<16xi32>
      %gather3A_632 = tpu.vector_load_idx %arg10[%add3A_631] : memref<12800xf32, #tpu.memory_space<vmem>>[vector<16xi32>], vector<16xf32>,
      %add3A_633 = arith.addf %add3A_615, %gather3A_632 : vector<16xf32>
      %add3A_634 = vector.broadcast %scan3A_625 : i32 to vector<16xi32>
      %add3A_635 = arith.addi %add3A_14, %add3A_634 : vector<16xi32>
      %gather3A_636 = tpu.vector_load_idx %arg10[%add3A_635] : memref<12800xf32, #tpu.memory_space<vmem>>[vector<16xi32>], vector<16xf32>,
      %add3A_637 = arith.addf %add3A_619, %gather3A_636 : vector<16xf32>
      %add3A_638 = vector.broadcast %scan3A_625 : i32 to vector<16xi32>
      %add3A_639 = arith.addi %add3A_17, %add3A_638 : vector<16xi32>
      %gather3A_640 = tpu.vector_load_idx %arg10[%add3A_639] : memref<12800xf32, #tpu.memory_space<vmem>>[vector<16xi32>], vector<16xf32>,
      %add3A_641 = arith.addf %add3A_623, %gather3A_640 : vector<16xf32>
      %scan3A_642 = arith.constant 5 : i32
      %scan3A_643 = arith.addi %scan3A_550, %scan3A_642 : i32
      %add3A_644 = vector.broadcast %scan3A_643 : i32 to vector<16xi32>
      %add3A_645 = arith.addi %add3A_8, %add3A_644 : vector<16xi32>
      %gather3A_646 = tpu.vector_load_idx %arg10[%add3A_645] : memref<12800xf32, #tpu.memory_space<vmem>>[vector<16xi32>], vector<16xf32>,
      %add3A_647 = arith.addf %add3A_629, %gather3A_646 : vector<16xf32>
      %add3A_648 = vector.broadcast %scan3A_643 : i32 to vector<16xi32>
      %add3A_649 = arith.addi %add3A_11, %add3A_648 : vector<16xi32>
      %gather3A_650 = tpu.vector_load_idx %arg10[%add3A_649] : memref<12800xf32, #tpu.memory_space<vmem>>[vector<16xi32>], vector<16xf32>,
      %add3A_651 = arith.addf %add3A_633, %gather3A_650 : vector<16xf32>
      %add3A_652 = vector.broadcast %scan3A_643 : i32 to vector<16xi32>
      %add3A_653 = arith.addi %add3A_14, %add3A_652 : vector<16xi32>
      %gather3A_654 = tpu.vector_load_idx %arg10[%add3A_653] : memref<12800xf32, #tpu.memory_space<vmem>>[vector<16xi32>], vector<16xf32>,
      %add3A_655 = arith.addf %add3A_637, %gather3A_654 : vector<16xf32>
      %add3A_656 = vector.broadcast %scan3A_643 : i32 to vector<16xi32>
      %add3A_657 = arith.addi %add3A_17, %add3A_656 : vector<16xi32>
      %gather3A_658 = tpu.vector_load_idx %arg10[%add3A_657] : memref<12800xf32, #tpu.memory_space<vmem>>[vector<16xi32>], vector<16xf32>,
      %add3A_659 = arith.addf %add3A_641, %gather3A_658 : vector<16xf32>
      %scan3A_660 = arith.constant 6 : i32
      %scan3A_661 = arith.addi %scan3A_550, %scan3A_660 : i32
      %add3A_662 = vector.broadcast %scan3A_661 : i32 to vector<16xi32>
      %add3A_663 = arith.addi %add3A_8, %add3A_662 : vector<16xi32>
      %gather3A_664 = tpu.vector_load_idx %arg10[%add3A_663] : memref<12800xf32, #tpu.memory_space<vmem>>[vector<16xi32>], vector<16xf32>,
      %add3A_665 = arith.addf %add3A_647, %gather3A_664 : vector<16xf32>
      %add3A_666 = vector.broadcast %scan3A_661 : i32 to vector<16xi32>
      %add3A_667 = arith.addi %add3A_11, %add3A_666 : vector<16xi32>
      %gather3A_668 = tpu.vector_load_idx %arg10[%add3A_667] : memref<12800xf32, #tpu.memory_space<vmem>>[vector<16xi32>], vector<16xf32>,
      %add3A_669 = arith.addf %add3A_651, %gather3A_668 : vector<16xf32>
      %add3A_670 = vector.broadcast %scan3A_661 : i32 to vector<16xi32>
      %add3A_671 = arith.addi %add3A_14, %add3A_670 : vector<16xi32>
      %gather3A_672 = tpu.vector_load_idx %arg10[%add3A_671] : memref<12800xf32, #tpu.memory_space<vmem>>[vector<16xi32>], vector<16xf32>,
      %add3A_673 = arith.addf %add3A_655, %gather3A_672 : vector<16xf32>
      %add3A_674 = vector.broadcast %scan3A_661 : i32 to vector<16xi32>
      %add3A_675 = arith.addi %add3A_17, %add3A_674 : vector<16xi32>
      %gather3A_676 = tpu.vector_load_idx %arg10[%add3A_675] : memref<12800xf32, #tpu.memory_space<vmem>>[vector<16xi32>], vector<16xf32>,
      %add3A_677 = arith.addf %add3A_659, %gather3A_676 : vector<16xf32>
      %scan3A_678 = arith.constant 7 : i32
      %scan3A_679 = arith.addi %scan3A_550, %scan3A_678 : i32
      %add3A_680 = vector.broadcast %scan3A_679 : i32 to vector<16xi32>
      %add3A_681 = arith.addi %add3A_8, %add3A_680 : vector<16xi32>
      %gather3A_682 = tpu.vector_load_idx %arg10[%add3A_681] : memref<12800xf32, #tpu.memory_space<vmem>>[vector<16xi32>], vector<16xf32>,
      %add3A_683 = arith.addf %add3A_665, %gather3A_682 : vector<16xf32>
      %add3A_684 = vector.broadcast %scan3A_679 : i32 to vector<16xi32>
      %add3A_685 = arith.addi %add3A_11, %add3A_684 : vector<16xi32>
      %gather3A_686 = tpu.vector_load_idx %arg10[%add3A_685] : memref<12800xf32, #tpu.memory_space<vmem>>[vector<16xi32>], vector<16xf32>,
      %add3A_687 = arith.addf %add3A_669, %gather3A_686 : vector<16xf32>
      %add3A_688 = vector.broadcast %scan3A_679 : i32 to vector<16xi32>
      %add3A_689 = arith.addi %add3A_14, %add3A_688 : vector<16xi32>
      %gather3A_690 = tpu.vector_load_idx %arg10[%add3A_689] : memref<12800xf32, #tpu.memory_space<vmem>>[vector<16xi32>], vector<16xf32>,
      %add3A_691 = arith.addf %add3A_673, %gather3A_690 : vector<16xf32>
      %add3A_692 = vector.broadcast %scan3A_679 : i32 to vector<16xi32>
      %add3A_693 = arith.addi %add3A_17, %add3A_692 : vector<16xi32>
      %gather3A_694 = tpu.vector_load_idx %arg10[%add3A_693] : memref<12800xf32, #tpu.memory_space<vmem>>[vector<16xi32>], vector<16xf32>,
      %add3A_695 = arith.addf %add3A_677, %gather3A_694 : vector<16xf32>
      scf.yield %add3A_683, %add3A_687, %add3A_691, %add3A_695 : vector<16xf32>, vector<16xf32>, vector<16xf32>, vector<16xf32>
    }
    %scan3A_499 = arith.constant 200 : i32
    %swap3A_500 = arith.constant 320 : index
    %swap3A_501 = tpu.vector_load %arg15[%swap3A_500] {strides = array<i32>} : memref<512xf32, #tpu.memory_space<vmem>>, vector<16xf32>,
    tpu.vector_store %arg15[%swap3A_500], %scan3A_498#0 {strides = array<i32>} : memref<512xf32, #tpu.memory_space<vmem>>, vector<16xf32>,
    %swap3A_502 = arith.constant 336 : index
    %swap3A_503 = tpu.vector_load %arg15[%swap3A_502] {strides = array<i32>} : memref<512xf32, #tpu.memory_space<vmem>>, vector<16xf32>,
    tpu.vector_store %arg15[%swap3A_502], %scan3A_498#1 {strides = array<i32>} : memref<512xf32, #tpu.memory_space<vmem>>, vector<16xf32>,
    %swap3A_504 = arith.constant 352 : index
    %swap3A_505 = tpu.vector_load %arg15[%swap3A_504] {strides = array<i32>} : memref<512xf32, #tpu.memory_space<vmem>>, vector<16xf32>,
    tpu.vector_store %arg15[%swap3A_504], %scan3A_498#2 {strides = array<i32>} : memref<512xf32, #tpu.memory_space<vmem>>, vector<16xf32>,
    %swap3A_506 = arith.constant 368 : index
    %swap3A_507 = tpu.vector_load %arg15[%swap3A_506] {strides = array<i32>} : memref<512xf32, #tpu.memory_space<vmem>>, vector<16xf32>,
    tpu.vector_store %arg15[%swap3A_506], %scan3A_498#3 {strides = array<i32>} : memref<512xf32, #tpu.memory_space<vmem>>, vector<16xf32>,
    %dma_wait3A_508 = arith.constant 0 : i32
    %dma_wait3A_509 = tpu.memref_slice %arg16[%dma_wait3A_508] : memref<1000064xf32, #tpu.memory_space<vmem_shared>> -> memref<1000064xf32, #tpu.memory_space<vmem_shared>>
    tpu.wait_indirect_dma semaphore(%arg19 : memref<!tpu.dma_semaphore, #tpu.memory_space<semaphore_mem>>) src(%dma_wait3A_509 : memref<1000064xf32, #tpu.memory_space<vmem_shared>>) dst(%arg9 : memref<12800xf32, #tpu.memory_space<vmem>>)
    %dma_wait3A_510 = tpu.memref_slice %arg2[%mul3A_491] : memref<3276800xi32, #tpu.memory_space<hbm>> -> memref<12800xi32, #tpu.memory_space<hbm>>
    %dma_wait3A_511 = tpu.memref_slice %arg2[%mul3A_491] : memref<3276800xi32, #tpu.memory_space<hbm>> -> memref<12800xi32, #tpu.memory_space<hbm>>
    tpu.wait_dma2 semaphore(%arg18 : memref<!tpu.dma_semaphore, #tpu.memory_space<semaphore_mem>>) src(%dma_wait3A_511 : memref<12800xi32, #tpu.memory_space<hbm>>) dst(%arg8 : memref<12800xi32, #tpu.memory_space<vmem>>)
    %dma_start3A_512 = arith.constant 0 : i32
    %dma_start3A_513 = tpu.memref_slice %arg16[%dma_start3A_512] : memref<1000064xf32, #tpu.memory_space<vmem_shared>> -> memref<1000064xf32, #tpu.memory_space<vmem_shared>>
    tpu.enqueue_indirect_dma source(%dma_start3A_513 : memref<1000064xf32, #tpu.memory_space<vmem_shared>>) target(%arg10 : memref<12800xf32, #tpu.memory_space<vmem>>) offsets(%arg8 : memref<12800xi32, #tpu.memory_space<vmem>>) semaphore(%arg20 : memref<!tpu.dma_semaphore, #tpu.memory_space<semaphore_mem>>)
    %scan3A_514 = arith.constant 0 : i32
    %scan3A_515 = arith.constant 200 : i32
    %scan3A_516 = arith.addi %scan3A_514, %scan3A_515 : i32
    %scan3A_517 = arith.constant 8 : i32
    %scan3A_518:4 = scf.for %scan3A_550 = %scan3A_514 to %scan3A_516 step %scan3A_517 iter_args(%scan3A_551 = %broadcast_in_dim3A_18, %scan3A_552 = %broadcast_in_dim3A_18, %scan3A_553 = %broadcast_in_dim3A_18, %scan3A_554 = %broadcast_in_dim3A_18) -> (vector<16xf32>, vector<16xf32>, vector<16xf32>, vector<16xf32>)  : i32 {
      %add3A_555 = vector.broadcast %scan3A_550 : i32 to vector<16xi32>
      %add3A_556 = arith.addi %add3A_8, %add3A_555 : vector<16xi32>
      %gather3A = tpu.vector_load_idx %arg9[%add3A_556] : memref<12800xf32, #tpu.memory_space<vmem>>[vector<16xi32>], vector<16xf32>,
      %add3A_557 = arith.addf %scan3A_551, %gather3A : vector<16xf32>
      %add3A_558 = vector.broadcast %scan3A_550 : i32 to vector<16xi32>
      %add3A_559 = arith.addi %add3A_11, %add3A_558 : vector<16xi32>
      %gather3A_560 = tpu.vector_load_idx %arg9[%add3A_559] : memref<12800xf32, #tpu.memory_space<vmem>>[vector<16xi32>], vector<16xf32>,
      %add3A_561 = arith.addf %scan3A_552, %gather3A_560 : vector<16xf32>
      %add3A_562 = vector.broadcast %scan3A_550 : i32 to vector<16xi32>
      %add3A_563 = arith.addi %add3A_14, %add3A_562 : vector<16xi32>
      %gather3A_564 = tpu.vector_load_idx %arg9[%add3A_563] : memref<12800xf32, #tpu.memory_space<vmem>>[vector<16xi32>], vector<16xf32>,
      %add3A_565 = arith.addf %scan3A_553, %gather3A_564 : vector<16xf32>
      %add3A_566 = vector.broadcast %scan3A_550 : i32 to vector<16xi32>
      %add3A_567 = arith.addi %add3A_17, %add3A_566 : vector<16xi32>
      %gather3A_568 = tpu.vector_load_idx %arg9[%add3A_567] : memref<12800xf32, #tpu.memory_space<vmem>>[vector<16xi32>], vector<16xf32>,
      %add3A_569 = arith.addf %scan3A_554, %gather3A_568 : vector<16xf32>
      %scan3A_570 = arith.constant 1 : i32
      %scan3A_571 = arith.addi %scan3A_550, %scan3A_570 : i32
      %add3A_572 = vector.broadcast %scan3A_571 : i32 to vector<16xi32>
      %add3A_573 = arith.addi %add3A_8, %add3A_572 : vector<16xi32>
      %gather3A_574 = tpu.vector_load_idx %arg9[%add3A_573] : memref<12800xf32, #tpu.memory_space<vmem>>[vector<16xi32>], vector<16xf32>,
      %add3A_575 = arith.addf %add3A_557, %gather3A_574 : vector<16xf32>
      %add3A_576 = vector.broadcast %scan3A_571 : i32 to vector<16xi32>
      %add3A_577 = arith.addi %add3A_11, %add3A_576 : vector<16xi32>
      %gather3A_578 = tpu.vector_load_idx %arg9[%add3A_577] : memref<12800xf32, #tpu.memory_space<vmem>>[vector<16xi32>], vector<16xf32>,
      %add3A_579 = arith.addf %add3A_561, %gather3A_578 : vector<16xf32>
      %add3A_580 = vector.broadcast %scan3A_571 : i32 to vector<16xi32>
      %add3A_581 = arith.addi %add3A_14, %add3A_580 : vector<16xi32>
      %gather3A_582 = tpu.vector_load_idx %arg9[%add3A_581] : memref<12800xf32, #tpu.memory_space<vmem>>[vector<16xi32>], vector<16xf32>,
      %add3A_583 = arith.addf %add3A_565, %gather3A_582 : vector<16xf32>
      %add3A_584 = vector.broadcast %scan3A_571 : i32 to vector<16xi32>
      %add3A_585 = arith.addi %add3A_17, %add3A_584 : vector<16xi32>
      %gather3A_586 = tpu.vector_load_idx %arg9[%add3A_585] : memref<12800xf32, #tpu.memory_space<vmem>>[vector<16xi32>], vector<16xf32>,
      %add3A_587 = arith.addf %add3A_569, %gather3A_586 : vector<16xf32>
      %scan3A_588 = arith.constant 2 : i32
      %scan3A_589 = arith.addi %scan3A_550, %scan3A_588 : i32
      %add3A_590 = vector.broadcast %scan3A_589 : i32 to vector<16xi32>
      %add3A_591 = arith.addi %add3A_8, %add3A_590 : vector<16xi32>
      %gather3A_592 = tpu.vector_load_idx %arg9[%add3A_591] : memref<12800xf32, #tpu.memory_space<vmem>>[vector<16xi32>], vector<16xf32>,
      %add3A_593 = arith.addf %add3A_575, %gather3A_592 : vector<16xf32>
      %add3A_594 = vector.broadcast %scan3A_589 : i32 to vector<16xi32>
      %add3A_595 = arith.addi %add3A_11, %add3A_594 : vector<16xi32>
      %gather3A_596 = tpu.vector_load_idx %arg9[%add3A_595] : memref<12800xf32, #tpu.memory_space<vmem>>[vector<16xi32>], vector<16xf32>,
      %add3A_597 = arith.addf %add3A_579, %gather3A_596 : vector<16xf32>
      %add3A_598 = vector.broadcast %scan3A_589 : i32 to vector<16xi32>
      %add3A_599 = arith.addi %add3A_14, %add3A_598 : vector<16xi32>
      %gather3A_600 = tpu.vector_load_idx %arg9[%add3A_599] : memref<12800xf32, #tpu.memory_space<vmem>>[vector<16xi32>], vector<16xf32>,
      %add3A_601 = arith.addf %add3A_583, %gather3A_600 : vector<16xf32>
      %add3A_602 = vector.broadcast %scan3A_589 : i32 to vector<16xi32>
      %add3A_603 = arith.addi %add3A_17, %add3A_602 : vector<16xi32>
      %gather3A_604 = tpu.vector_load_idx %arg9[%add3A_603] : memref<12800xf32, #tpu.memory_space<vmem>>[vector<16xi32>], vector<16xf32>,
      %add3A_605 = arith.addf %add3A_587, %gather3A_604 : vector<16xf32>
      %scan3A_606 = arith.constant 3 : i32
      %scan3A_607 = arith.addi %scan3A_550, %scan3A_606 : i32
      %add3A_608 = vector.broadcast %scan3A_607 : i32 to vector<16xi32>
      %add3A_609 = arith.addi %add3A_8, %add3A_608 : vector<16xi32>
      %gather3A_610 = tpu.vector_load_idx %arg9[%add3A_609] : memref<12800xf32, #tpu.memory_space<vmem>>[vector<16xi32>], vector<16xf32>,
      %add3A_611 = arith.addf %add3A_593, %gather3A_610 : vector<16xf32>
      %add3A_612 = vector.broadcast %scan3A_607 : i32 to vector<16xi32>
      %add3A_613 = arith.addi %add3A_11, %add3A_612 : vector<16xi32>
      %gather3A_614 = tpu.vector_load_idx %arg9[%add3A_613] : memref<12800xf32, #tpu.memory_space<vmem>>[vector<16xi32>], vector<16xf32>,
      %add3A_615 = arith.addf %add3A_597, %gather3A_614 : vector<16xf32>
      %add3A_616 = vector.broadcast %scan3A_607 : i32 to vector<16xi32>
      %add3A_617 = arith.addi %add3A_14, %add3A_616 : vector<16xi32>
      %gather3A_618 = tpu.vector_load_idx %arg9[%add3A_617] : memref<12800xf32, #tpu.memory_space<vmem>>[vector<16xi32>], vector<16xf32>,
      %add3A_619 = arith.addf %add3A_601, %gather3A_618 : vector<16xf32>
      %add3A_620 = vector.broadcast %scan3A_607 : i32 to vector<16xi32>
      %add3A_621 = arith.addi %add3A_17, %add3A_620 : vector<16xi32>
      %gather3A_622 = tpu.vector_load_idx %arg9[%add3A_621] : memref<12800xf32, #tpu.memory_space<vmem>>[vector<16xi32>], vector<16xf32>,
      %add3A_623 = arith.addf %add3A_605, %gather3A_622 : vector<16xf32>
      %scan3A_624 = arith.constant 4 : i32
      %scan3A_625 = arith.addi %scan3A_550, %scan3A_624 : i32
      %add3A_626 = vector.broadcast %scan3A_625 : i32 to vector<16xi32>
      %add3A_627 = arith.addi %add3A_8, %add3A_626 : vector<16xi32>
      %gather3A_628 = tpu.vector_load_idx %arg9[%add3A_627] : memref<12800xf32, #tpu.memory_space<vmem>>[vector<16xi32>], vector<16xf32>,
      %add3A_629 = arith.addf %add3A_611, %gather3A_628 : vector<16xf32>
      %add3A_630 = vector.broadcast %scan3A_625 : i32 to vector<16xi32>
      %add3A_631 = arith.addi %add3A_11, %add3A_630 : vector<16xi32>
      %gather3A_632 = tpu.vector_load_idx %arg9[%add3A_631] : memref<12800xf32, #tpu.memory_space<vmem>>[vector<16xi32>], vector<16xf32>,
      %add3A_633 = arith.addf %add3A_615, %gather3A_632 : vector<16xf32>
      %add3A_634 = vector.broadcast %scan3A_625 : i32 to vector<16xi32>
      %add3A_635 = arith.addi %add3A_14, %add3A_634 : vector<16xi32>
      %gather3A_636 = tpu.vector_load_idx %arg9[%add3A_635] : memref<12800xf32, #tpu.memory_space<vmem>>[vector<16xi32>], vector<16xf32>,
      %add3A_637 = arith.addf %add3A_619, %gather3A_636 : vector<16xf32>
      %add3A_638 = vector.broadcast %scan3A_625 : i32 to vector<16xi32>
      %add3A_639 = arith.addi %add3A_17, %add3A_638 : vector<16xi32>
      %gather3A_640 = tpu.vector_load_idx %arg9[%add3A_639] : memref<12800xf32, #tpu.memory_space<vmem>>[vector<16xi32>], vector<16xf32>,
      %add3A_641 = arith.addf %add3A_623, %gather3A_640 : vector<16xf32>
      %scan3A_642 = arith.constant 5 : i32
      %scan3A_643 = arith.addi %scan3A_550, %scan3A_642 : i32
      %add3A_644 = vector.broadcast %scan3A_643 : i32 to vector<16xi32>
      %add3A_645 = arith.addi %add3A_8, %add3A_644 : vector<16xi32>
      %gather3A_646 = tpu.vector_load_idx %arg9[%add3A_645] : memref<12800xf32, #tpu.memory_space<vmem>>[vector<16xi32>], vector<16xf32>,
      %add3A_647 = arith.addf %add3A_629, %gather3A_646 : vector<16xf32>
      %add3A_648 = vector.broadcast %scan3A_643 : i32 to vector<16xi32>
      %add3A_649 = arith.addi %add3A_11, %add3A_648 : vector<16xi32>
      %gather3A_650 = tpu.vector_load_idx %arg9[%add3A_649] : memref<12800xf32, #tpu.memory_space<vmem>>[vector<16xi32>], vector<16xf32>,
      %add3A_651 = arith.addf %add3A_633, %gather3A_650 : vector<16xf32>
      %add3A_652 = vector.broadcast %scan3A_643 : i32 to vector<16xi32>
      %add3A_653 = arith.addi %add3A_14, %add3A_652 : vector<16xi32>
      %gather3A_654 = tpu.vector_load_idx %arg9[%add3A_653] : memref<12800xf32, #tpu.memory_space<vmem>>[vector<16xi32>], vector<16xf32>,
      %add3A_655 = arith.addf %add3A_637, %gather3A_654 : vector<16xf32>
      %add3A_656 = vector.broadcast %scan3A_643 : i32 to vector<16xi32>
      %add3A_657 = arith.addi %add3A_17, %add3A_656 : vector<16xi32>
      %gather3A_658 = tpu.vector_load_idx %arg9[%add3A_657] : memref<12800xf32, #tpu.memory_space<vmem>>[vector<16xi32>], vector<16xf32>,
      %add3A_659 = arith.addf %add3A_641, %gather3A_658 : vector<16xf32>
      %scan3A_660 = arith.constant 6 : i32
      %scan3A_661 = arith.addi %scan3A_550, %scan3A_660 : i32
      %add3A_662 = vector.broadcast %scan3A_661 : i32 to vector<16xi32>
      %add3A_663 = arith.addi %add3A_8, %add3A_662 : vector<16xi32>
      %gather3A_664 = tpu.vector_load_idx %arg9[%add3A_663] : memref<12800xf32, #tpu.memory_space<vmem>>[vector<16xi32>], vector<16xf32>,
      %add3A_665 = arith.addf %add3A_647, %gather3A_664 : vector<16xf32>
      %add3A_666 = vector.broadcast %scan3A_661 : i32 to vector<16xi32>
      %add3A_667 = arith.addi %add3A_11, %add3A_666 : vector<16xi32>
      %gather3A_668 = tpu.vector_load_idx %arg9[%add3A_667] : memref<12800xf32, #tpu.memory_space<vmem>>[vector<16xi32>], vector<16xf32>,
      %add3A_669 = arith.addf %add3A_651, %gather3A_668 : vector<16xf32>
      %add3A_670 = vector.broadcast %scan3A_661 : i32 to vector<16xi32>
      %add3A_671 = arith.addi %add3A_14, %add3A_670 : vector<16xi32>
      %gather3A_672 = tpu.vector_load_idx %arg9[%add3A_671] : memref<12800xf32, #tpu.memory_space<vmem>>[vector<16xi32>], vector<16xf32>,
      %add3A_673 = arith.addf %add3A_655, %gather3A_672 : vector<16xf32>
      %add3A_674 = vector.broadcast %scan3A_661 : i32 to vector<16xi32>
      %add3A_675 = arith.addi %add3A_17, %add3A_674 : vector<16xi32>
      %gather3A_676 = tpu.vector_load_idx %arg9[%add3A_675] : memref<12800xf32, #tpu.memory_space<vmem>>[vector<16xi32>], vector<16xf32>,
      %add3A_677 = arith.addf %add3A_659, %gather3A_676 : vector<16xf32>
      %scan3A_678 = arith.constant 7 : i32
      %scan3A_679 = arith.addi %scan3A_550, %scan3A_678 : i32
      %add3A_680 = vector.broadcast %scan3A_679 : i32 to vector<16xi32>
      %add3A_681 = arith.addi %add3A_8, %add3A_680 : vector<16xi32>
      %gather3A_682 = tpu.vector_load_idx %arg9[%add3A_681] : memref<12800xf32, #tpu.memory_space<vmem>>[vector<16xi32>], vector<16xf32>,
      %add3A_683 = arith.addf %add3A_665, %gather3A_682 : vector<16xf32>
      %add3A_684 = vector.broadcast %scan3A_679 : i32 to vector<16xi32>
      %add3A_685 = arith.addi %add3A_11, %add3A_684 : vector<16xi32>
      %gather3A_686 = tpu.vector_load_idx %arg9[%add3A_685] : memref<12800xf32, #tpu.memory_space<vmem>>[vector<16xi32>], vector<16xf32>,
      %add3A_687 = arith.addf %add3A_669, %gather3A_686 : vector<16xf32>
      %add3A_688 = vector.broadcast %scan3A_679 : i32 to vector<16xi32>
      %add3A_689 = arith.addi %add3A_14, %add3A_688 : vector<16xi32>
      %gather3A_690 = tpu.vector_load_idx %arg9[%add3A_689] : memref<12800xf32, #tpu.memory_space<vmem>>[vector<16xi32>], vector<16xf32>,
      %add3A_691 = arith.addf %add3A_673, %gather3A_690 : vector<16xf32>
      %add3A_692 = vector.broadcast %scan3A_679 : i32 to vector<16xi32>
      %add3A_693 = arith.addi %add3A_17, %add3A_692 : vector<16xi32>
      %gather3A_694 = tpu.vector_load_idx %arg9[%add3A_693] : memref<12800xf32, #tpu.memory_space<vmem>>[vector<16xi32>], vector<16xf32>,
      %add3A_695 = arith.addf %add3A_677, %gather3A_694 : vector<16xf32>
      scf.yield %add3A_683, %add3A_687, %add3A_691, %add3A_695 : vector<16xf32>, vector<16xf32>, vector<16xf32>, vector<16xf32>
    }
    %scan3A_519 = arith.constant 200 : i32
    %swap3A_520 = arith.constant 384 : index
    %swap3A_521 = tpu.vector_load %arg15[%swap3A_520] {strides = array<i32>} : memref<512xf32, #tpu.memory_space<vmem>>, vector<16xf32>,
    tpu.vector_store %arg15[%swap3A_520], %scan3A_518#0 {strides = array<i32>} : memref<512xf32, #tpu.memory_space<vmem>>, vector<16xf32>,
    %swap3A_522 = arith.constant 400 : index
    %swap3A_523 = tpu.vector_load %arg15[%swap3A_522] {strides = array<i32>} : memref<512xf32, #tpu.memory_space<vmem>>, vector<16xf32>,
    tpu.vector_store %arg15[%swap3A_522], %scan3A_518#1 {strides = array<i32>} : memref<512xf32, #tpu.memory_space<vmem>>, vector<16xf32>,
    %swap3A_524 = arith.constant 416 : index
    %swap3A_525 = tpu.vector_load %arg15[%swap3A_524] {strides = array<i32>} : memref<512xf32, #tpu.memory_space<vmem>>, vector<16xf32>,
    tpu.vector_store %arg15[%swap3A_524], %scan3A_518#2 {strides = array<i32>} : memref<512xf32, #tpu.memory_space<vmem>>, vector<16xf32>,
    %swap3A_526 = arith.constant 432 : index
    %swap3A_527 = tpu.vector_load %arg15[%swap3A_526] {strides = array<i32>} : memref<512xf32, #tpu.memory_space<vmem>>, vector<16xf32>,
    tpu.vector_store %arg15[%swap3A_526], %scan3A_518#3 {strides = array<i32>} : memref<512xf32, #tpu.memory_space<vmem>>, vector<16xf32>,
    %dma_wait3A_528 = arith.constant 0 : i32
    %dma_wait3A_529 = tpu.memref_slice %arg16[%dma_wait3A_528] : memref<1000064xf32, #tpu.memory_space<vmem_shared>> -> memref<1000064xf32, #tpu.memory_space<vmem_shared>>
    tpu.wait_indirect_dma semaphore(%arg20 : memref<!tpu.dma_semaphore, #tpu.memory_space<semaphore_mem>>) src(%dma_wait3A_529 : memref<1000064xf32, #tpu.memory_space<vmem_shared>>) dst(%arg10 : memref<12800xf32, #tpu.memory_space<vmem>>)
    %scan3A_530 = arith.constant 0 : i32
    %scan3A_531 = arith.constant 200 : i32
    %scan3A_532 = arith.addi %scan3A_530, %scan3A_531 : i32
    %scan3A_533 = arith.constant 8 : i32
    %scan3A_534:4 = scf.for %scan3A_550 = %scan3A_530 to %scan3A_532 step %scan3A_533 iter_args(%scan3A_551 = %broadcast_in_dim3A_18, %scan3A_552 = %broadcast_in_dim3A_18, %scan3A_553 = %broadcast_in_dim3A_18, %scan3A_554 = %broadcast_in_dim3A_18) -> (vector<16xf32>, vector<16xf32>, vector<16xf32>, vector<16xf32>)  : i32 {
      %add3A_555 = vector.broadcast %scan3A_550 : i32 to vector<16xi32>
      %add3A_556 = arith.addi %add3A_8, %add3A_555 : vector<16xi32>
      %gather3A = tpu.vector_load_idx %arg10[%add3A_556] : memref<12800xf32, #tpu.memory_space<vmem>>[vector<16xi32>], vector<16xf32>,
      %add3A_557 = arith.addf %scan3A_551, %gather3A : vector<16xf32>
      %add3A_558 = vector.broadcast %scan3A_550 : i32 to vector<16xi32>
      %add3A_559 = arith.addi %add3A_11, %add3A_558 : vector<16xi32>
      %gather3A_560 = tpu.vector_load_idx %arg10[%add3A_559] : memref<12800xf32, #tpu.memory_space<vmem>>[vector<16xi32>], vector<16xf32>,
      %add3A_561 = arith.addf %scan3A_552, %gather3A_560 : vector<16xf32>
      %add3A_562 = vector.broadcast %scan3A_550 : i32 to vector<16xi32>
      %add3A_563 = arith.addi %add3A_14, %add3A_562 : vector<16xi32>
      %gather3A_564 = tpu.vector_load_idx %arg10[%add3A_563] : memref<12800xf32, #tpu.memory_space<vmem>>[vector<16xi32>], vector<16xf32>,
      %add3A_565 = arith.addf %scan3A_553, %gather3A_564 : vector<16xf32>
      %add3A_566 = vector.broadcast %scan3A_550 : i32 to vector<16xi32>
      %add3A_567 = arith.addi %add3A_17, %add3A_566 : vector<16xi32>
      %gather3A_568 = tpu.vector_load_idx %arg10[%add3A_567] : memref<12800xf32, #tpu.memory_space<vmem>>[vector<16xi32>], vector<16xf32>,
      %add3A_569 = arith.addf %scan3A_554, %gather3A_568 : vector<16xf32>
      %scan3A_570 = arith.constant 1 : i32
      %scan3A_571 = arith.addi %scan3A_550, %scan3A_570 : i32
      %add3A_572 = vector.broadcast %scan3A_571 : i32 to vector<16xi32>
      %add3A_573 = arith.addi %add3A_8, %add3A_572 : vector<16xi32>
      %gather3A_574 = tpu.vector_load_idx %arg10[%add3A_573] : memref<12800xf32, #tpu.memory_space<vmem>>[vector<16xi32>], vector<16xf32>,
      %add3A_575 = arith.addf %add3A_557, %gather3A_574 : vector<16xf32>
      %add3A_576 = vector.broadcast %scan3A_571 : i32 to vector<16xi32>
      %add3A_577 = arith.addi %add3A_11, %add3A_576 : vector<16xi32>
      %gather3A_578 = tpu.vector_load_idx %arg10[%add3A_577] : memref<12800xf32, #tpu.memory_space<vmem>>[vector<16xi32>], vector<16xf32>,
      %add3A_579 = arith.addf %add3A_561, %gather3A_578 : vector<16xf32>
      %add3A_580 = vector.broadcast %scan3A_571 : i32 to vector<16xi32>
      %add3A_581 = arith.addi %add3A_14, %add3A_580 : vector<16xi32>
      %gather3A_582 = tpu.vector_load_idx %arg10[%add3A_581] : memref<12800xf32, #tpu.memory_space<vmem>>[vector<16xi32>], vector<16xf32>,
      %add3A_583 = arith.addf %add3A_565, %gather3A_582 : vector<16xf32>
      %add3A_584 = vector.broadcast %scan3A_571 : i32 to vector<16xi32>
      %add3A_585 = arith.addi %add3A_17, %add3A_584 : vector<16xi32>
      %gather3A_586 = tpu.vector_load_idx %arg10[%add3A_585] : memref<12800xf32, #tpu.memory_space<vmem>>[vector<16xi32>], vector<16xf32>,
      %add3A_587 = arith.addf %add3A_569, %gather3A_586 : vector<16xf32>
      %scan3A_588 = arith.constant 2 : i32
      %scan3A_589 = arith.addi %scan3A_550, %scan3A_588 : i32
      %add3A_590 = vector.broadcast %scan3A_589 : i32 to vector<16xi32>
      %add3A_591 = arith.addi %add3A_8, %add3A_590 : vector<16xi32>
      %gather3A_592 = tpu.vector_load_idx %arg10[%add3A_591] : memref<12800xf32, #tpu.memory_space<vmem>>[vector<16xi32>], vector<16xf32>,
      %add3A_593 = arith.addf %add3A_575, %gather3A_592 : vector<16xf32>
      %add3A_594 = vector.broadcast %scan3A_589 : i32 to vector<16xi32>
      %add3A_595 = arith.addi %add3A_11, %add3A_594 : vector<16xi32>
      %gather3A_596 = tpu.vector_load_idx %arg10[%add3A_595] : memref<12800xf32, #tpu.memory_space<vmem>>[vector<16xi32>], vector<16xf32>,
      %add3A_597 = arith.addf %add3A_579, %gather3A_596 : vector<16xf32>
      %add3A_598 = vector.broadcast %scan3A_589 : i32 to vector<16xi32>
      %add3A_599 = arith.addi %add3A_14, %add3A_598 : vector<16xi32>
      %gather3A_600 = tpu.vector_load_idx %arg10[%add3A_599] : memref<12800xf32, #tpu.memory_space<vmem>>[vector<16xi32>], vector<16xf32>,
      %add3A_601 = arith.addf %add3A_583, %gather3A_600 : vector<16xf32>
      %add3A_602 = vector.broadcast %scan3A_589 : i32 to vector<16xi32>
      %add3A_603 = arith.addi %add3A_17, %add3A_602 : vector<16xi32>
      %gather3A_604 = tpu.vector_load_idx %arg10[%add3A_603] : memref<12800xf32, #tpu.memory_space<vmem>>[vector<16xi32>], vector<16xf32>,
      %add3A_605 = arith.addf %add3A_587, %gather3A_604 : vector<16xf32>
      %scan3A_606 = arith.constant 3 : i32
      %scan3A_607 = arith.addi %scan3A_550, %scan3A_606 : i32
      %add3A_608 = vector.broadcast %scan3A_607 : i32 to vector<16xi32>
      %add3A_609 = arith.addi %add3A_8, %add3A_608 : vector<16xi32>
      %gather3A_610 = tpu.vector_load_idx %arg10[%add3A_609] : memref<12800xf32, #tpu.memory_space<vmem>>[vector<16xi32>], vector<16xf32>,
      %add3A_611 = arith.addf %add3A_593, %gather3A_610 : vector<16xf32>
      %add3A_612 = vector.broadcast %scan3A_607 : i32 to vector<16xi32>
      %add3A_613 = arith.addi %add3A_11, %add3A_612 : vector<16xi32>
      %gather3A_614 = tpu.vector_load_idx %arg10[%add3A_613] : memref<12800xf32, #tpu.memory_space<vmem>>[vector<16xi32>], vector<16xf32>,
      %add3A_615 = arith.addf %add3A_597, %gather3A_614 : vector<16xf32>
      %add3A_616 = vector.broadcast %scan3A_607 : i32 to vector<16xi32>
      %add3A_617 = arith.addi %add3A_14, %add3A_616 : vector<16xi32>
      %gather3A_618 = tpu.vector_load_idx %arg10[%add3A_617] : memref<12800xf32, #tpu.memory_space<vmem>>[vector<16xi32>], vector<16xf32>,
      %add3A_619 = arith.addf %add3A_601, %gather3A_618 : vector<16xf32>
      %add3A_620 = vector.broadcast %scan3A_607 : i32 to vector<16xi32>
      %add3A_621 = arith.addi %add3A_17, %add3A_620 : vector<16xi32>
      %gather3A_622 = tpu.vector_load_idx %arg10[%add3A_621] : memref<12800xf32, #tpu.memory_space<vmem>>[vector<16xi32>], vector<16xf32>,
      %add3A_623 = arith.addf %add3A_605, %gather3A_622 : vector<16xf32>
      %scan3A_624 = arith.constant 4 : i32
      %scan3A_625 = arith.addi %scan3A_550, %scan3A_624 : i32
      %add3A_626 = vector.broadcast %scan3A_625 : i32 to vector<16xi32>
      %add3A_627 = arith.addi %add3A_8, %add3A_626 : vector<16xi32>
      %gather3A_628 = tpu.vector_load_idx %arg10[%add3A_627] : memref<12800xf32, #tpu.memory_space<vmem>>[vector<16xi32>], vector<16xf32>,
      %add3A_629 = arith.addf %add3A_611, %gather3A_628 : vector<16xf32>
      %add3A_630 = vector.broadcast %scan3A_625 : i32 to vector<16xi32>
      %add3A_631 = arith.addi %add3A_11, %add3A_630 : vector<16xi32>
      %gather3A_632 = tpu.vector_load_idx %arg10[%add3A_631] : memref<12800xf32, #tpu.memory_space<vmem>>[vector<16xi32>], vector<16xf32>,
      %add3A_633 = arith.addf %add3A_615, %gather3A_632 : vector<16xf32>
      %add3A_634 = vector.broadcast %scan3A_625 : i32 to vector<16xi32>
      %add3A_635 = arith.addi %add3A_14, %add3A_634 : vector<16xi32>
      %gather3A_636 = tpu.vector_load_idx %arg10[%add3A_635] : memref<12800xf32, #tpu.memory_space<vmem>>[vector<16xi32>], vector<16xf32>,
      %add3A_637 = arith.addf %add3A_619, %gather3A_636 : vector<16xf32>
      %add3A_638 = vector.broadcast %scan3A_625 : i32 to vector<16xi32>
      %add3A_639 = arith.addi %add3A_17, %add3A_638 : vector<16xi32>
      %gather3A_640 = tpu.vector_load_idx %arg10[%add3A_639] : memref<12800xf32, #tpu.memory_space<vmem>>[vector<16xi32>], vector<16xf32>,
      %add3A_641 = arith.addf %add3A_623, %gather3A_640 : vector<16xf32>
      %scan3A_642 = arith.constant 5 : i32
      %scan3A_643 = arith.addi %scan3A_550, %scan3A_642 : i32
      %add3A_644 = vector.broadcast %scan3A_643 : i32 to vector<16xi32>
      %add3A_645 = arith.addi %add3A_8, %add3A_644 : vector<16xi32>
      %gather3A_646 = tpu.vector_load_idx %arg10[%add3A_645] : memref<12800xf32, #tpu.memory_space<vmem>>[vector<16xi32>], vector<16xf32>,
      %add3A_647 = arith.addf %add3A_629, %gather3A_646 : vector<16xf32>
      %add3A_648 = vector.broadcast %scan3A_643 : i32 to vector<16xi32>
      %add3A_649 = arith.addi %add3A_11, %add3A_648 : vector<16xi32>
      %gather3A_650 = tpu.vector_load_idx %arg10[%add3A_649] : memref<12800xf32, #tpu.memory_space<vmem>>[vector<16xi32>], vector<16xf32>,
      %add3A_651 = arith.addf %add3A_633, %gather3A_650 : vector<16xf32>
      %add3A_652 = vector.broadcast %scan3A_643 : i32 to vector<16xi32>
      %add3A_653 = arith.addi %add3A_14, %add3A_652 : vector<16xi32>
      %gather3A_654 = tpu.vector_load_idx %arg10[%add3A_653] : memref<12800xf32, #tpu.memory_space<vmem>>[vector<16xi32>], vector<16xf32>,
      %add3A_655 = arith.addf %add3A_637, %gather3A_654 : vector<16xf32>
      %add3A_656 = vector.broadcast %scan3A_643 : i32 to vector<16xi32>
      %add3A_657 = arith.addi %add3A_17, %add3A_656 : vector<16xi32>
      %gather3A_658 = tpu.vector_load_idx %arg10[%add3A_657] : memref<12800xf32, #tpu.memory_space<vmem>>[vector<16xi32>], vector<16xf32>,
      %add3A_659 = arith.addf %add3A_641, %gather3A_658 : vector<16xf32>
      %scan3A_660 = arith.constant 6 : i32
      %scan3A_661 = arith.addi %scan3A_550, %scan3A_660 : i32
      %add3A_662 = vector.broadcast %scan3A_661 : i32 to vector<16xi32>
      %add3A_663 = arith.addi %add3A_8, %add3A_662 : vector<16xi32>
      %gather3A_664 = tpu.vector_load_idx %arg10[%add3A_663] : memref<12800xf32, #tpu.memory_space<vmem>>[vector<16xi32>], vector<16xf32>,
      %add3A_665 = arith.addf %add3A_647, %gather3A_664 : vector<16xf32>
      %add3A_666 = vector.broadcast %scan3A_661 : i32 to vector<16xi32>
      %add3A_667 = arith.addi %add3A_11, %add3A_666 : vector<16xi32>
      %gather3A_668 = tpu.vector_load_idx %arg10[%add3A_667] : memref<12800xf32, #tpu.memory_space<vmem>>[vector<16xi32>], vector<16xf32>,
      %add3A_669 = arith.addf %add3A_651, %gather3A_668 : vector<16xf32>
      %add3A_670 = vector.broadcast %scan3A_661 : i32 to vector<16xi32>
      %add3A_671 = arith.addi %add3A_14, %add3A_670 : vector<16xi32>
      %gather3A_672 = tpu.vector_load_idx %arg10[%add3A_671] : memref<12800xf32, #tpu.memory_space<vmem>>[vector<16xi32>], vector<16xf32>,
      %add3A_673 = arith.addf %add3A_655, %gather3A_672 : vector<16xf32>
      %add3A_674 = vector.broadcast %scan3A_661 : i32 to vector<16xi32>
      %add3A_675 = arith.addi %add3A_17, %add3A_674 : vector<16xi32>
      %gather3A_676 = tpu.vector_load_idx %arg10[%add3A_675] : memref<12800xf32, #tpu.memory_space<vmem>>[vector<16xi32>], vector<16xf32>,
      %add3A_677 = arith.addf %add3A_659, %gather3A_676 : vector<16xf32>
      %scan3A_678 = arith.constant 7 : i32
      %scan3A_679 = arith.addi %scan3A_550, %scan3A_678 : i32
      %add3A_680 = vector.broadcast %scan3A_679 : i32 to vector<16xi32>
      %add3A_681 = arith.addi %add3A_8, %add3A_680 : vector<16xi32>
      %gather3A_682 = tpu.vector_load_idx %arg10[%add3A_681] : memref<12800xf32, #tpu.memory_space<vmem>>[vector<16xi32>], vector<16xf32>,
      %add3A_683 = arith.addf %add3A_665, %gather3A_682 : vector<16xf32>
      %add3A_684 = vector.broadcast %scan3A_679 : i32 to vector<16xi32>
      %add3A_685 = arith.addi %add3A_11, %add3A_684 : vector<16xi32>
      %gather3A_686 = tpu.vector_load_idx %arg10[%add3A_685] : memref<12800xf32, #tpu.memory_space<vmem>>[vector<16xi32>], vector<16xf32>,
      %add3A_687 = arith.addf %add3A_669, %gather3A_686 : vector<16xf32>
      %add3A_688 = vector.broadcast %scan3A_679 : i32 to vector<16xi32>
      %add3A_689 = arith.addi %add3A_14, %add3A_688 : vector<16xi32>
      %gather3A_690 = tpu.vector_load_idx %arg10[%add3A_689] : memref<12800xf32, #tpu.memory_space<vmem>>[vector<16xi32>], vector<16xf32>,
      %add3A_691 = arith.addf %add3A_673, %gather3A_690 : vector<16xf32>
      %add3A_692 = vector.broadcast %scan3A_679 : i32 to vector<16xi32>
      %add3A_693 = arith.addi %add3A_17, %add3A_692 : vector<16xi32>
      %gather3A_694 = tpu.vector_load_idx %arg10[%add3A_693] : memref<12800xf32, #tpu.memory_space<vmem>>[vector<16xi32>], vector<16xf32>,
      %add3A_695 = arith.addf %add3A_677, %gather3A_694 : vector<16xf32>
      scf.yield %add3A_683, %add3A_687, %add3A_691, %add3A_695 : vector<16xf32>, vector<16xf32>, vector<16xf32>, vector<16xf32>
    }
    %scan3A_535 = arith.constant 200 : i32
    %swap3A_536 = arith.constant 448 : index
    %swap3A_537 = tpu.vector_load %arg15[%swap3A_536] {strides = array<i32>} : memref<512xf32, #tpu.memory_space<vmem>>, vector<16xf32>,
    tpu.vector_store %arg15[%swap3A_536], %scan3A_534#0 {strides = array<i32>} : memref<512xf32, #tpu.memory_space<vmem>>, vector<16xf32>,
    %swap3A_538 = arith.constant 464 : index
    %swap3A_539 = tpu.vector_load %arg15[%swap3A_538] {strides = array<i32>} : memref<512xf32, #tpu.memory_space<vmem>>, vector<16xf32>,
    tpu.vector_store %arg15[%swap3A_538], %scan3A_534#1 {strides = array<i32>} : memref<512xf32, #tpu.memory_space<vmem>>, vector<16xf32>,
    %swap3A_540 = arith.constant 480 : index
    %swap3A_541 = tpu.vector_load %arg15[%swap3A_540] {strides = array<i32>} : memref<512xf32, #tpu.memory_space<vmem>>, vector<16xf32>,
    tpu.vector_store %arg15[%swap3A_540], %scan3A_534#2 {strides = array<i32>} : memref<512xf32, #tpu.memory_space<vmem>>, vector<16xf32>,
    %swap3A_542 = arith.constant 496 : index
    %swap3A_543 = tpu.vector_load %arg15[%swap3A_542] {strides = array<i32>} : memref<512xf32, #tpu.memory_space<vmem>>, vector<16xf32>,
    tpu.vector_store %arg15[%swap3A_542], %scan3A_534#3 {strides = array<i32>} : memref<512xf32, #tpu.memory_space<vmem>>, vector<16xf32>,
    %scan3A_544 = arith.constant 0 : i32
    %scan3A_545 = arith.constant 0 : i32
    %scan3A_546 = arith.constant 32 : i32
    %scan3A_547 = arith.addi %scan3A_545, %scan3A_546 : i32
    %scan3A_548 = arith.constant 1 : i32
    scf.for %scan3A_550 = %scan3A_545 to %scan3A_547 step %scan3A_548  : i32 {
      %mul3A_551 = arith.constant 16 : i32
      %mul3A_552 = arith.muli %scan3A_550, %mul3A_551 : i32
      %get3A = arith.index_cast %mul3A_552 : i32 to index
      %get3A_553 = tpu.vector_load %arg14[%get3A] {strides = array<i32>} : memref<512xi32, #tpu.memory_space<vmem>>, vector<16xi32>,
      %mul3A_554 = arith.constant 16 : i32
      %mul3A_555 = arith.muli %scan3A_550, %mul3A_554 : i32
      %get3A_556 = arith.index_cast %mul3A_555 : i32 to index
      %get3A_557 = tpu.vector_load %arg15[%get3A_556] {strides = array<i32>} : memref<512xf32, #tpu.memory_space<vmem>>, vector<16xf32>,
      %gather3A = tpu.vector_load_idx %arg13[%get3A_553] : memref<1000xf32, #tpu.memory_space<vmem>>[vector<16xi32>], vector<16xf32>,
      %add3A_558 = arith.addf %get3A_557, %gather3A : vector<16xf32>
      %mul3A_559 = arith.constant 16 : i32
      %mul3A_560 = arith.muli %scan3A_550, %mul3A_559 : i32
      %swap3A_561 = arith.index_cast %mul3A_560 : i32 to index
      %swap3A_562 = tpu.vector_load %arg15[%swap3A_561] {strides = array<i32>} : memref<512xf32, #tpu.memory_space<vmem>>, vector<16xf32>,
      tpu.vector_store %arg15[%swap3A_561], %add3A_558 {strides = array<i32>} : memref<512xf32, #tpu.memory_space<vmem>>, vector<16xf32>,
    }
    %scan3A_549 = arith.constant 32 : i32
    "tpu.region"() ({
      %run_scoped3A = tpu.sem_alloc : memref<!tpu.dma_semaphore, #tpu.memory_space<semaphore_mem>>
      %dma_start3A_550 = tpu.memref_slice %arg6[%mul3A_2] : memref<16384xf32, #tpu.memory_space<hbm>> -> memref<512xf32, #tpu.memory_space<hbm>>
      %dma_start3A_551 = tpu.memref_slice %arg6[%mul3A_2] : memref<16384xf32, #tpu.memory_space<hbm>> -> memref<512xf32, #tpu.memory_space<hbm>>
      tpu.enqueue_dma source(%arg15 : memref<512xf32, #tpu.memory_space<vmem>>) target(%dma_start3A_551 : memref<512xf32, #tpu.memory_space<hbm>>) target_semaphore(%run_scoped3A : memref<!tpu.dma_semaphore, #tpu.memory_space<semaphore_mem>>)
      %dma_wait3A_552 = tpu.memref_slice %arg6[%mul3A_2] : memref<16384xf32, #tpu.memory_space<hbm>> -> memref<512xf32, #tpu.memory_space<hbm>>
      %dma_wait3A_553 = tpu.memref_slice %arg6[%mul3A_2] : memref<16384xf32, #tpu.memory_space<hbm>> -> memref<512xf32, #tpu.memory_space<hbm>>
      tpu.wait_dma2 semaphore(%run_scoped3A : memref<!tpu.dma_semaphore, #tpu.memory_space<semaphore_mem>>) src(%arg15 : memref<512xf32, #tpu.memory_space<vmem>>) dst(%dma_wait3A_553 : memref<512xf32, #tpu.memory_space<hbm>>)
      tpu.yield
    }) : () -> ()
    return
  }
}

</mosaic_0001>

<sc_bundles>
// kernel: _run.3.cloned.1.call-start
scs
__scs_entry_jumppad:
0x0: {  	(pc) =	sbr.rel $0x88, $3  }
0x1: {  	(tag) =	ssettag $0x0;
	lr =	simm.s32 $0x1  }
0x2: {  	[smem:$0x3F9D] =	sst lr;
	_ =	strace $0xD0000000  }
0x3: {  	_ = 	snop  }
0x4: {  	_ = 	snop  }
0x5: {  	_ = 	snop  }
0x6: {  	_ = 	snop  }
0x7: {  	_ = 	snop  }
__scs_overlays_trampoline_lowered:
0x8: {  	[smem:$0x3FAC] =	sst s0  }
0x9: {  	[smem:$0x3FAD] =	sst s1  }
0xa: {  	[smem:$0x3FAE] =	sst s2  }
0xb: {  	[smem:$0x3FAF] =	sst s3  }
0xc: {  	[smem:$0x3FB0] =	sst s4  }
0xd: {  	[smem:$0x3FB1] =	sst s5  }
0xe: {  	[smem:$0x3FB2] =	sst s6  }
0xf: {  	[smem:$0x3FB3] =	sst s7  }
0x10: {  	[smem:$0x3FB4] =	sst s8  }
0x11: {  	[smem:$0x3FB5] =	sst s9;
	s0 =	simm.s32 @!p0 $0x0  }
0x12: {  	s1 =	sld [smem:$0x3F9B];
	s0 =	simm.s32 @p0 $0x1  }
0x13: {  	[smem:$0x3FB6] =	sst s0;
	s0 =	simm.s32 @!p1 $0x0  }
0x14: {  	s2 =	sld [smem:$0x3F9A];
	s0 =	simm.s32 @p1 $0x1  }
0x15: {  	[smem:$0x3FB7] =	sst s0;
	s0 =	simm.s32 @!p2 $0x0  }
0x16: {  	s3 =	sld [smem:$0x3FDB];
	s0 =	simm.s32 @p2 $0x1  }
0x17: {  	s4 =	simm.s32 $0x1BF5;
	[smem:$0x3FB9] =	sst s0  }
0x18: {  	s0 =	sld [smem:$0x3F9C];
	_ =	swait.ge [sflag:s4], $0x0  }
0x19: {  	s7 =	sld [smem:$0x3F9D]  }
0x1a: {  	s8 =	sadd.s32 $0xFFFFE003, lr  }
0x1b: {  	s9 =	sadd.s32 $0xFFFFFEF7, lr;
	s5 =	simm.s32 $0xFFFFFFFF;
	p2 =	slt.u32 s8, $0xFFFFF086  }
0x1c: {  	p1 =	slt.u32 s9, $0xF7A;
	s5 =	simm.s32 @!p2 $0x0  }
0x1d: {  	s5 =	simm.s32 @p1 $0x1;
	p0 =	seq.s32 s7, s2  }
0x1e: {  	s7 =	smul.u32 @!p0 $0xF7A, s2;
	p2 =	seq.s32 @!p0 s5, $0x0  }
0x1f: {  	s9 =	smul.u32 $0xF7A, s1;
	s8 =	simm.s32 @!p0 $0x1BF5;
	p2 =	por !p2, p0  }
0x20: {  	[sflag:s8] =	ssyncset.s32 @!p0 $0xFFFFF086;
	s6 =	sadd.s32 @!p0 s3, s7;
	s7 =	simm.s32 @!p0 $0x108  }
0x21: {  	s3 =	sadd.s32 s3, s9;
	s6 =	sadd.s32 @!p0 $0x88, s6;
	s7 =	simm.s32 @p2 $0x1082  }
0x22: {  	[simem:s7], [sflag:s8] =	dma.local @!p0 [hbm:s6], $0xF7A  }
0x23: {  	s9 =	sor.u32 $0xD0000000, s2;
	s6 =	simm.s32 $0x108;
	_ =	swait.ge @!p0 [sflag:s8], $0x0  }
0x24: {  	s3 =	sadd.s32 $0x88, s3;
	s6 =	simm.s32 @!p1 $0x1082;
	[sflag:s4] =	ssyncset.s32 $0xFFFFF086  }
0x25: {  	[simem:s6], [sflag:s4] =	dma.local [hbm:s3], $0xF7A  }
0x26: {  	[smem:$0x3F9D] =	sst s1;
	(tag) =	ssettag s2;
	_ =	strace s9  }
0x27: {  	s1 =	sld [smem:$0x3FAD]  }
0x28: {  	s2 =	sld [smem:$0x3FAE]  }
0x29: {  	s4 =	sld [smem:$0x3FB0]  }
0x2a: {  	p0 =	seq.s32 s5, $0x0;
	s5 =	sld [smem:$0x3FB1]  }
0x2b: {  	s6 =	sld [smem:$0x3FB2]  }
0x2c: {  	s7 =	sld [smem:$0x3FB3]  }
0x2d: {  	s3 =	simm.s32 $0x108;
	s8 =	sld [smem:$0x3FB4]  }
0x2e: {  	s3 =	simm.s32 @!p0 $0x1082;
	s9 =	sld [smem:$0x3FB5]  }
0x2f: {  	lr =	sadd.s32 s0, s3;
	s0 =	sld [smem:$0x3FAC]  }
0x30: {  	s3 =	sld [smem:$0x3FAF]  }
0x31: {  	[smem:$0x3FB8] =	sst s10  }
0x32: {  	s10 =	sld [smem:$0x3FB6];
	_ =	sdelay $0x3  }
0x33: {  	p0 =	seq.s32 s10, $0x1;
	s10 =	sld [smem:$0x3FB8];
	_ =	sdelay $0x3  }
0x34: {  	[smem:$0x3FB8] =	sst s10  }
0x35: {  	s10 =	sld [smem:$0x3FB7];
	_ =	sdelay $0x3  }
0x36: {  	p1 =	seq.s32 s10, $0x1;
	s10 =	sld [smem:$0x3FB8];
	_ =	sdelay $0x3  }
0x37: {  	[smem:$0x3FB8] =	sst s10  }
0x38: {  	s10 =	sld [smem:$0x3FB9]  }
0x39: {  	_ = 	snop;
	(pc) =	sbr.ind lr, $3  }
0x3a: {  	_ = 	snop  }
0x3b: {  	_ = 	snop  }
0x3c: {  	p2 =	seq.s32 s10, $0x1;
	s10 =	sld [smem:$0x3FB8]  }
0x3d: {  	_ =	shalt  }
0x3e: {  	_ =	shalt  }
0x3f: {  	_ =	shalt  }
0x40: {  	_ =	shalt  }
0x41: {  	_ =	shalt  }
0x42: {  	_ =	shalt  }
0x43: {  	_ =	shalt  }
0x44: {  	_ =	shalt  }
0x45: {  	_ =	shalt  }
0x46: {  	_ =	shalt  }
0x47: {  	_ =	shalt  }
0x48: {  	_ =	shalt  }
0x49: {  	_ =	shalt  }
0x4a: {  	_ =	shalt  }
0x4b: {  	_ =	shalt  }
0x4c: {  	_ =	shalt  }
0x4d: {  	_ =	shalt  }
0x4e: {  	_ =	shalt  }
0x4f: {  	_ =	shalt  }
0x50: {  	_ =	shalt  }
0x51: {  	_ =	shalt  }
0x52: {  	_ =	shalt  }
0x53: {  	_ =	shalt  }
0x54: {  	_ =	shalt  }
0x55: {  	_ =	shalt  }
0x56: {  	_ =	shalt  }
0x57: {  	_ =	shalt  }
0x58: {  	_ =	shalt  }
0x59: {  	_ =	shalt  }
0x5a: {  	_ =	shalt  }
0x5b: {  	_ =	shalt  }
0x5c: {  	_ =	shalt  }
0x5d: {  	_ =	shalt  }
0x5e: {  	_ =	shalt  }
0x5f: {  	_ =	shalt  }
0x60: {  	_ =	shalt  }
0x61: {  	_ =	shalt  }
0x62: {  	_ =	shalt  }
0x63: {  	_ =	shalt  }
0x64: {  	_ =	shalt  }
0x65: {  	_ =	shalt  }
0x66: {  	_ =	shalt  }
0x67: {  	_ =	shalt  }
0x68: {  	_ =	shalt  }
0x69: {  	_ =	shalt  }
0x6a: {  	_ =	shalt  }
0x6b: {  	_ =	shalt  }
0x6c: {  	_ =	shalt  }
0x6d: {  	_ =	shalt  }
0x6e: {  	_ =	shalt  }
0x6f: {  	_ =	shalt  }
0x70: {  	_ =	shalt  }
0x71: {  	_ =	shalt  }
0x72: {  	_ =	shalt  }
0x73: {  	_ =	shalt  }
0x74: {  	_ =	shalt  }
0x75: {  	_ =	shalt  }
0x76: {  	_ =	shalt  }
0x77: {  	_ =	shalt  }
0x78: {  	_ =	shalt  }
0x79: {  	_ =	shalt  }
0x7a: {  	_ =	shalt  }
0x7b: {  	_ =	shalt  }
0x7c: {  	_ =	shalt  }
0x7d: {  	_ =	shalt  }
0x7e: {  	_ =	shalt  }
0x7f: {  	_ =	shalt  }
0x80: {  	_ =	shalt  }
0x81: {  	_ =	shalt  }
0x82: {  	_ =	shalt  }
0x83: {  	_ =	shalt  }
0x84: {  	_ =	shalt  }
0x85: {  	_ =	shalt  }
0x86: {  	_ =	shalt  }
0x87: {  	_ =	shalt  }
.Lfunc_end0:
.L_simem_size_0:
called_computation_lowered:
.L_overlay_start_0:
0x88: {  	s2 =	sld [smem:$0x3FD9]  }
0x89: {  	s3 =	sld [smem:$0x3FFE];
	_ =	sdelay $0x1  }
0x8a: {  	s1 =	srdreg.scid  }
0x8b: {  	s0 =	sand.u32 $0x1, s1  }
0x8c: {  	s18 =	sshll.u32 s0, $0xA;
	s2 =	sadd.s32 s3, s2  }
0x8d: {  	s2 =	sadd.s32 s2, s18  }
0x8e: {  	[smem:$0x3FC4] =	sst s2  }
0x8f: {  	_ = 	snop  }
0x90: {  	s2 =	sld [smem:$0x3FC9]  }
0x91: {  	s19 =	sld [smem:$0x3FC8]  }
0x92: {  	s4 =	sld [smem:$0x3FC7]  }
0x93: {  	s5 =	sld [smem:$0x3FC6]  }
0x94: {  	s6 =	sld [smem:$0x3FD0];
	(tm) =	ssettm $0x1  }
0x95: {  	s7 =	sld [smem:$0x3FFB];
	_ =	sdelay $0x3  }
0x96: {  	_ =	strace s7  }
0x97: {  	s7 =	sld [smem:$0x3FFC];
	_ =	sdelay $0x3  }
0x98: {  	_ =	strace s7  }
0x99: {  	s7 =	sld [smem:$0x3FFD];
	_ =	sdelay $0x3  }
0x9a: {  	_ =	strace s7  }
0x9b: {  	_ =	strace $0x8FFFFFFF  }
0x9c: {  	s20 =	sld [smem:$0x3FDB];
	_ =	sdelay $0x1  }
0x9d: {  	s8 =	simm.s32 $_scs_section_size  }
0x9e: {  	s9 =	simm.s32 $_size__tile_overlayer_lowered;
	s10 =	simm.s32 $_tile_overlayer_lowered  }
0x9f: {  	s23 =	simm.s32 $0x1BFF;
	s22 =	sshll.u32 s10, $0x1;
	s7 =	sadd.s32 s8, s20  }
0xa0: {  	s11 =	simm.s32 $0x0;
	s21 =	sshll.u32 s9, $0x1;
	s9 =	sadd.s32 s22, s7  }
0xa1: {  	[timem:s11], [sflag:s23] =	dma.local [hbm:s9], s21  }
0xa2: {  	_ =	swait.ge [sflag:s23], s21  }
0xa3: {  	s8 =	ssub.s32 $0x0, s21;
	[sflag:s23] =	ssyncset.done $0x0  }
0xa4: {  	[sflag:s23] =	ssyncadd.s32 s8;
	_ =	sdelay $0x1  }
0xa5: {  	s24 =	simm.s32 $0x1B8B  }
0xa6: {  	_ =	swait.ge [sflag:s24], $0x1  }
0xa7: {  	[sflag:s24] =	ssyncset.done $0x0  }
0xa8: {  	s25 =	simm.s32 $0x1B8E;
	[sflag:s24] =	ssyncadd.s32 $0xFFFFFFFF  }
0xa9: {  	s26 =	simm.s32 $execute0_lowered;
	[smem:$0x3FD2] =	sst s25  }
0xaa: {  	s8 =	sshll.u32 s26, $0x1;
	_ =	strace $0x80000046;
	[dreg:$0x1] =	wrdreg $0xFFFFFFFF  }
0xab: {  	s28 =	simm.s32 $_size_execute0_lowered;
	s7 =	sadd.s32 s7, s8;
	[dreg:$0x0] =	wrdreg $0x0  }
0xac: {  	s8 =	sshll.u32 s28, $0x1;
	[dreg:$0x2] =	wrdreg s7  }
0xad: {  	[dreg:$0x3] =	wrdreg s8  }
0xae: {  	[dreg:$0x4] =	wrdreg $0xC0  }
0xaf: {  	_ =	task [dreg:s11], $0x5FFFF  }
0xb0: {  	[dreg:$0x1] =	wrdreg $0xFFFFFFFF  }
0xb1: {  	[dreg:$0x0] =	wrdreg $0x60  }
0xb2: {  	[dreg:$0x2] =	wrdreg s2  }
0xb3: {  	[dreg:$0x3] =	wrdreg s19  }
0xb4: {  	[dreg:$0x4] =	wrdreg s4  }
0xb5: {  	[dreg:$0x5] =	wrdreg s5  }
0xb6: {  	[dreg:$0x6] =	wrdreg s6  }
0xb7: {  	[dreg:$0x7] =	wrdreg $0x102000  }
0xb8: {  	[dreg:$0x8] =	wrdreg $0x9  }
0xb9: {  	_ =	task.clear_ibuf [dreg:s11], $0x9FFFF;
	_ =	strace $0x90000046  }
0xba: {  	s29 =	simm.s32 $0x9;
	_ =	strace $0x80000048  }
0xbb: {  	_ =	swait.ge [sflag:s29], $0x1  }
0xbc: {  	[sflag:s29] =	ssyncadd.s32 $0xFFFFFFFF  }
0xbd: {  	_ =	strace $0x90000048  }
0xbe: {  	_ =	sfence  }
0xbf: {  	s30 =	sld [smem:$0x0];
	_ =	sdelay $0x2  }
0xc0: {  	s31 =	sshll.u32 s1, $0xD;
	s1 =	sshrl.u32 s1, $0x2  }
0xc1: {  	s3 =	sand.u32 $0x4000, s31;
	s1 =	sadd.s32 s1, s30  }
0xc2: {  	s0 =	sor.u32 s3, s0;
	s1 =	sshll.u32 s1, $0x11  }
0xc3: {  	s0 =	sor.u32 s1, s0  }
0xc4: {  	s0 =	sadd.s32 $0x8F2B, s0  }
0xc5: {  	[sflag:s0] =	ssyncadd.remote.s32 $0x1  }
0xc6: {  	_ =	sfence.sel $0xFFFF  }
0xc7: {  	[dreg:$0x0] =	wrdreg $0xFFFFFFFF;
	(pc) =	sbr.abs _section_cstart, $3  }
0xc8: {  	[dreg:$0x1] =	wrdreg $0xFFFFFFFF  }
0xc9: {  	_ =	task.clear_ibuf [dreg:s11], $0x2FFFF;
	_ =	strace $0x9FFFFFFF  }
0xca: {  	(tm) =	ssettm $0x7FFFFFFF  }
0xcb: {  	_ =	shalt  }
tec
execute0_lowered:
.L_overlay_start_1:
0x0: {  	(tag) =	ssettag $0x1  }
0x1: {  	s0 =	rddreg [dreg:$0x0];
	s1 =	srdreg.scid  }
0x2: {  	s9 =	stileid.u32;
	s3 =	rddreg [dreg:$0x1]  }
0x3: {  	s4 =	rddreg [dreg:$0x2];
	s1 =	sand.u32 $0x1, s1;
	s2 =	sshll.u32 s9, $0x1  }
0x4: {  	s30 =	rddreg [dreg:$0x4];
	s9 =	smul.u32 $0xF428, s9;
	s5 =	sor.u32 s1, s2  }
0x5: {  	s2 =	simm.s32 $0x0;
	s1 =	ssub.s32 $0x2, s1;
	s6 =	smul.u32 $0x3200, s5  }
0x6: {  	s7 =	smul.u32 $0x19000, s5;
	[smem:$0x7FF] =	sst s2;
	s8 =	sshrl.u32 s1, $0x1  }
0x7: {  	s18 =	sshrl.u32 s9, $0x3;
	s19 =	sadd.s32 $0x1900, s9;
	s21 =	sadd.s32 $0x3200, s9  }
0x8: {  	s10 =	sadd.s32 $0x4B00, s9;
	s11 =	sadd.s32 $0x6400, s9;
	s12 =	sadd.s32 $0x7D00, s9  }
0x9: {  	s13 =	sadd.s32 $0x9600, s9;
	s14 =	sadd.s32 $0xAF00, s9;
	s5 =	sshll.u32 s5, $0x6  }
0xa: {  	s8 =	ssub.s32 s1, s8;
	s20 =	sshrl.u32 s19, $0x3;
	s22 =	sshrl.u32 s21, $0x3  }
0xb: {  	s23 =	sshrl.u32 s10, $0x3;
	s24 =	sshrl.u32 s11, $0x3;
	s3 =	sadd.s32 s3, s5  }
0xc: {  	s16 =	sadd.s32 s0, s6;
	s17 =	sshrl.u32 s7, $0x3;
	[dreg:$0x12] =	wrdreg s3  }
0xd: {  	[dreg:$0x7] =	wrdreg s16;
	s6 =	sadd.s32 s0, s17;
	s0 =	sadd.s32 s4, s18  }
0xe: {  	s25 =	sshrl.u32 s12, $0x3;
	[dreg:$0x8] =	wrdreg s0;
	s0 =	sadd.s32 s4, s20  }
0xf: {  	s26 =	sshrl.u32 s13, $0x3;
	[dreg:$0x9] =	wrdreg s0;
	s0 =	sadd.s32 s4, s22  }
0x10: {  	s28 =	sshrl.u32 s14, $0x3;
	[dreg:$0xa] =	wrdreg s0;
	s0 =	sadd.s32 s4, s23  }
0x11: {  	s7 =	simm.s32 $0xE100;
	[dreg:$0xb] =	wrdreg s0;
	s0 =	sadd.s32 s4, s24  }
0x12: {  	s16 =	sadd.s32 $0xC800, s9;
	[dreg:$0xc] =	wrdreg s0;
	s0 =	sadd.s32 s4, s25  }
0x13: {  	s17 =	sadd.s32 $0xE100, s9;
	[dreg:$0xd] =	wrdreg s0;
	s0 =	sadd.s32 s4, s26  }
0x14: {  	s29 =	sshrl.u32 s16, $0x3;
	[dreg:$0xe] =	wrdreg s0;
	s0 =	sadd.s32 s4, s28  }
0x15: {  	s15 =	sshrl.u32 s17, $0x3;
	s31 =	sadd.s32 $0x12C0, s6;
	[dreg:$0xf] =	wrdreg s0  }
0x16: {  	s0 =	sadd.s32 s4, s29;
	s4 =	sadd.s32 s4, s15;
	s15 =	rddreg [dreg:$0x5]  }
0x17: {  	s1 =	sadd.s32 $0x2580, s6;
	s3 =	sadd.s32 $0x2BC0, s6;
	[dreg:$0x10] =	wrdreg s0  }
0x18: {  	s29 =	sadd.s32 $0x640, s6;
	[dreg:$0x11] =	wrdreg s4;
	s0 =	sadd.s32 s30, s5  }
0x19: {  	s18 =	sadd.s32 s9, s15;
	s19 =	sadd.s32 s19, s15;
	[dreg:$0x13] =	wrdreg s0  }
0x1a: {  	s20 =	sadd.s32 s21, s15;
	_ =	strace $0x80000047;
	[dreg:$0x14] =	wrdreg s18  }
0x1b: {  	s21 =	sadd.s32 s10, s15;
	s22 =	sadd.s32 s11, s15;
	[dreg:$0x15] =	wrdreg s19  }
0x1c: {  	s23 =	sadd.s32 s12, s15;
	s24 =	sadd.s32 s13, s15;
	[dreg:$0x16] =	wrdreg s20  }
0x1d: {  	s25 =	sadd.s32 s14, s15;
	s26 =	sadd.s32 s16, s15;
	[dreg:$0x17] =	wrdreg s21  }
0x1e: {  	s28 =	sadd.s32 s17, s15;
	s30 =	sadd.s32 $0xC80, s6;
	[dreg:$0x18] =	wrdreg s22  }
0x1f: {  	s13 =	sadd.s32 $0x1900, s6;
	s4 =	smax.u32 s8, $0x1;
	[dreg:$0x19] =	wrdreg s23  }
0x20: {  	s5 =	simm.s32 $0x3200;
	s8 =	simm.s32 $0xFA00;
	[dreg:$0x1a] =	wrdreg s24  }
0x21: {  	s9 =	simm.s32 $0x8;
	s10 =	simm.s32 $0x5;
	[dreg:$0x1b] =	wrdreg s25  }
0x22: {  	s11 =	simm.s32 $0x7;
	s12 =	simm.s32 $0x6;
	[dreg:$0x1c] =	wrdreg s26  }
0x23: {  	v0 =	vlaneseq.u32;
	s14 =	simm.s32 $0x1;
	s16 =	simm.s32 $0x6400;
	[dreg:$0x1d] =	wrdreg s28  }
0x24: {  	v0 =	vmul.u32 $0xC8, v0;
	s17 =	simm.s32 $0x3;
	s0 =	sadd.s32 $0x1F40, s6;
	[dreg:$0x1e] =	wrdreg s29  }
0x25: {  	s6 =	simm.s32 $0xC800;
	[dreg:$0x1f] =	wrdreg s30;
	s18 =	simm.s32 $0x2  }
0x26: {  	v1 =	vadd.s32 $0xC80, v0;
	v2 =	vadd.s32 $0x1900, v0;
	v3 =	vadd.s32 $0x2580, v0;
	s19 =	simm.s32 $0x9600;
	s20 =	simm.s32 $0x4;
	s21 =	simm.s32 $0x0  }
.LBB2_1:
0x27: {  	s22 =	rddreg [dreg:$0x7]  }
0x28: {  	[tilespmem:s2], [sflag:$0x1] =	stream.linear.gather [hbm4b:s22+s2], $0x3200, $0x38;
	[tilespmem:$0x1F628] =	vst v63  }
0x29: {  	s26 =	rddreg [dreg:$0x1e]  }
0x2a: {  	[tilespmem:s5], [sflag:$0x2] =	stream.linear.gather [hbm4b:s26+s2], $0x3200, $0x38;
	[tilespmem:$0x1F628] =	vst v63  }
0x2b: {  	s23 =	rddreg [dreg:$0x8]  }
0x2c: {  	[tilespmem:s6], [sflag:$0x5] =	stream.linear.gather [hbm4b:s23+s2], $0x1900, $0x38;
	[tilespmem:$0x1F628] =	vst v63  }
0x2d: {  	s24 =	rddreg [dreg:$0x9]  }
0x2e: {  	[tilespmem:s7], [sflag:$0x6] =	stream.linear.gather [hbm4b:s24+s2], $0x1900, $0x38;
	[tilespmem:$0x1F628] =	vst v63  }
0x2f: {  	s25 =	rddreg [dreg:$0x3]  }
0x30: {  	[tilespmem:s8], [sflag:$0x8] =	stream.linear.gather [hbm4b:s25+s2], $0x400, $0x38;
	[tilespmem:$0x1F628] =	vst v63  }
0x31: {  	_ =	swait.ge [sflag:s9], $0x400  }
0x32: {  	[sflag:s9] =	ssyncset.done $0x0  }
0x33: {  	s23 =	simm.s32 $0xFE00;
	s26 =	rddreg [dreg:$0x12];
	[sflag:s9] =	ssyncadd.s32 $0xFFFFFC00  }
0x34: {  	[tilespmem:s23], [sflag:$0x8] =	stream.linear.gather [hbm4b:s26+s2], $0x200, $0x38;
	[tilespmem:$0x1F628] =	vst v63  }
0x35: {  	_ =	swait.ge [sflag:s9], $0x200  }
0x36: {  	[sflag:s9] =	ssyncset.done $0x0  }
0x37: {  	[sflag:s9] =	ssyncadd.s32 $0xFFFFFE00  }
0x38: {  	_ =	swait.ge [sflag:s10], $0x1900  }
0x39: {  	[sflag:s10] =	ssyncset.done $0x0  }
0x3a: {  	s24 =	rddreg [dreg:$0x14];
	[sflag:s10] =	ssyncadd.s32 $0xFFFFE700  }
0x3b: {  	[spmem:s24] =	stream.linear.scatter [tilespmem:s6], [sflag:$0x7], $0x1900, $0x38;
	[tilespmem:$0x1F628] =	vst v63  }
0x3c: {  	_ =	swait.ge [sflag:s11], $0x1900  }
0x3d: {  	[sflag:s11] =	ssyncset.done $0x0  }
0x3e: {  	s25 =	rddreg [dreg:$0xa];
	[sflag:s11] =	ssyncadd.s32 $0xFFFFE700  }
0x3f: {  	[tilespmem:s6], [sflag:$0x5] =	stream.linear.gather [hbm4b:s25+s2], $0x1900, $0x38;
	[tilespmem:$0x1F628] =	vst v63  }
0x40: {  	_ =	swait.ge [sflag:s12], $0x1900  }
0x41: {  	[sflag:s12] =	ssyncset.done $0x0  }
0x42: {  	s26 =	rddreg [dreg:$0x15];
	[sflag:s12] =	ssyncadd.s32 $0xFFFFE700  }
0x43: {  	[spmem:s26] =	stream.linear.scatter [tilespmem:s7], [sflag:$0x7], $0x1900, $0x38;
	[tilespmem:$0x1F628] =	vst v63  }
0x44: {  	_ =	swait.ge [sflag:s11], $0x1900  }
0x45: {  	[sflag:s11] =	ssyncset.done $0x0  }
0x46: {  	s23 =	rddreg [dreg:$0xb];
	[sflag:s11] =	ssyncadd.s32 $0xFFFFE700  }
0x47: {  	[tilespmem:s7], [sflag:$0x6] =	stream.linear.gather [hbm4b:s23+s2], $0x1900, $0x38;
	[tilespmem:$0x1F628] =	vst v63  }
0x48: {  	_ =	swait.ge [sflag:s10], $0x1900  }
0x49: {  	[sflag:s10] =	ssyncset.done $0x0  }
0x4a: {  	s24 =	rddreg [dreg:$0x16];
	[sflag:s10] =	ssyncadd.s32 $0xFFFFE700  }
0x4b: {  	[spmem:s24] =	stream.linear.scatter [tilespmem:s6], [sflag:$0x7], $0x1900, $0x38;
	[tilespmem:$0x1F628] =	vst v63  }
0x4c: {  	_ =	swait.ge [sflag:s11], $0x1900  }
0x4d: {  	[sflag:s11] =	ssyncset.done $0x0  }
0x4e: {  	s25 =	rddreg [dreg:$0xc];
	[sflag:s11] =	ssyncadd.s32 $0xFFFFE700  }
0x4f: {  	[tilespmem:s6], [sflag:$0x5] =	stream.linear.gather [hbm4b:s25+s2], $0x1900, $0x38;
	[tilespmem:$0x1F628] =	vst v63  }
0x50: {  	_ =	swait.ge [sflag:s12], $0x1900  }
0x51: {  	[sflag:s12] =	ssyncset.done $0x0  }
0x52: {  	s26 =	rddreg [dreg:$0x17];
	[sflag:s12] =	ssyncadd.s32 $0xFFFFE700  }
0x53: {  	[spmem:s26] =	stream.linear.scatter [tilespmem:s7], [sflag:$0x7], $0x1900, $0x38;
	[tilespmem:$0x1F628] =	vst v63  }
0x54: {  	_ =	swait.ge [sflag:s11], $0x1900  }
0x55: {  	[sflag:s11] =	ssyncset.done $0x0  }
0x56: {  	s23 =	rddreg [dreg:$0xd];
	[sflag:s11] =	ssyncadd.s32 $0xFFFFE700  }
0x57: {  	[tilespmem:s7], [sflag:$0x6] =	stream.linear.gather [hbm4b:s23+s2], $0x1900, $0x38;
	[tilespmem:$0x1F628] =	vst v63  }
0x58: {  	_ =	swait.ge [sflag:s10], $0x1900  }
0x59: {  	[sflag:s10] =	ssyncset.done $0x0  }
0x5a: {  	s24 =	rddreg [dreg:$0x18];
	[sflag:s10] =	ssyncadd.s32 $0xFFFFE700  }
0x5b: {  	[spmem:s24] =	stream.linear.scatter [tilespmem:s6], [sflag:$0x7], $0x1900, $0x38;
	[tilespmem:$0x1F628] =	vst v63  }
0x5c: {  	_ =	swait.ge [sflag:s11], $0x1900  }
0x5d: {  	[sflag:s11] =	ssyncset.done $0x0  }
0x5e: {  	s25 =	rddreg [dreg:$0xe];
	[sflag:s11] =	ssyncadd.s32 $0xFFFFE700  }
0x5f: {  	[tilespmem:s6], [sflag:$0x5] =	stream.linear.gather [hbm4b:s25+s2], $0x1900, $0x38;
	[tilespmem:$0x1F628] =	vst v63  }
0x60: {  	_ =	swait.ge [sflag:s12], $0x1900  }
0x61: {  	[sflag:s12] =	ssyncset.done $0x0  }
0x62: {  	s26 =	rddreg [dreg:$0x19];
	[sflag:s12] =	ssyncadd.s32 $0xFFFFE700  }
0x63: {  	[spmem:s26] =	stream.linear.scatter [tilespmem:s7], [sflag:$0x7], $0x1900, $0x38;
	[tilespmem:$0x1F628] =	vst v63  }
0x64: {  	_ =	swait.ge [sflag:s11], $0x1900  }
0x65: {  	[sflag:s11] =	ssyncset.done $0x0  }
0x66: {  	s23 =	rddreg [dreg:$0xf];
	[sflag:s11] =	ssyncadd.s32 $0xFFFFE700  }
0x67: {  	[tilespmem:s7], [sflag:$0x6] =	stream.linear.gather [hbm4b:s23+s2], $0x1900, $0x38;
	[tilespmem:$0x1F628] =	vst v63  }
0x68: {  	_ =	swait.ge [sflag:s10], $0x1900  }
0x69: {  	[sflag:s10] =	ssyncset.done $0x0  }
0x6a: {  	s24 =	rddreg [dreg:$0x1a];
	[sflag:s10] =	ssyncadd.s32 $0xFFFFE700  }
0x6b: {  	[spmem:s24] =	stream.linear.scatter [tilespmem:s6], [sflag:$0x7], $0x1900, $0x38;
	[tilespmem:$0x1F628] =	vst v63  }
0x6c: {  	_ =	swait.ge [sflag:s11], $0x1900  }
0x6d: {  	[sflag:s11] =	ssyncset.done $0x0  }
0x6e: {  	s25 =	rddreg [dreg:$0x10];
	[sflag:s11] =	ssyncadd.s32 $0xFFFFE700  }
0x6f: {  	[tilespmem:s6], [sflag:$0x5] =	stream.linear.gather [hbm4b:s25+s2], $0x1900, $0x38;
	[tilespmem:$0x1F628] =	vst v63  }
0x70: {  	_ =	swait.ge [sflag:s12], $0x1900  }
0x71: {  	[sflag:s12] =	ssyncset.done $0x0  }
0x72: {  	s26 =	rddreg [dreg:$0x1b];
	[sflag:s12] =	ssyncadd.s32 $0xFFFFE700  }
0x73: {  	[spmem:s26] =	stream.linear.scatter [tilespmem:s7], [sflag:$0x7], $0x1900, $0x38;
	[tilespmem:$0x1F628] =	vst v63  }
0x74: {  	_ =	swait.ge [sflag:s11], $0x1900  }
0x75: {  	[sflag:s11] =	ssyncset.done $0x0  }
0x76: {  	s23 =	rddreg [dreg:$0x11];
	[sflag:s11] =	ssyncadd.s32 $0xFFFFE700  }
0x77: {  	[tilespmem:s7], [sflag:$0x6] =	stream.linear.gather [hbm4b:s23+s2], $0x1328, $0x38;
	[tilespmem:$0x1F628] =	vst v63  }
0x78: {  	_ =	swait.ge [sflag:s10], $0x1900  }
0x79: {  	[sflag:s10] =	ssyncset.done $0x0  }
0x7a: {  	s24 =	rddreg [dreg:$0x1c];
	[sflag:s10] =	ssyncadd.s32 $0xFFFFE700  }
0x7b: {  	[spmem:s24] =	stream.linear.scatter [tilespmem:s6], [sflag:$0x7], $0x1900, $0x38;
	[tilespmem:$0x1F628] =	vst v63  }
0x7c: {  	_ =	swait.ge [sflag:s11], $0x1900  }
0x7d: {  	[sflag:s11] =	ssyncset.done $0x0  }
0x7e: {  	[sflag:s11] =	ssyncadd.s32 $0xFFFFE700  }
0x7f: {  	_ =	swait.ge [sflag:s12], $0x1328  }
0x80: {  	[sflag:s12] =	ssyncset.done $0x0  }
0x81: {  	s25 =	rddreg [dreg:$0x1d];
	[sflag:s12] =	ssyncadd.s32 $0xFFFFECD8  }
0x82: {  	[spmem:s25] =	stream.linear.scatter [tilespmem:s7], [sflag:$0x7], $0x1328, $0x38;
	[tilespmem:$0x1F628] =	vst v63  }
0x83: {  	_ =	swait.ge [sflag:s11], $0x1328  }
0x84: {  	[sflag:s11] =	ssyncset.done $0x0  }
0x85: {  	[sflag:s11] =	ssyncadd.s32 $0xFFFFECD8  }
0x86: {  	[bflag:$0x0] =	sbarrier.arrive $0xFFFF  }
0x87: {  	[bflag:$0x0] =	sbarrier.arrive $0xFFFF  }
0x88: {  	_ =	swait.ge [sflag:s14], $0x3200  }
0x89: {  	[sflag:s14] =	ssyncset.done $0x0  }
0x8a: {  	[sflag:s14] =	ssyncadd.s32 $0xFFFFCE00  }
0x8b: {  	[tilespmem:s16], [sflag:$0x3] =	stream.indirect.gather [spmem:s15], $0x1, s2, s5, $0xb8;
	[tilespmem:$0x1F628] =	vst v63  }
0x8c: {  	_ =	swait.ge [sflag:s17], $0x3200  }
0x8d: {  	[sflag:s17] =	ssyncset.done $0x0  }
0x8e: {  	[sflag:s17] =	ssyncadd.s32 $0xFFFFCE00  }
0x8f: {  	_ =	swait.ge [sflag:s18], $0x3200  }
0x90: {  	v4 =	vadd.s32 s2, v0;
	[sflag:s18] =	ssyncset.done $0x0  }
0x91: {  	v5 =	vadd.s32 s2, v1;
	[sflag:s18] =	ssyncadd.s32 $0xFFFFCE00  }
0x92: {  	v6 =	vadd.s32 s2, v2;
	[tilespmem:s19], [sflag:$0x4] =	stream.indirect.gather [spmem:s15], $0x1, s5, s5, $0xb8;
	[tilespmem:$0x1F628] =	vst v63  }
0x93: {  	v7 =	vadd.s32 s2, v3;
	s22 =	simm.s32 $0x7;
	s26 =	rddreg [dreg:$0x1f]  }
0x94: {  	v8 =	vadd.s32 s22, v0;
	[tilespmem:s2], [sflag:$0x1] =	stream.linear.gather [hbm4b:s26+s2], $0x3200, $0x38;
	[tilespmem:$0x1F628] =	vst v63  }
0x95: {  	v9 =	vadd.s32 s22, v1;
	s23 =	simm.s32 $0x6;
	v10 =	vld.idx.msk [tilespmem:v4+s16+$0x0], $0xffff  }
0x96: {  	v11 =	vadd.s32 s23, v0;
	v12 =	vld.idx.msk [tilespmem:v5+s16+$0x0], $0xffff  }
0x97: {  	v14 =	vadd.s32 s23, v1;
	s25 =	simm.s32 $0x5;
	v13 =	vld.idx.msk [tilespmem:v6+s16+$0x0], $0xffff  }
0x98: {  	v16 =	vadd.s32 s25, v0;
	v15 =	vld.idx.msk [tilespmem:v7+s16+$0x0], $0xffff  }
0x99: {  	s28 =	simm.s32 $0x3;
	v17 =	vadd.s32 s25, v1;
	v4 =	vld.idx.msk [tilespmem:v8+s16+$0x0], $0xffff  }
0x9a: {  	v20 =	vadd.s32 s28, v0;
	s26 =	simm.s32 $0x4;
	v5 =	vld.idx.msk [tilespmem:v9+s16+$0x0], $0xffff  }
0x9b: {  	v18 =	vadd.s32 s26, v0;
	v6 =	vld.idx.msk [tilespmem:v11+s16+$0x0], $0xffff  }
0x9c: {  	v19 =	vadd.s32 s26, v1;
	v7 =	vld.idx.msk [tilespmem:v14+s16+$0x0], $0xffff  }
0x9d: {  	s29 =	simm.s32 $0x2;
	v22 =	vadd.s32 s28, v1;
	v8 =	vld.idx.msk [tilespmem:v16+s16+$0x0], $0xffff  }
0x9e: {  	v21 =	vadd.s32 s29, v0;
	v9 =	vld.idx.msk [tilespmem:v17+s16+$0x0], $0xffff  }
0x9f: {  	s30 =	simm.s32 $0x1;
	v25 =	vadd.s32 s29, v1;
	v16 =	vld.idx.msk [tilespmem:v20+s16+$0x0], $0xffff  }
0xa0: {  	v23 =	vadd.s32 s30, v0;
	v24 =	vadd.s32 s30, v1;
	v17 =	vimm.f32 $0.0e+00;
	v11 =	vld.idx.msk [tilespmem:v18+s16+$0x0], $0xffff  }
0xa1: {  	s24 =	simm.s32 $0x8;
	v20 =	vimm.f32 $0.0e+00;
	v14 =	vld.idx.msk [tilespmem:v19+s16+$0x0], $0xffff;
	v19 =	vimm.f32 $0.0e+00;
	v18 =	vimm.f32 $0.0e+00  }
.LBB2_2:
0xa2: {  	p0 =	slt.u32 s24, $0xC0;
	v26 =	vadd.s32 s30, v2;
	v22 =	vld.idx.msk [tilespmem:v22+s16+$0x0], $0xffff  }
0xa3: {  	v27 =	vadd.s32 s30, v3;
	v21 =	vld.idx.msk [tilespmem:v21+s16+$0x0], $0xffff  }
0xa4: {  	v28 =	vadd.s32 s29, v2;
	v25 =	vld.idx.msk [tilespmem:v25+s16+$0x0], $0xffff  }
0xa5: {  	v29 =	vadd.s32 s29, v3;
	v23 =	vld.idx.msk [tilespmem:v23+s16+$0x0], $0xffff  }
0xa6: {  	v30 =	vadd.s32 s28, v2;
	v24 =	vld.idx.msk [tilespmem:v24+s16+$0x0], $0xffff  }
0xa7: {  	v31 =	vadd.s32 s28, v3;
	v26 =	vld.idx.msk [tilespmem:v26+s16+$0x0], $0xffff  }
0xa8: {  	v32 =	vadd.s32 s26, v2;
	v27 =	vld.idx.msk [tilespmem:v27+s16+$0x0], $0xffff  }
0xa9: {  	v33 =	vadd.s32 s26, v3;
	v28 =	vld.idx.msk [tilespmem:v28+s16+$0x0], $0xffff  }
0xaa: {  	v34 =	vadd.s32 s25, v2;
	v29 =	vld.idx.msk [tilespmem:v29+s16+$0x0], $0xffff  }
0xab: {  	v10 =	vadd.f32 v10, v17;
	v12 =	vadd.f32 v12, v20;
	v20 =	vadd.s32 s25, v3;
	v17 =	vld.idx.msk [tilespmem:v30+s16+$0x0], $0xffff  }
0xac: {  	v13 =	vadd.f32 v13, v19;
	v15 =	vadd.f32 v15, v18;
	v19 =	vadd.s32 s23, v2;
	v18 =	vld.idx.msk [tilespmem:v31+s16+$0x0], $0xffff  }
0xad: {  	v10 =	vadd.f32 v23, v10;
	v12 =	vadd.f32 v24, v12;
	v24 =	vadd.s32 s23, v3;
	v23 =	vld.idx.msk [tilespmem:v32+s16+$0x0], $0xffff  }
0xae: {  	v13 =	vadd.f32 v26, v13;
	v15 =	vadd.f32 v27, v15;
	v27 =	vadd.s32 s22, v2;
	v26 =	vld.idx.msk [tilespmem:v33+s16+$0x0], $0xffff  }
0xaf: {  	v10 =	vadd.f32 v21, v10;
	v12 =	vadd.f32 v25, v12;
	v25 =	vadd.s32 s22, v3;
	v21 =	vld.idx.msk [tilespmem:v34+s16+$0x0], $0xffff  }
0xb0: {  	v30 =	vadd.s32 s24, v0;
	v13 =	vadd.f32 v28, v13;
	v15 =	vadd.f32 v29, v15;
	v20 =	vld.idx.msk [tilespmem:v20+s16+$0x0], $0xffff  }
0xb1: {  	v28 =	vadd.s32 s24, v1;
	v10 =	vadd.f32 v16, v10;
	v12 =	vadd.f32 v22, v12;
	v16 =	vld.idx.msk [tilespmem:v19+s16+$0x0], $0xffff  }
0xb2: {  	v13 =	vadd.f32 v17, v13;
	v19 =	vadd.s32 s24, v2;
	v15 =	vadd.f32 v18, v15;
	v17 =	vld.idx.msk [tilespmem:v24+s16+$0x0], $0xffff  }
0xb3: {  	s22 =	sadd.s32 $0x7, s24;
	v11 =	vadd.f32 v11, v10;
	v18 =	vadd.s32 s24, v3;
	v12 =	vadd.f32 v14, v12;
	v14 =	vld.idx.msk [tilespmem:v27+s16+$0x0], $0xffff  }
0xb4: {  	v22 =	vadd.s32 s22, v0;
	v13 =	vadd.f32 v23, v13;
	v15 =	vadd.f32 v26, v15;
	v23 =	vld.idx.msk [tilespmem:v25+s16+$0x0], $0xffff  }
0xb5: {  	s23 =	sadd.s32 $0x6, s24;
	v24 =	vadd.s32 s22, v1;
	v8 =	vadd.f32 v8, v11;
	v9 =	vadd.f32 v9, v12;
	v10 =	vld.idx.msk [tilespmem:v30+s16+$0x0], $0xffff  }
0xb6: {  	v11 =	vadd.s32 s23, v0;
	v21 =	vadd.f32 v21, v13;
	v20 =	vadd.f32 v20, v15;
	v12 =	vld.idx.msk [tilespmem:v28+s16+$0x0], $0xffff  }
0xb7: {  	s25 =	sadd.s32 $0x5, s24;
	v25 =	vadd.s32 s23, v1;
	v6 =	vadd.f32 v6, v8;
	v7 =	vadd.f32 v7, v9;
	v13 =	vld.idx.msk [tilespmem:v19+s16+$0x0], $0xffff  }
0xb8: {  	v8 =	vadd.s32 s25, v0;
	v9 =	vadd.f32 v16, v21;
	v16 =	vadd.f32 v17, v20;
	v15 =	vld.idx.msk [tilespmem:v18+s16+$0x0], $0xffff  }
0xb9: {  	s26 =	sadd.s32 $0x4, s24;
	v26 =	vadd.s32 s25, v1;
	v17 =	vadd.f32 v4, v6;
	v20 =	vadd.f32 v5, v7;
	v4 =	vld.idx.msk [tilespmem:v22+s16+$0x0], $0xffff  }
0xba: {  	v27 =	vadd.s32 s26, v0;
	v19 =	vadd.f32 v14, v9;
	v18 =	vadd.f32 v23, v16;
	v5 =	vld.idx.msk [tilespmem:v24+s16+$0x0], $0xffff  }
0xbb: {  	s28 =	sadd.s32 $0x3, s24;
	v14 =	vadd.s32 s26, v1;
	v6 =	vld.idx.msk [tilespmem:v11+s16+$0x0], $0xffff  }
0xbc: {  	v16 =	vadd.s32 s28, v0;
	v7 =	vld.idx.msk [tilespmem:v25+s16+$0x0], $0xffff  }
.Ltmp0:
0xbd: {  	s29 =	sadd.s32 $0x2, s24;
	v22 =	vadd.s32 s28, v1;
	v8 =	vld.idx.msk [tilespmem:v8+s16+$0x0], $0xffff;
	(pc) =	sbr.rel @p0 .LBB2_2-.Ltmp0, $4  }
0xbe: {  	v21 =	vadd.s32 s29, v0;
	v9 =	vld.idx.msk [tilespmem:v26+s16+$0x0], $0xffff  }
0xbf: {  	s30 =	sadd.s32 $0x1, s24;
	v25 =	vadd.s32 s29, v1;
	v11 =	vld.idx.msk [tilespmem:v27+s16+$0x0], $0xffff  }
0xc0: {  	v23 =	vadd.s32 s30, v0;
	v14 =	vld.idx.msk [tilespmem:v14+s16+$0x0], $0xffff  }
0xc1: {  	s24 =	sadd.s32 $0x8, s24;
	v24 =	vadd.s32 s30, v1;
	v16 =	vld.idx.msk [tilespmem:v16+s16+$0x0], $0xffff  }
0xc2: {  	_ =	sdelay $0x3  }
0xc3: {  	v26 =	vadd.s32 s30, v2;
	v22 =	vld.idx.msk [tilespmem:v22+s16+$0x0], $0xffff  }
0xc4: {  	v27 =	vadd.s32 s30, v3;
	v21 =	vld.idx.msk [tilespmem:v21+s16+$0x0], $0xffff  }
0xc5: {  	v25 =	vld.idx.msk [tilespmem:v25+s16+$0x0], $0xffff;
	v28 =	vadd.s32 s29, v2  }
0xc6: {  	v23 =	vld.idx.msk [tilespmem:v23+s16+$0x0], $0xffff;
	v29 =	vadd.s32 s29, v3  }
0xc7: {  	v24 =	vld.idx.msk [tilespmem:v24+s16+$0x0], $0xffff;
	v30 =	vadd.s32 s28, v2  }
0xc8: {  	v31 =	vadd.s32 s28, v3;
	v26 =	vld.idx.msk [tilespmem:v26+s16+$0x0], $0xffff  }
0xc9: {  	v32 =	vadd.s32 s26, v2;
	v10 =	vadd.f32 v10, v17;
	v27 =	vld.idx.msk [tilespmem:v27+s16+$0x0], $0xffff  }
0xca: {  	v62 =	vadd.s32 s26, v3;
	v12 =	vadd.f32 v12, v20;
	v17 =	vld.idx.msk [tilespmem:v28+s16+$0x0], $0xffff  }
0xcb: {  	v63 =	vadd.s32 s25, v2;
	v13 =	vadd.f32 v13, v19;
	v20 =	vld.idx.msk [tilespmem:v29+s16+$0x0], $0xffff;
	v10 =	vadd.f32 v23, v10  }
0xcc: {  	v15 =	vadd.f32 v15, v18;
	v19 =	vld.idx.msk [tilespmem:v30+s16+$0x0], $0xffff;
	v23 =	vadd.s32 s25, v3;
	v12 =	vadd.f32 v24, v12  }
0xcd: {  	v18 =	vld.idx.msk [tilespmem:v31+s16+$0x0], $0xffff;
	v24 =	vadd.s32 s23, v2;
	v10 =	vadd.f32 v21, v10;
	v13 =	vadd.f32 v26, v13  }
0xce: {  	v21 =	vld.idx.msk [tilespmem:v32+s16+$0x0], $0xffff;
	v12 =	vadd.f32 v25, v12;
	v26 =	vadd.s32 s23, v3;
	v15 =	vadd.f32 v27, v15  }
0xcf: {  	v25 =	vld.idx.msk [tilespmem:v62+s16+$0x0], $0xffff;
	v10 =	vadd.f32 v16, v10;
	v27 =	vadd.s32 s22, v2;
	v13 =	vadd.f32 v17, v13  }
0xd0: {  	v16 =	vld.idx.msk [tilespmem:v63+s16+$0x0], $0xffff;
	v12 =	vadd.f32 v22, v12;
	v17 =	vadd.s32 s22, v3;
	v15 =	vadd.f32 v20, v15  }
0xd1: {  	v10 =	vadd.f32 v11, v10;
	v20 =	vld.idx.msk [tilespmem:v23+s16+$0x0], $0xffff;
	v13 =	vadd.f32 v19, v13  }
0xd2: {  	v11 =	vld.idx.msk [tilespmem:v24+s16+$0x0], $0xffff;
	v12 =	vadd.f32 v14, v12;
	v15 =	vadd.f32 v18, v15  }
0xd3: {  	v8 =	vadd.f32 v8, v10;
	v14 =	vld.idx.msk [tilespmem:v26+s16+$0x0], $0xffff;
	v13 =	vadd.f32 v21, v13  }
0xd4: {  	v9 =	vadd.f32 v9, v12;
	v10 =	vld.idx.msk [tilespmem:v27+s16+$0x0], $0xffff;
	v15 =	vadd.f32 v25, v15  }
0xd5: {  	v6 =	vadd.f32 v6, v8;
	v12 =	vld.idx.msk [tilespmem:v17+s16+$0x0], $0xffff;
	v13 =	vadd.f32 v16, v13  }
0xd6: {  	v7 =	vadd.f32 v7, v9;
	v8 =	vadd.f32 v20, v15  }
0xd7: {  	v4 =	vadd.f32 v4, v6;
	v9 =	vadd.f32 v11, v13  }
0xd8: {  	v5 =	vadd.f32 v5, v7;
	v6 =	vadd.f32 v14, v8  }
0xd9: {  	[tilespmem:$0x10000] =	vst v4;
	v7 =	vadd.f32 v10, v9  }
0xda: {  	[tilespmem:$0x10010] =	vst v5;
	v4 =	vadd.f32 v12, v6  }
0xdb: {  	[tilespmem:$0x10020] =	vst v7  }
0xdc: {  	[tilespmem:$0x10030] =	vst v4  }
0xdd: {  	_ =	swait.ge [sflag:s20], $0x3200  }
0xde: {  	[sflag:s20] =	ssyncset.done $0x0  }
0xdf: {  	[sflag:s20] =	ssyncadd.s32 $0xFFFFCE00  }
0xe0: {  	s26 =	simm.s32 $0x0;
	_ =	swait.ge [sflag:s14], $0x3200  }
0xe1: {  	v4 =	vadd.s32 s26, v0;
	[sflag:s14] =	ssyncset.done $0x0  }
0xe2: {  	v5 =	vadd.s32 s26, v1;
	[sflag:s14] =	ssyncadd.s32 $0xFFFFCE00  }
0xe3: {  	v6 =	vadd.s32 s26, v2;
	[tilespmem:s16], [sflag:$0x3] =	stream.indirect.gather [spmem:s15], $0x1, s26, s5, $0xb8;
	[tilespmem:$0x1F628] =	vst v63  }
0xe4: {  	s22 =	simm.s32 $0x7;
	v7 =	vadd.s32 s26, v3  }
0xe5: {  	v8 =	vadd.s32 s22, v0;
	[tilespmem:s5], [sflag:$0x2] =	stream.linear.gather [hbm4b:s31+s26], $0x3200, $0x38;
	[tilespmem:$0x1F628] =	vst v63  }
0xe6: {  	s23 =	simm.s32 $0x6;
	v9 =	vadd.s32 s22, v1;
	v10 =	vld.idx.msk [tilespmem:v4+s19+$0x0], $0xffff  }
0xe7: {  	v11 =	vadd.s32 s23, v0;
	v12 =	vld.idx.msk [tilespmem:v5+s19+$0x0], $0xffff  }
0xe8: {  	s25 =	simm.s32 $0x5;
	v14 =	vadd.s32 s23, v1;
	v13 =	vld.idx.msk [tilespmem:v6+s19+$0x0], $0xffff  }
0xe9: {  	v16 =	vadd.s32 s25, v0;
	v15 =	vld.idx.msk [tilespmem:v7+s19+$0x0], $0xffff  }
0xea: {  	s28 =	simm.s32 $0x3;
	v17 =	vadd.s32 s25, v1;
	v4 =	vld.idx.msk [tilespmem:v8+s19+$0x0], $0xffff  }
0xeb: {  	v20 =	vadd.s32 s28, v0;
	s26 =	simm.s32 $0x4;
	v5 =	vld.idx.msk [tilespmem:v9+s19+$0x0], $0xffff  }
0xec: {  	v18 =	vadd.s32 s26, v0;
	v6 =	vld.idx.msk [tilespmem:v11+s19+$0x0], $0xffff  }
0xed: {  	v19 =	vadd.s32 s26, v1;
	v7 =	vld.idx.msk [tilespmem:v14+s19+$0x0], $0xffff  }
0xee: {  	s29 =	simm.s32 $0x2;
	v22 =	vadd.s32 s28, v1;
	v8 =	vld.idx.msk [tilespmem:v16+s19+$0x0], $0xffff  }
0xef: {  	v21 =	vadd.s32 s29, v0;
	v9 =	vld.idx.msk [tilespmem:v17+s19+$0x0], $0xffff  }
0xf0: {  	s30 =	simm.s32 $0x1;
	v25 =	vadd.s32 s29, v1;
	v16 =	vld.idx.msk [tilespmem:v20+s19+$0x0], $0xffff  }
0xf1: {  	v24 =	vadd.s32 s30, v1;
	v23 =	vadd.s32 s30, v0;
	v17 =	vimm.f32 $0.0e+00;
	v11 =	vld.idx.msk [tilespmem:v18+s19+$0x0], $0xffff  }
0xf2: {  	s24 =	simm.s32 $0x8;
	v20 =	vimm.f32 $0.0e+00;
	v14 =	vld.idx.msk [tilespmem:v19+s19+$0x0], $0xffff;
	v19 =	vimm.f32 $0.0e+00;
	v18 =	vimm.f32 $0.0e+00  }
.LBB2_4:
0xf3: {  	p0 =	slt.u32 s24, $0xC0;
	v26 =	vadd.s32 s30, v2;
	v22 =	vld.idx.msk [tilespmem:v22+s19+$0x0], $0xffff  }
0xf4: {  	v27 =	vadd.s32 s30, v3;
	v21 =	vld.idx.msk [tilespmem:v21+s19+$0x0], $0xffff  }
0xf5: {  	v28 =	vadd.s32 s29, v2;
	v25 =	vld.idx.msk [tilespmem:v25+s19+$0x0], $0xffff  }
0xf6: {  	v29 =	vadd.s32 s29, v3;
	v23 =	vld.idx.msk [tilespmem:v23+s19+$0x0], $0xffff  }
0xf7: {  	v30 =	vadd.s32 s28, v2;
	v24 =	vld.idx.msk [tilespmem:v24+s19+$0x0], $0xffff  }
0xf8: {  	v31 =	vadd.s32 s28, v3;
	v26 =	vld.idx.msk [tilespmem:v26+s19+$0x0], $0xffff  }
0xf9: {  	v32 =	vadd.s32 s26, v2;
	v27 =	vld.idx.msk [tilespmem:v27+s19+$0x0], $0xffff  }
0xfa: {  	v33 =	vadd.s32 s26, v3;
	v28 =	vld.idx.msk [tilespmem:v28+s19+$0x0], $0xffff  }
0xfb: {  	v34 =	vadd.s32 s25, v2;
	v29 =	vld.idx.msk [tilespmem:v29+s19+$0x0], $0xffff  }
0xfc: {  	v10 =	vadd.f32 v10, v17;
	v12 =	vadd.f32 v12, v20;
	v20 =	vadd.s32 s25, v3;
	v17 =	vld.idx.msk [tilespmem:v30+s19+$0x0], $0xffff  }
0xfd: {  	v13 =	vadd.f32 v13, v19;
	v15 =	vadd.f32 v15, v18;
	v19 =	vadd.s32 s23, v2;
	v18 =	vld.idx.msk [tilespmem:v31+s19+$0x0], $0xffff  }
0xfe: {  	v10 =	vadd.f32 v23, v10;
	v12 =	vadd.f32 v24, v12;
	v24 =	vadd.s32 s23, v3;
	v23 =	vld.idx.msk [tilespmem:v32+s19+$0x0], $0xffff  }
0xff: {  	v13 =	vadd.f32 v26, v13;
	v15 =	vadd.f32 v27, v15;
	v27 =	vadd.s32 s22, v2;
	v26 =	vld.idx.msk [tilespmem:v33+s19+$0x0], $0xffff  }
0x100: {  	v10 =	vadd.f32 v21, v10;
	v12 =	vadd.f32 v25, v12;
	v25 =	vadd.s32 s22, v3;
	v21 =	vld.idx.msk [tilespmem:v34+s19+$0x0], $0xffff  }
0x101: {  	v30 =	vadd.s32 s24, v0;
	v13 =	vadd.f32 v28, v13;
	v15 =	vadd.f32 v29, v15;
	v20 =	vld.idx.msk [tilespmem:v20+s19+$0x0], $0xffff  }
0x102: {  	v28 =	vadd.s32 s24, v1;
	v10 =	vadd.f32 v16, v10;
	v12 =	vadd.f32 v22, v12;
	v16 =	vld.idx.msk [tilespmem:v19+s19+$0x0], $0xffff  }
0x103: {  	v13 =	vadd.f32 v17, v13;
	v19 =	vadd.s32 s24, v2;
	v15 =	vadd.f32 v18, v15;
	v17 =	vld.idx.msk [tilespmem:v24+s19+$0x0], $0xffff  }
0x104: {  	s22 =	sadd.s32 $0x7, s24;
	v11 =	vadd.f32 v11, v10;
	v18 =	vadd.s32 s24, v3;
	v12 =	vadd.f32 v14, v12;
	v14 =	vld.idx.msk [tilespmem:v27+s19+$0x0], $0xffff  }
0x105: {  	v22 =	vadd.s32 s22, v0;
	v13 =	vadd.f32 v23, v13;
	v15 =	vadd.f32 v26, v15;
	v23 =	vld.idx.msk [tilespmem:v25+s19+$0x0], $0xffff  }
0x106: {  	s23 =	sadd.s32 $0x6, s24;
	v24 =	vadd.s32 s22, v1;
	v8 =	vadd.f32 v8, v11;
	v9 =	vadd.f32 v9, v12;
	v10 =	vld.idx.msk [tilespmem:v30+s19+$0x0], $0xffff  }
0x107: {  	v11 =	vadd.s32 s23, v0;
	v21 =	vadd.f32 v21, v13;
	v20 =	vadd.f32 v20, v15;
	v12 =	vld.idx.msk [tilespmem:v28+s19+$0x0], $0xffff  }
0x108: {  	s25 =	sadd.s32 $0x5, s24;
	v25 =	vadd.s32 s23, v1;
	v6 =	vadd.f32 v6, v8;
	v7 =	vadd.f32 v7, v9;
	v13 =	vld.idx.msk [tilespmem:v19+s19+$0x0], $0xffff  }
0x109: {  	v8 =	vadd.s32 s25, v0;
	v9 =	vadd.f32 v16, v21;
	v16 =	vadd.f32 v17, v20;
	v15 =	vld.idx.msk [tilespmem:v18+s19+$0x0], $0xffff  }
0x10a: {  	s26 =	sadd.s32 $0x4, s24;
	v26 =	vadd.s32 s25, v1;
	v17 =	vadd.f32 v4, v6;
	v20 =	vadd.f32 v5, v7;
	v4 =	vld.idx.msk [tilespmem:v22+s19+$0x0], $0xffff  }
0x10b: {  	v27 =	vadd.s32 s26, v0;
	v19 =	vadd.f32 v14, v9;
	v18 =	vadd.f32 v23, v16;
	v5 =	vld.idx.msk [tilespmem:v24+s19+$0x0], $0xffff  }
0x10c: {  	s28 =	sadd.s32 $0x3, s24;
	v14 =	vadd.s32 s26, v1;
	v6 =	vld.idx.msk [tilespmem:v11+s19+$0x0], $0xffff  }
0x10d: {  	v16 =	vadd.s32 s28, v0;
	v7 =	vld.idx.msk [tilespmem:v25+s19+$0x0], $0xffff  }
.Ltmp1:
0x10e: {  	s29 =	sadd.s32 $0x2, s24;
	v22 =	vadd.s32 s28, v1;
	v8 =	vld.idx.msk [tilespmem:v8+s19+$0x0], $0xffff;
	(pc) =	sbr.rel @p0 .LBB2_4-.Ltmp1, $4  }
0x10f: {  	v21 =	vadd.s32 s29, v0;
	v9 =	vld.idx.msk [tilespmem:v26+s19+$0x0], $0xffff  }
0x110: {  	s30 =	sadd.s32 $0x1, s24;
	v25 =	vadd.s32 s29, v1;
	v11 =	vld.idx.msk [tilespmem:v27+s19+$0x0], $0xffff  }
0x111: {  	v23 =	vadd.s32 s30, v0;
	v14 =	vld.idx.msk [tilespmem:v14+s19+$0x0], $0xffff  }
0x112: {  	s24 =	sadd.s32 $0x8, s24;
	v24 =	vadd.s32 s30, v1;
	v16 =	vld.idx.msk [tilespmem:v16+s19+$0x0], $0xffff  }
0x113: {  	_ =	sdelay $0x3  }
0x114: {  	v26 =	vadd.s32 s30, v2;
	v22 =	vld.idx.msk [tilespmem:v22+s19+$0x0], $0xffff  }
0x115: {  	v27 =	vadd.s32 s30, v3;
	v21 =	vld.idx.msk [tilespmem:v21+s19+$0x0], $0xffff  }
0x116: {  	v25 =	vld.idx.msk [tilespmem:v25+s19+$0x0], $0xffff;
	v28 =	vadd.s32 s29, v2  }
0x117: {  	v23 =	vld.idx.msk [tilespmem:v23+s19+$0x0], $0xffff;
	v29 =	vadd.s32 s29, v3  }
0x118: {  	v24 =	vld.idx.msk [tilespmem:v24+s19+$0x0], $0xffff;
	v30 =	vadd.s32 s28, v2  }
0x119: {  	v31 =	vadd.s32 s28, v3;
	v26 =	vld.idx.msk [tilespmem:v26+s19+$0x0], $0xffff  }
0x11a: {  	v32 =	vadd.s32 s26, v2;
	v10 =	vadd.f32 v10, v17;
	v27 =	vld.idx.msk [tilespmem:v27+s19+$0x0], $0xffff  }
0x11b: {  	v62 =	vadd.s32 s26, v3;
	v12 =	vadd.f32 v12, v20;
	v17 =	vld.idx.msk [tilespmem:v28+s19+$0x0], $0xffff  }
0x11c: {  	v63 =	vadd.s32 s25, v2;
	v13 =	vadd.f32 v13, v19;
	v20 =	vld.idx.msk [tilespmem:v29+s19+$0x0], $0xffff;
	v10 =	vadd.f32 v23, v10  }
0x11d: {  	v15 =	vadd.f32 v15, v18;
	v19 =	vld.idx.msk [tilespmem:v30+s19+$0x0], $0xffff;
	v23 =	vadd.s32 s25, v3;
	v12 =	vadd.f32 v24, v12  }
0x11e: {  	v18 =	vld.idx.msk [tilespmem:v31+s19+$0x0], $0xffff;
	v24 =	vadd.s32 s23, v2;
	v10 =	vadd.f32 v21, v10;
	v13 =	vadd.f32 v26, v13  }
0x11f: {  	v21 =	vld.idx.msk [tilespmem:v32+s19+$0x0], $0xffff;
	v12 =	vadd.f32 v25, v12;
	v26 =	vadd.s32 s23, v3;
	v15 =	vadd.f32 v27, v15  }
0x120: {  	v25 =	vld.idx.msk [tilespmem:v62+s19+$0x0], $0xffff;
	v10 =	vadd.f32 v16, v10;
	v27 =	vadd.s32 s22, v2;
	v13 =	vadd.f32 v17, v13  }
0x121: {  	v16 =	vld.idx.msk [tilespmem:v63+s19+$0x0], $0xffff;
	v12 =	vadd.f32 v22, v12;
	v17 =	vadd.s32 s22, v3;
	v15 =	vadd.f32 v20, v15  }
0x122: {  	v10 =	vadd.f32 v11, v10;
	v20 =	vld.idx.msk [tilespmem:v23+s19+$0x0], $0xffff;
	v13 =	vadd.f32 v19, v13  }
0x123: {  	v11 =	vld.idx.msk [tilespmem:v24+s19+$0x0], $0xffff;
	v12 =	vadd.f32 v14, v12;
	v15 =	vadd.f32 v18, v15  }
0x124: {  	v8 =	vadd.f32 v8, v10;
	v14 =	vld.idx.msk [tilespmem:v26+s19+$0x0], $0xffff;
	v13 =	vadd.f32 v21, v13  }
0x125: {  	v9 =	vadd.f32 v9, v12;
	v10 =	vld.idx.msk [tilespmem:v27+s19+$0x0], $0xffff;
	v15 =	vadd.f32 v25, v15  }
0x126: {  	v6 =	vadd.f32 v6, v8;
	v12 =	vld.idx.msk [tilespmem:v17+s19+$0x0], $0xffff;
	v13 =	vadd.f32 v16, v13  }
0x127: {  	v7 =	vadd.f32 v7, v9;
	v8 =	vadd.f32 v20, v15  }
0x128: {  	v4 =	vadd.f32 v4, v6;
	v9 =	vadd.f32 v11, v13  }
0x129: {  	v5 =	vadd.f32 v5, v7;
	v6 =	vadd.f32 v14, v8  }
0x12a: {  	[tilespmem:$0x10040] =	vst v4;
	v7 =	vadd.f32 v10, v9  }
0x12b: {  	[tilespmem:$0x10050] =	vst v5;
	v4 =	vadd.f32 v12, v6  }
0x12c: {  	[tilespmem:$0x10060] =	vst v7  }
0x12d: {  	[tilespmem:$0x10070] =	vst v4  }
0x12e: {  	_ =	swait.ge [sflag:s17], $0x3200  }
0x12f: {  	[sflag:s17] =	ssyncset.done $0x0  }
0x130: {  	[sflag:s17] =	ssyncadd.s32 $0xFFFFCE00  }
0x131: {  	s26 =	simm.s32 $0x0;
	_ =	swait.ge [sflag:s18], $0x3200  }
0x132: {  	v4 =	vadd.s32 s26, v0;
	[sflag:s18] =	ssyncset.done $0x0  }
0x133: {  	v5 =	vadd.s32 s26, v1;
	[sflag:s18] =	ssyncadd.s32 $0xFFFFCE00  }
0x134: {  	v6 =	vadd.s32 s26, v2;
	[tilespmem:s19], [sflag:$0x4] =	stream.indirect.gather [spmem:s15], $0x1, s5, s5, $0xb8;
	[tilespmem:$0x1F628] =	vst v63  }
0x135: {  	s22 =	simm.s32 $0x7;
	v7 =	vadd.s32 s26, v3  }
0x136: {  	v8 =	vadd.s32 s22, v0;
	[tilespmem:s26], [sflag:$0x1] =	stream.linear.gather [hbm4b:s13+s26], $0x3200, $0x38;
	[tilespmem:$0x1F628] =	vst v63  }
0x137: {  	s23 =	simm.s32 $0x6;
	v9 =	vadd.s32 s22, v1;
	v10 =	vld.idx.msk [tilespmem:v4+s16+$0x0], $0xffff  }
0x138: {  	v11 =	vadd.s32 s23, v0;
	v12 =	vld.idx.msk [tilespmem:v5+s16+$0x0], $0xffff  }
0x139: {  	s25 =	simm.s32 $0x5;
	v14 =	vadd.s32 s23, v1;
	v13 =	vld.idx.msk [tilespmem:v6+s16+$0x0], $0xffff  }
0x13a: {  	v16 =	vadd.s32 s25, v0;
	v15 =	vld.idx.msk [tilespmem:v7+s16+$0x0], $0xffff  }
0x13b: {  	s28 =	simm.s32 $0x3;
	v17 =	vadd.s32 s25, v1;
	v4 =	vld.idx.msk [tilespmem:v8+s16+$0x0], $0xffff  }
0x13c: {  	v20 =	vadd.s32 s28, v0;
	s26 =	simm.s32 $0x4;
	v5 =	vld.idx.msk [tilespmem:v9+s16+$0x0], $0xffff  }
0x13d: {  	v18 =	vadd.s32 s26, v0;
	v6 =	vld.idx.msk [tilespmem:v11+s16+$0x0], $0xffff  }
0x13e: {  	v19 =	vadd.s32 s26, v1;
	v7 =	vld.idx.msk [tilespmem:v14+s16+$0x0], $0xffff  }
0x13f: {  	s29 =	simm.s32 $0x2;
	v22 =	vadd.s32 s28, v1;
	v8 =	vld.idx.msk [tilespmem:v16+s16+$0x0], $0xffff  }
0x140: {  	v21 =	vadd.s32 s29, v0;
	v9 =	vld.idx.msk [tilespmem:v17+s16+$0x0], $0xffff  }
0x141: {  	s30 =	simm.s32 $0x1;
	v25 =	vadd.s32 s29, v1;
	v16 =	vld.idx.msk [tilespmem:v20+s16+$0x0], $0xffff  }
0x142: {  	v24 =	vadd.s32 s30, v1;
	v23 =	vadd.s32 s30, v0;
	v17 =	vimm.f32 $0.0e+00;
	v11 =	vld.idx.msk [tilespmem:v18+s16+$0x0], $0xffff  }
0x143: {  	s24 =	simm.s32 $0x8;
	v20 =	vimm.f32 $0.0e+00;
	v14 =	vld.idx.msk [tilespmem:v19+s16+$0x0], $0xffff;
	v19 =	vimm.f32 $0.0e+00;
	v18 =	vimm.f32 $0.0e+00  }
.LBB2_6:
0x144: {  	p0 =	slt.u32 s24, $0xC0;
	v26 =	vadd.s32 s30, v2;
	v22 =	vld.idx.msk [tilespmem:v22+s16+$0x0], $0xffff  }
0x145: {  	v27 =	vadd.s32 s30, v3;
	v21 =	vld.idx.msk [tilespmem:v21+s16+$0x0], $0xffff  }
0x146: {  	v28 =	vadd.s32 s29, v2;
	v25 =	vld.idx.msk [tilespmem:v25+s16+$0x0], $0xffff  }
0x147: {  	v29 =	vadd.s32 s29, v3;
	v23 =	vld.idx.msk [tilespmem:v23+s16+$0x0], $0xffff  }
0x148: {  	v30 =	vadd.s32 s28, v2;
	v24 =	vld.idx.msk [tilespmem:v24+s16+$0x0], $0xffff  }
0x149: {  	v31 =	vadd.s32 s28, v3;
	v26 =	vld.idx.msk [tilespmem:v26+s16+$0x0], $0xffff  }
0x14a: {  	v32 =	vadd.s32 s26, v2;
	v27 =	vld.idx.msk [tilespmem:v27+s16+$0x0], $0xffff  }
0x14b: {  	v33 =	vadd.s32 s26, v3;
	v28 =	vld.idx.msk [tilespmem:v28+s16+$0x0], $0xffff  }
0x14c: {  	v34 =	vadd.s32 s25, v2;
	v29 =	vld.idx.msk [tilespmem:v29+s16+$0x0], $0xffff  }
0x14d: {  	v10 =	vadd.f32 v10, v17;
	v12 =	vadd.f32 v12, v20;
	v20 =	vadd.s32 s25, v3;
	v17 =	vld.idx.msk [tilespmem:v30+s16+$0x0], $0xffff  }
0x14e: {  	v13 =	vadd.f32 v13, v19;
	v15 =	vadd.f32 v15, v18;
	v19 =	vadd.s32 s23, v2;
	v18 =	vld.idx.msk [tilespmem:v31+s16+$0x0], $0xffff  }
0x14f: {  	v10 =	vadd.f32 v23, v10;
	v12 =	vadd.f32 v24, v12;
	v24 =	vadd.s32 s23, v3;
	v23 =	vld.idx.msk [tilespmem:v32+s16+$0x0], $0xffff  }
0x150: {  	v13 =	vadd.f32 v26, v13;
	v15 =	vadd.f32 v27, v15;
	v27 =	vadd.s32 s22, v2;
	v26 =	vld.idx.msk [tilespmem:v33+s16+$0x0], $0xffff  }
0x151: {  	v10 =	vadd.f32 v21, v10;
	v12 =	vadd.f32 v25, v12;
	v25 =	vadd.s32 s22, v3;
	v21 =	vld.idx.msk [tilespmem:v34+s16+$0x0], $0xffff  }
0x152: {  	v30 =	vadd.s32 s24, v0;
	v13 =	vadd.f32 v28, v13;
	v15 =	vadd.f32 v29, v15;
	v20 =	vld.idx.msk [tilespmem:v20+s16+$0x0], $0xffff  }
0x153: {  	v28 =	vadd.s32 s24, v1;
	v10 =	vadd.f32 v16, v10;
	v12 =	vadd.f32 v22, v12;
	v16 =	vld.idx.msk [tilespmem:v19+s16+$0x0], $0xffff  }
0x154: {  	v13 =	vadd.f32 v17, v13;
	v19 =	vadd.s32 s24, v2;
	v15 =	vadd.f32 v18, v15;
	v17 =	vld.idx.msk [tilespmem:v24+s16+$0x0], $0xffff  }
0x155: {  	s22 =	sadd.s32 $0x7, s24;
	v11 =	vadd.f32 v11, v10;
	v18 =	vadd.s32 s24, v3;
	v12 =	vadd.f32 v14, v12;
	v14 =	vld.idx.msk [tilespmem:v27+s16+$0x0], $0xffff  }
0x156: {  	v22 =	vadd.s32 s22, v0;
	v13 =	vadd.f32 v23, v13;
	v15 =	vadd.f32 v26, v15;
	v23 =	vld.idx.msk [tilespmem:v25+s16+$0x0], $0xffff  }
0x157: {  	s23 =	sadd.s32 $0x6, s24;
	v24 =	vadd.s32 s22, v1;
	v8 =	vadd.f32 v8, v11;
	v9 =	vadd.f32 v9, v12;
	v10 =	vld.idx.msk [tilespmem:v30+s16+$0x0], $0xffff  }
0x158: {  	v11 =	vadd.s32 s23, v0;
	v21 =	vadd.f32 v21, v13;
	v20 =	vadd.f32 v20, v15;
	v12 =	vld.idx.msk [tilespmem:v28+s16+$0x0], $0xffff  }
0x159: {  	s25 =	sadd.s32 $0x5, s24;
	v25 =	vadd.s32 s23, v1;
	v6 =	vadd.f32 v6, v8;
	v7 =	vadd.f32 v7, v9;
	v13 =	vld.idx.msk [tilespmem:v19+s16+$0x0], $0xffff  }
0x15a: {  	v8 =	vadd.s32 s25, v0;
	v9 =	vadd.f32 v16, v21;
	v16 =	vadd.f32 v17, v20;
	v15 =	vld.idx.msk [tilespmem:v18+s16+$0x0], $0xffff  }
0x15b: {  	s26 =	sadd.s32 $0x4, s24;
	v26 =	vadd.s32 s25, v1;
	v17 =	vadd.f32 v4, v6;
	v20 =	vadd.f32 v5, v7;
	v4 =	vld.idx.msk [tilespmem:v22+s16+$0x0], $0xffff  }
0x15c: {  	v27 =	vadd.s32 s26, v0;
	v19 =	vadd.f32 v14, v9;
	v18 =	vadd.f32 v23, v16;
	v5 =	vld.idx.msk [tilespmem:v24+s16+$0x0], $0xffff  }
0x15d: {  	s28 =	sadd.s32 $0x3, s24;
	v14 =	vadd.s32 s26, v1;
	v6 =	vld.idx.msk [tilespmem:v11+s16+$0x0], $0xffff  }
0x15e: {  	v16 =	vadd.s32 s28, v0;
	v7 =	vld.idx.msk [tilespmem:v25+s16+$0x0], $0xffff  }
.Ltmp2:
0x15f: {  	s29 =	sadd.s32 $0x2, s24;
	v22 =	vadd.s32 s28, v1;
	v8 =	vld.idx.msk [tilespmem:v8+s16+$0x0], $0xffff;
	(pc) =	sbr.rel @p0 .LBB2_6-.Ltmp2, $4  }
0x160: {  	v21 =	vadd.s32 s29, v0;
	v9 =	vld.idx.msk [tilespmem:v26+s16+$0x0], $0xffff  }
0x161: {  	s30 =	sadd.s32 $0x1, s24;
	v25 =	vadd.s32 s29, v1;
	v11 =	vld.idx.msk [tilespmem:v27+s16+$0x0], $0xffff  }
0x162: {  	v23 =	vadd.s32 s30, v0;
	v14 =	vld.idx.msk [tilespmem:v14+s16+$0x0], $0xffff  }
0x163: {  	s24 =	sadd.s32 $0x8, s24;
	v24 =	vadd.s32 s30, v1;
	v16 =	vld.idx.msk [tilespmem:v16+s16+$0x0], $0xffff  }
0x164: {  	_ =	sdelay $0x3  }
0x165: {  	v26 =	vadd.s32 s30, v2;
	v22 =	vld.idx.msk [tilespmem:v22+s16+$0x0], $0xffff  }
0x166: {  	v27 =	vadd.s32 s30, v3;
	v21 =	vld.idx.msk [tilespmem:v21+s16+$0x0], $0xffff  }
0x167: {  	v25 =	vld.idx.msk [tilespmem:v25+s16+$0x0], $0xffff;
	v28 =	vadd.s32 s29, v2  }
0x168: {  	v23 =	vld.idx.msk [tilespmem:v23+s16+$0x0], $0xffff;
	v29 =	vadd.s32 s29, v3  }
0x169: {  	v24 =	vld.idx.msk [tilespmem:v24+s16+$0x0], $0xffff;
	v30 =	vadd.s32 s28, v2  }
0x16a: {  	v31 =	vadd.s32 s28, v3;
	v26 =	vld.idx.msk [tilespmem:v26+s16+$0x0], $0xffff  }
0x16b: {  	v32 =	vadd.s32 s26, v2;
	v10 =	vadd.f32 v10, v17;
	v27 =	vld.idx.msk [tilespmem:v27+s16+$0x0], $0xffff  }
0x16c: {  	v62 =	vadd.s32 s26, v3;
	v12 =	vadd.f32 v12, v20;
	v17 =	vld.idx.msk [tilespmem:v28+s16+$0x0], $0xffff  }
0x16d: {  	v63 =	vadd.s32 s25, v2;
	v13 =	vadd.f32 v13, v19;
	v20 =	vld.idx.msk [tilespmem:v29+s16+$0x0], $0xffff;
	v10 =	vadd.f32 v23, v10  }
0x16e: {  	v15 =	vadd.f32 v15, v18;
	v19 =	vld.idx.msk [tilespmem:v30+s16+$0x0], $0xffff;
	v23 =	vadd.s32 s25, v3;
	v12 =	vadd.f32 v24, v12  }
0x16f: {  	v18 =	vld.idx.msk [tilespmem:v31+s16+$0x0], $0xffff;
	v24 =	vadd.s32 s23, v2;
	v10 =	vadd.f32 v21, v10;
	v13 =	vadd.f32 v26, v13  }
0x170: {  	v21 =	vld.idx.msk [tilespmem:v32+s16+$0x0], $0xffff;
	v12 =	vadd.f32 v25, v12;
	v26 =	vadd.s32 s23, v3;
	v15 =	vadd.f32 v27, v15  }
0x171: {  	v25 =	vld.idx.msk [tilespmem:v62+s16+$0x0], $0xffff;
	v10 =	vadd.f32 v16, v10;
	v27 =	vadd.s32 s22, v2;
	v13 =	vadd.f32 v17, v13  }
0x172: {  	v16 =	vld.idx.msk [tilespmem:v63+s16+$0x0], $0xffff;
	v12 =	vadd.f32 v22, v12;
	v17 =	vadd.s32 s22, v3;
	v15 =	vadd.f32 v20, v15  }
0x173: {  	v10 =	vadd.f32 v11, v10;
	v20 =	vld.idx.msk [tilespmem:v23+s16+$0x0], $0xffff;
	v13 =	vadd.f32 v19, v13  }
0x174: {  	v11 =	vld.idx.msk [tilespmem:v24+s16+$0x0], $0xffff;
	v12 =	vadd.f32 v14, v12;
	v15 =	vadd.f32 v18, v15  }
0x175: {  	v8 =	vadd.f32 v8, v10;
	v14 =	vld.idx.msk [tilespmem:v26+s16+$0x0], $0xffff;
	v13 =	vadd.f32 v21, v13  }
0x176: {  	v9 =	vadd.f32 v9, v12;
	v10 =	vld.idx.msk [tilespmem:v27+s16+$0x0], $0xffff;
	v15 =	vadd.f32 v25, v15  }
0x177: {  	v6 =	vadd.f32 v6, v8;
	v12 =	vld.idx.msk [tilespmem:v17+s16+$0x0], $0xffff;
	v13 =	vadd.f32 v16, v13  }
0x178: {  	v7 =	vadd.f32 v7, v9;
	v8 =	vadd.f32 v20, v15  }
0x179: {  	v4 =	vadd.f32 v4, v6;
	v9 =	vadd.f32 v11, v13  }
0x17a: {  	v5 =	vadd.f32 v5, v7;
	v6 =	vadd.f32 v14, v8  }
0x17b: {  	[tilespmem:$0x10080] =	vst v4;
	v7 =	vadd.f32 v10, v9  }
0x17c: {  	[tilespmem:$0x10090] =	vst v5;
	v4 =	vadd.f32 v12, v6  }
0x17d: {  	[tilespmem:$0x100A0] =	vst v7  }
0x17e: {  	[tilespmem:$0x100B0] =	vst v4  }
0x17f: {  	_ =	swait.ge [sflag:s20], $0x3200  }
0x180: {  	[sflag:s20] =	ssyncset.done $0x0  }
0x181: {  	[sflag:s20] =	ssyncadd.s32 $0xFFFFCE00  }
0x182: {  	s26 =	simm.s32 $0x0;
	_ =	swait.ge [sflag:s14], $0x3200  }
0x183: {  	v4 =	vadd.s32 s26, v0;
	[sflag:s14] =	ssyncset.done $0x0  }
0x184: {  	v5 =	vadd.s32 s26, v1;
	[sflag:s14] =	ssyncadd.s32 $0xFFFFCE00  }
0x185: {  	v6 =	vadd.s32 s26, v2;
	[tilespmem:s16], [sflag:$0x3] =	stream.indirect.gather [spmem:s15], $0x1, s26, s5, $0xb8;
	[tilespmem:$0x1F628] =	vst v63  }
0x186: {  	s22 =	simm.s32 $0x7;
	v7 =	vadd.s32 s26, v3  }
0x187: {  	v8 =	vadd.s32 s22, v0;
	[tilespmem:s5], [sflag:$0x2] =	stream.linear.gather [hbm4b:s0+s26], $0x3200, $0x38;
	[tilespmem:$0x1F628] =	vst v63  }
0x188: {  	s23 =	simm.s32 $0x6;
	v9 =	vadd.s32 s22, v1;
	v10 =	vld.idx.msk [tilespmem:v4+s19+$0x0], $0xffff  }
0x189: {  	v11 =	vadd.s32 s23, v0;
	v12 =	vld.idx.msk [tilespmem:v5+s19+$0x0], $0xffff  }
0x18a: {  	s25 =	simm.s32 $0x5;
	v14 =	vadd.s32 s23, v1;
	v13 =	vld.idx.msk [tilespmem:v6+s19+$0x0], $0xffff  }
0x18b: {  	v16 =	vadd.s32 s25, v0;
	v15 =	vld.idx.msk [tilespmem:v7+s19+$0x0], $0xffff  }
0x18c: {  	s28 =	simm.s32 $0x3;
	v17 =	vadd.s32 s25, v1;
	v4 =	vld.idx.msk [tilespmem:v8+s19+$0x0], $0xffff  }
0x18d: {  	v20 =	vadd.s32 s28, v0;
	s26 =	simm.s32 $0x4;
	v5 =	vld.idx.msk [tilespmem:v9+s19+$0x0], $0xffff  }
0x18e: {  	v18 =	vadd.s32 s26, v0;
	v6 =	vld.idx.msk [tilespmem:v11+s19+$0x0], $0xffff  }
0x18f: {  	v19 =	vadd.s32 s26, v1;
	v7 =	vld.idx.msk [tilespmem:v14+s19+$0x0], $0xffff  }
0x190: {  	s29 =	simm.s32 $0x2;
	v22 =	vadd.s32 s28, v1;
	v8 =	vld.idx.msk [tilespmem:v16+s19+$0x0], $0xffff  }
0x191: {  	v21 =	vadd.s32 s29, v0;
	v9 =	vld.idx.msk [tilespmem:v17+s19+$0x0], $0xffff  }
0x192: {  	s30 =	simm.s32 $0x1;
	v25 =	vadd.s32 s29, v1;
	v16 =	vld.idx.msk [tilespmem:v20+s19+$0x0], $0xffff  }
0x193: {  	v24 =	vadd.s32 s30, v1;
	v23 =	vadd.s32 s30, v0;
	v17 =	vimm.f32 $0.0e+00;
	v11 =	vld.idx.msk [tilespmem:v18+s19+$0x0], $0xffff  }
0x194: {  	s24 =	simm.s32 $0x8;
	v20 =	vimm.f32 $0.0e+00;
	v14 =	vld.idx.msk [tilespmem:v19+s19+$0x0], $0xffff;
	v19 =	vimm.f32 $0.0e+00;
	v18 =	vimm.f32 $0.0e+00  }
.LBB2_8:
0x195: {  	p0 =	slt.u32 s24, $0xC0;
	v26 =	vadd.s32 s30, v2;
	v22 =	vld.idx.msk [tilespmem:v22+s19+$0x0], $0xffff  }
0x196: {  	v27 =	vadd.s32 s30, v3;
	v21 =	vld.idx.msk [tilespmem:v21+s19+$0x0], $0xffff  }
0x197: {  	v28 =	vadd.s32 s29, v2;
	v25 =	vld.idx.msk [tilespmem:v25+s19+$0x0], $0xffff  }
0x198: {  	v29 =	vadd.s32 s29, v3;
	v23 =	vld.idx.msk [tilespmem:v23+s19+$0x0], $0xffff  }
0x199: {  	v30 =	vadd.s32 s28, v2;
	v24 =	vld.idx.msk [tilespmem:v24+s19+$0x0], $0xffff  }
0x19a: {  	v31 =	vadd.s32 s28, v3;
	v26 =	vld.idx.msk [tilespmem:v26+s19+$0x0], $0xffff  }
0x19b: {  	v32 =	vadd.s32 s26, v2;
	v27 =	vld.idx.msk [tilespmem:v27+s19+$0x0], $0xffff  }
0x19c: {  	v33 =	vadd.s32 s26, v3;
	v28 =	vld.idx.msk [tilespmem:v28+s19+$0x0], $0xffff  }
0x19d: {  	v34 =	vadd.s32 s25, v2;
	v29 =	vld.idx.msk [tilespmem:v29+s19+$0x0], $0xffff  }
0x19e: {  	v10 =	vadd.f32 v10, v17;
	v12 =	vadd.f32 v12, v20;
	v20 =	vadd.s32 s25, v3;
	v17 =	vld.idx.msk [tilespmem:v30+s19+$0x0], $0xffff  }
0x19f: {  	v13 =	vadd.f32 v13, v19;
	v15 =	vadd.f32 v15, v18;
	v19 =	vadd.s32 s23, v2;
	v18 =	vld.idx.msk [tilespmem:v31+s19+$0x0], $0xffff  }
0x1a0: {  	v10 =	vadd.f32 v23, v10;
	v12 =	vadd.f32 v24, v12;
	v24 =	vadd.s32 s23, v3;
	v23 =	vld.idx.msk [tilespmem:v32+s19+$0x0], $0xffff  }
0x1a1: {  	v13 =	vadd.f32 v26, v13;
	v15 =	vadd.f32 v27, v15;
	v27 =	vadd.s32 s22, v2;
	v26 =	vld.idx.msk [tilespmem:v33+s19+$0x0], $0xffff  }
0x1a2: {  	v10 =	vadd.f32 v21, v10;
	v12 =	vadd.f32 v25, v12;
	v25 =	vadd.s32 s22, v3;
	v21 =	vld.idx.msk [tilespmem:v34+s19+$0x0], $0xffff  }
0x1a3: {  	v30 =	vadd.s32 s24, v0;
	v13 =	vadd.f32 v28, v13;
	v15 =	vadd.f32 v29, v15;
	v20 =	vld.idx.msk [tilespmem:v20+s19+$0x0], $0xffff  }
0x1a4: {  	v28 =	vadd.s32 s24, v1;
	v10 =	vadd.f32 v16, v10;
	v12 =	vadd.f32 v22, v12;
	v16 =	vld.idx.msk [tilespmem:v19+s19+$0x0], $0xffff  }
0x1a5: {  	v13 =	vadd.f32 v17, v13;
	v19 =	vadd.s32 s24, v2;
	v15 =	vadd.f32 v18, v15;
	v17 =	vld.idx.msk [tilespmem:v24+s19+$0x0], $0xffff  }
0x1a6: {  	s22 =	sadd.s32 $0x7, s24;
	v11 =	vadd.f32 v11, v10;
	v18 =	vadd.s32 s24, v3;
	v12 =	vadd.f32 v14, v12;
	v14 =	vld.idx.msk [tilespmem:v27+s19+$0x0], $0xffff  }
0x1a7: {  	v22 =	vadd.s32 s22, v0;
	v13 =	vadd.f32 v23, v13;
	v15 =	vadd.f32 v26, v15;
	v23 =	vld.idx.msk [tilespmem:v25+s19+$0x0], $0xffff  }
0x1a8: {  	s23 =	sadd.s32 $0x6, s24;
	v24 =	vadd.s32 s22, v1;
	v8 =	vadd.f32 v8, v11;
	v9 =	vadd.f32 v9, v12;
	v10 =	vld.idx.msk [tilespmem:v30+s19+$0x0], $0xffff  }
0x1a9: {  	v11 =	vadd.s32 s23, v0;
	v21 =	vadd.f32 v21, v13;
	v20 =	vadd.f32 v20, v15;
	v12 =	vld.idx.msk [tilespmem:v28+s19+$0x0], $0xffff  }
0x1aa: {  	s25 =	sadd.s32 $0x5, s24;
	v25 =	vadd.s32 s23, v1;
	v6 =	vadd.f32 v6, v8;
	v7 =	vadd.f32 v7, v9;
	v13 =	vld.idx.msk [tilespmem:v19+s19+$0x0], $0xffff  }
0x1ab: {  	v8 =	vadd.s32 s25, v0;
	v9 =	vadd.f32 v16, v21;
	v16 =	vadd.f32 v17, v20;
	v15 =	vld.idx.msk [tilespmem:v18+s19+$0x0], $0xffff  }
0x1ac: {  	s26 =	sadd.s32 $0x4, s24;
	v26 =	vadd.s32 s25, v1;
	v17 =	vadd.f32 v4, v6;
	v20 =	vadd.f32 v5, v7;
	v4 =	vld.idx.msk [tilespmem:v22+s19+$0x0], $0xffff  }
0x1ad: {  	v27 =	vadd.s32 s26, v0;
	v19 =	vadd.f32 v14, v9;
	v18 =	vadd.f32 v23, v16;
	v5 =	vld.idx.msk [tilespmem:v24+s19+$0x0], $0xffff  }
0x1ae: {  	s28 =	sadd.s32 $0x3, s24;
	v14 =	vadd.s32 s26, v1;
	v6 =	vld.idx.msk [tilespmem:v11+s19+$0x0], $0xffff  }
0x1af: {  	v16 =	vadd.s32 s28, v0;
	v7 =	vld.idx.msk [tilespmem:v25+s19+$0x0], $0xffff  }
.Ltmp3:
0x1b0: {  	s29 =	sadd.s32 $0x2, s24;
	v22 =	vadd.s32 s28, v1;
	v8 =	vld.idx.msk [tilespmem:v8+s19+$0x0], $0xffff;
	(pc) =	sbr.rel @p0 .LBB2_8-.Ltmp3, $4  }
0x1b1: {  	v21 =	vadd.s32 s29, v0;
	v9 =	vld.idx.msk [tilespmem:v26+s19+$0x0], $0xffff  }
0x1b2: {  	s30 =	sadd.s32 $0x1, s24;
	v25 =	vadd.s32 s29, v1;
	v11 =	vld.idx.msk [tilespmem:v27+s19+$0x0], $0xffff  }
0x1b3: {  	v23 =	vadd.s32 s30, v0;
	v14 =	vld.idx.msk [tilespmem:v14+s19+$0x0], $0xffff  }
0x1b4: {  	s24 =	sadd.s32 $0x8, s24;
	v24 =	vadd.s32 s30, v1;
	v16 =	vld.idx.msk [tilespmem:v16+s19+$0x0], $0xffff  }
0x1b5: {  	_ =	sdelay $0x3  }
0x1b6: {  	v26 =	vadd.s32 s30, v2;
	v22 =	vld.idx.msk [tilespmem:v22+s19+$0x0], $0xffff  }
0x1b7: {  	v27 =	vadd.s32 s30, v3;
	v21 =	vld.idx.msk [tilespmem:v21+s19+$0x0], $0xffff  }
0x1b8: {  	v25 =	vld.idx.msk [tilespmem:v25+s19+$0x0], $0xffff;
	v28 =	vadd.s32 s29, v2  }
0x1b9: {  	v23 =	vld.idx.msk [tilespmem:v23+s19+$0x0], $0xffff;
	v29 =	vadd.s32 s29, v3  }
0x1ba: {  	v24 =	vld.idx.msk [tilespmem:v24+s19+$0x0], $0xffff;
	v30 =	vadd.s32 s28, v2  }
0x1bb: {  	v31 =	vadd.s32 s28, v3;
	v26 =	vld.idx.msk [tilespmem:v26+s19+$0x0], $0xffff  }
0x1bc: {  	v32 =	vadd.s32 s26, v2;
	v10 =	vadd.f32 v10, v17;
	v27 =	vld.idx.msk [tilespmem:v27+s19+$0x0], $0xffff  }
0x1bd: {  	v62 =	vadd.s32 s26, v3;
	v12 =	vadd.f32 v12, v20;
	v17 =	vld.idx.msk [tilespmem:v28+s19+$0x0], $0xffff  }
0x1be: {  	v63 =	vadd.s32 s25, v2;
	v13 =	vadd.f32 v13, v19;
	v20 =	vld.idx.msk [tilespmem:v29+s19+$0x0], $0xffff;
	v10 =	vadd.f32 v23, v10  }
0x1bf: {  	v15 =	vadd.f32 v15, v18;
	v19 =	vld.idx.msk [tilespmem:v30+s19+$0x0], $0xffff;
	v23 =	vadd.s32 s25, v3;
	v12 =	vadd.f32 v24, v12  }
0x1c0: {  	v18 =	vld.idx.msk [tilespmem:v31+s19+$0x0], $0xffff;
	v24 =	vadd.s32 s23, v2;
	v10 =	vadd.f32 v21, v10;
	v13 =	vadd.f32 v26, v13  }
0x1c1: {  	v21 =	vld.idx.msk [tilespmem:v32+s19+$0x0], $0xffff;
	v12 =	vadd.f32 v25, v12;
	v26 =	vadd.s32 s23, v3;
	v15 =	vadd.f32 v27, v15  }
0x1c2: {  	v25 =	vld.idx.msk [tilespmem:v62+s19+$0x0], $0xffff;
	v10 =	vadd.f32 v16, v10;
	v27 =	vadd.s32 s22, v2;
	v13 =	vadd.f32 v17, v13  }
0x1c3: {  	v16 =	vld.idx.msk [tilespmem:v63+s19+$0x0], $0xffff;
	v12 =	vadd.f32 v22, v12;
	v17 =	vadd.s32 s22, v3;
	v15 =	vadd.f32 v20, v15  }
0x1c4: {  	v10 =	vadd.f32 v11, v10;
	v20 =	vld.idx.msk [tilespmem:v23+s19+$0x0], $0xffff;
	v13 =	vadd.f32 v19, v13  }
0x1c5: {  	v11 =	vld.idx.msk [tilespmem:v24+s19+$0x0], $0xffff;
	v12 =	vadd.f32 v14, v12;
	v15 =	vadd.f32 v18, v15  }
0x1c6: {  	v8 =	vadd.f32 v8, v10;
	v14 =	vld.idx.msk [tilespmem:v26+s19+$0x0], $0xffff;
	v13 =	vadd.f32 v21, v13  }
0x1c7: {  	v9 =	vadd.f32 v9, v12;
	v10 =	vld.idx.msk [tilespmem:v27+s19+$0x0], $0xffff;
	v15 =	vadd.f32 v25, v15  }
0x1c8: {  	v6 =	vadd.f32 v6, v8;
	v12 =	vld.idx.msk [tilespmem:v17+s19+$0x0], $0xffff;
	v13 =	vadd.f32 v16, v13  }
0x1c9: {  	v7 =	vadd.f32 v7, v9;
	v8 =	vadd.f32 v20, v15  }
0x1ca: {  	v4 =	vadd.f32 v4, v6;
	v9 =	vadd.f32 v11, v13  }
0x1cb: {  	v5 =	vadd.f32 v5, v7;
	v6 =	vadd.f32 v14, v8  }
0x1cc: {  	[tilespmem:$0x100C0] =	vst v4;
	v7 =	vadd.f32 v10, v9  }
0x1cd: {  	[tilespmem:$0x100D0] =	vst v5;
	v4 =	vadd.f32 v12, v6  }
0x1ce: {  	[tilespmem:$0x100E0] =	vst v7  }
0x1cf: {  	[tilespmem:$0x100F0] =	vst v4  }
0x1d0: {  	_ =	swait.ge [sflag:s17], $0x3200  }
0x1d1: {  	[sflag:s17] =	ssyncset.done $0x0  }
0x1d2: {  	[sflag:s17] =	ssyncadd.s32 $0xFFFFCE00  }
0x1d3: {  	s26 =	simm.s32 $0x0;
	_ =	swait.ge [sflag:s18], $0x3200  }
0x1d4: {  	v4 =	vadd.s32 s26, v0;
	[sflag:s18] =	ssyncset.done $0x0  }
0x1d5: {  	v5 =	vadd.s32 s26, v1;
	[sflag:s18] =	ssyncadd.s32 $0xFFFFCE00  }
0x1d6: {  	v6 =	vadd.s32 s26, v2;
	[tilespmem:s19], [sflag:$0x4] =	stream.indirect.gather [spmem:s15], $0x1, s5, s5, $0xb8;
	[tilespmem:$0x1F628] =	vst v63  }
0x1d7: {  	s22 =	simm.s32 $0x7;
	v7 =	vadd.s32 s26, v3  }
0x1d8: {  	v8 =	vadd.s32 s22, v0;
	[tilespmem:s26], [sflag:$0x1] =	stream.linear.gather [hbm4b:s1+s26], $0x3200, $0x38;
	[tilespmem:$0x1F628] =	vst v63  }
0x1d9: {  	s23 =	simm.s32 $0x6;
	v9 =	vadd.s32 s22, v1;
	v10 =	vld.idx.msk [tilespmem:v4+s16+$0x0], $0xffff  }
0x1da: {  	v11 =	vadd.s32 s23, v0;
	v12 =	vld.idx.msk [tilespmem:v5+s16+$0x0], $0xffff  }
0x1db: {  	s25 =	simm.s32 $0x5;
	v14 =	vadd.s32 s23, v1;
	v13 =	vld.idx.msk [tilespmem:v6+s16+$0x0], $0xffff  }
0x1dc: {  	v16 =	vadd.s32 s25, v0;
	v15 =	vld.idx.msk [tilespmem:v7+s16+$0x0], $0xffff  }
0x1dd: {  	s28 =	simm.s32 $0x3;
	v17 =	vadd.s32 s25, v1;
	v4 =	vld.idx.msk [tilespmem:v8+s16+$0x0], $0xffff  }
0x1de: {  	v20 =	vadd.s32 s28, v0;
	s26 =	simm.s32 $0x4;
	v5 =	vld.idx.msk [tilespmem:v9+s16+$0x0], $0xffff  }
0x1df: {  	v18 =	vadd.s32 s26, v0;
	v6 =	vld.idx.msk [tilespmem:v11+s16+$0x0], $0xffff  }
0x1e0: {  	v19 =	vadd.s32 s26, v1;
	v7 =	vld.idx.msk [tilespmem:v14+s16+$0x0], $0xffff  }
0x1e1: {  	s29 =	simm.s32 $0x2;
	v22 =	vadd.s32 s28, v1;
	v8 =	vld.idx.msk [tilespmem:v16+s16+$0x0], $0xffff  }
0x1e2: {  	v21 =	vadd.s32 s29, v0;
	v9 =	vld.idx.msk [tilespmem:v17+s16+$0x0], $0xffff  }
0x1e3: {  	s30 =	simm.s32 $0x1;
	v25 =	vadd.s32 s29, v1;
	v16 =	vld.idx.msk [tilespmem:v20+s16+$0x0], $0xffff  }
0x1e4: {  	v24 =	vadd.s32 s30, v1;
	v23 =	vadd.s32 s30, v0;
	v17 =	vimm.f32 $0.0e+00;
	v11 =	vld.idx.msk [tilespmem:v18+s16+$0x0], $0xffff  }
0x1e5: {  	s24 =	simm.s32 $0x8;
	v20 =	vimm.f32 $0.0e+00;
	v14 =	vld.idx.msk [tilespmem:v19+s16+$0x0], $0xffff;
	v19 =	vimm.f32 $0.0e+00;
	v18 =	vimm.f32 $0.0e+00  }
.LBB2_10:
0x1e6: {  	p0 =	slt.u32 s24, $0xC0;
	v26 =	vadd.s32 s30, v2;
	v22 =	vld.idx.msk [tilespmem:v22+s16+$0x0], $0xffff  }
0x1e7: {  	v27 =	vadd.s32 s30, v3;
	v21 =	vld.idx.msk [tilespmem:v21+s16+$0x0], $0xffff  }
0x1e8: {  	v28 =	vadd.s32 s29, v2;
	v25 =	vld.idx.msk [tilespmem:v25+s16+$0x0], $0xffff  }
0x1e9: {  	v29 =	vadd.s32 s29, v3;
	v23 =	vld.idx.msk [tilespmem:v23+s16+$0x0], $0xffff  }
0x1ea: {  	v30 =	vadd.s32 s28, v2;
	v24 =	vld.idx.msk [tilespmem:v24+s16+$0x0], $0xffff  }
0x1eb: {  	v31 =	vadd.s32 s28, v3;
	v26 =	vld.idx.msk [tilespmem:v26+s16+$0x0], $0xffff  }
0x1ec: {  	v32 =	vadd.s32 s26, v2;
	v27 =	vld.idx.msk [tilespmem:v27+s16+$0x0], $0xffff  }
0x1ed: {  	v33 =	vadd.s32 s26, v3;
	v28 =	vld.idx.msk [tilespmem:v28+s16+$0x0], $0xffff  }
0x1ee: {  	v34 =	vadd.s32 s25, v2;
	v29 =	vld.idx.msk [tilespmem:v29+s16+$0x0], $0xffff  }
0x1ef: {  	v10 =	vadd.f32 v10, v17;
	v12 =	vadd.f32 v12, v20;
	v20 =	vadd.s32 s25, v3;
	v17 =	vld.idx.msk [tilespmem:v30+s16+$0x0], $0xffff  }
0x1f0: {  	v13 =	vadd.f32 v13, v19;
	v15 =	vadd.f32 v15, v18;
	v19 =	vadd.s32 s23, v2;
	v18 =	vld.idx.msk [tilespmem:v31+s16+$0x0], $0xffff  }
0x1f1: {  	v10 =	vadd.f32 v23, v10;
	v12 =	vadd.f32 v24, v12;
	v24 =	vadd.s32 s23, v3;
	v23 =	vld.idx.msk [tilespmem:v32+s16+$0x0], $0xffff  }
0x1f2: {  	v13 =	vadd.f32 v26, v13;
	v15 =	vadd.f32 v27, v15;
	v27 =	vadd.s32 s22, v2;
	v26 =	vld.idx.msk [tilespmem:v33+s16+$0x0], $0xffff  }
0x1f3: {  	v10 =	vadd.f32 v21, v10;
	v12 =	vadd.f32 v25, v12;
	v25 =	vadd.s32 s22, v3;
	v21 =	vld.idx.msk [tilespmem:v34+s16+$0x0], $0xffff  }
0x1f4: {  	v30 =	vadd.s32 s24, v0;
	v13 =	vadd.f32 v28, v13;
	v15 =	vadd.f32 v29, v15;
	v20 =	vld.idx.msk [tilespmem:v20+s16+$0x0], $0xffff  }
0x1f5: {  	v28 =	vadd.s32 s24, v1;
	v10 =	vadd.f32 v16, v10;
	v12 =	vadd.f32 v22, v12;
	v16 =	vld.idx.msk [tilespmem:v19+s16+$0x0], $0xffff  }
0x1f6: {  	v13 =	vadd.f32 v17, v13;
	v19 =	vadd.s32 s24, v2;
	v15 =	vadd.f32 v18, v15;
	v17 =	vld.idx.msk [tilespmem:v24+s16+$0x0], $0xffff  }
0x1f7: {  	s22 =	sadd.s32 $0x7, s24;
	v11 =	vadd.f32 v11, v10;
	v18 =	vadd.s32 s24, v3;
	v12 =	vadd.f32 v14, v12;
	v14 =	vld.idx.msk [tilespmem:v27+s16+$0x0], $0xffff  }
0x1f8: {  	v22 =	vadd.s32 s22, v0;
	v13 =	vadd.f32 v23, v13;
	v15 =	vadd.f32 v26, v15;
	v23 =	vld.idx.msk [tilespmem:v25+s16+$0x0], $0xffff  }
0x1f9: {  	s23 =	sadd.s32 $0x6, s24;
	v24 =	vadd.s32 s22, v1;
	v8 =	vadd.f32 v8, v11;
	v9 =	vadd.f32 v9, v12;
	v10 =	vld.idx.msk [tilespmem:v30+s16+$0x0], $0xffff  }
0x1fa: {  	v11 =	vadd.s32 s23, v0;
	v21 =	vadd.f32 v21, v13;
	v20 =	vadd.f32 v20, v15;
	v12 =	vld.idx.msk [tilespmem:v28+s16+$0x0], $0xffff  }
0x1fb: {  	s25 =	sadd.s32 $0x5, s24;
	v25 =	vadd.s32 s23, v1;
	v6 =	vadd.f32 v6, v8;
	v7 =	vadd.f32 v7, v9;
	v13 =	vld.idx.msk [tilespmem:v19+s16+$0x0], $0xffff  }
0x1fc: {  	v8 =	vadd.s32 s25, v0;
	v9 =	vadd.f32 v16, v21;
	v16 =	vadd.f32 v17, v20;
	v15 =	vld.idx.msk [tilespmem:v18+s16+$0x0], $0xffff  }
0x1fd: {  	s26 =	sadd.s32 $0x4, s24;
	v26 =	vadd.s32 s25, v1;
	v17 =	vadd.f32 v4, v6;
	v20 =	vadd.f32 v5, v7;
	v4 =	vld.idx.msk [tilespmem:v22+s16+$0x0], $0xffff  }
0x1fe: {  	v27 =	vadd.s32 s26, v0;
	v19 =	vadd.f32 v14, v9;
	v18 =	vadd.f32 v23, v16;
	v5 =	vld.idx.msk [tilespmem:v24+s16+$0x0], $0xffff  }
0x1ff: {  	s28 =	sadd.s32 $0x3, s24;
	v14 =	vadd.s32 s26, v1;
	v6 =	vld.idx.msk [tilespmem:v11+s16+$0x0], $0xffff  }
0x200: {  	v16 =	vadd.s32 s28, v0;
	v7 =	vld.idx.msk [tilespmem:v25+s16+$0x0], $0xffff  }
.Ltmp4:
0x201: {  	s29 =	sadd.s32 $0x2, s24;
	v22 =	vadd.s32 s28, v1;
	v8 =	vld.idx.msk [tilespmem:v8+s16+$0x0], $0xffff;
	(pc) =	sbr.rel @p0 .LBB2_10-.Ltmp4, $4  }
0x202: {  	v21 =	vadd.s32 s29, v0;
	v9 =	vld.idx.msk [tilespmem:v26+s16+$0x0], $0xffff  }
0x203: {  	s30 =	sadd.s32 $0x1, s24;
	v25 =	vadd.s32 s29, v1;
	v11 =	vld.idx.msk [tilespmem:v27+s16+$0x0], $0xffff  }
0x204: {  	v23 =	vadd.s32 s30, v0;
	v14 =	vld.idx.msk [tilespmem:v14+s16+$0x0], $0xffff  }
0x205: {  	s24 =	sadd.s32 $0x8, s24;
	v24 =	vadd.s32 s30, v1;
	v16 =	vld.idx.msk [tilespmem:v16+s16+$0x0], $0xffff  }
0x206: {  	_ =	sdelay $0x3  }
0x207: {  	v26 =	vadd.s32 s30, v2;
	v22 =	vld.idx.msk [tilespmem:v22+s16+$0x0], $0xffff  }
0x208: {  	v27 =	vadd.s32 s30, v3;
	v21 =	vld.idx.msk [tilespmem:v21+s16+$0x0], $0xffff  }
0x209: {  	v25 =	vld.idx.msk [tilespmem:v25+s16+$0x0], $0xffff;
	v28 =	vadd.s32 s29, v2  }
0x20a: {  	v23 =	vld.idx.msk [tilespmem:v23+s16+$0x0], $0xffff;
	v29 =	vadd.s32 s29, v3  }
0x20b: {  	v24 =	vld.idx.msk [tilespmem:v24+s16+$0x0], $0xffff;
	v30 =	vadd.s32 s28, v2  }
0x20c: {  	v31 =	vadd.s32 s28, v3;
	v26 =	vld.idx.msk [tilespmem:v26+s16+$0x0], $0xffff  }
0x20d: {  	v32 =	vadd.s32 s26, v2;
	v10 =	vadd.f32 v10, v17;
	v27 =	vld.idx.msk [tilespmem:v27+s16+$0x0], $0xffff  }
0x20e: {  	v62 =	vadd.s32 s26, v3;
	v12 =	vadd.f32 v12, v20;
	v17 =	vld.idx.msk [tilespmem:v28+s16+$0x0], $0xffff  }
0x20f: {  	v63 =	vadd.s32 s25, v2;
	v13 =	vadd.f32 v13, v19;
	v20 =	vld.idx.msk [tilespmem:v29+s16+$0x0], $0xffff;
	v10 =	vadd.f32 v23, v10  }
0x210: {  	v15 =	vadd.f32 v15, v18;
	v19 =	vld.idx.msk [tilespmem:v30+s16+$0x0], $0xffff;
	v23 =	vadd.s32 s25, v3;
	v12 =	vadd.f32 v24, v12  }
0x211: {  	v18 =	vld.idx.msk [tilespmem:v31+s16+$0x0], $0xffff;
	v24 =	vadd.s32 s23, v2;
	v10 =	vadd.f32 v21, v10;
	v13 =	vadd.f32 v26, v13  }
0x212: {  	v21 =	vld.idx.msk [tilespmem:v32+s16+$0x0], $0xffff;
	v12 =	vadd.f32 v25, v12;
	v26 =	vadd.s32 s23, v3;
	v15 =	vadd.f32 v27, v15  }
0x213: {  	v25 =	vld.idx.msk [tilespmem:v62+s16+$0x0], $0xffff;
	v10 =	vadd.f32 v16, v10;
	v27 =	vadd.s32 s22, v2;
	v13 =	vadd.f32 v17, v13  }
0x214: {  	v16 =	vld.idx.msk [tilespmem:v63+s16+$0x0], $0xffff;
	v12 =	vadd.f32 v22, v12;
	v17 =	vadd.s32 s22, v3;
	v15 =	vadd.f32 v20, v15  }
0x215: {  	v10 =	vadd.f32 v11, v10;
	v20 =	vld.idx.msk [tilespmem:v23+s16+$0x0], $0xffff;
	v13 =	vadd.f32 v19, v13  }
0x216: {  	v11 =	vld.idx.msk [tilespmem:v24+s16+$0x0], $0xffff;
	v12 =	vadd.f32 v14, v12;
	v15 =	vadd.f32 v18, v15  }
0x217: {  	v8 =	vadd.f32 v8, v10;
	v14 =	vld.idx.msk [tilespmem:v26+s16+$0x0], $0xffff;
	v13 =	vadd.f32 v21, v13  }
0x218: {  	v9 =	vadd.f32 v9, v12;
	v10 =	vld.idx.msk [tilespmem:v27+s16+$0x0], $0xffff;
	v15 =	vadd.f32 v25, v15  }
0x219: {  	v6 =	vadd.f32 v6, v8;
	v12 =	vld.idx.msk [tilespmem:v17+s16+$0x0], $0xffff;
	v13 =	vadd.f32 v16, v13  }
0x21a: {  	v7 =	vadd.f32 v7, v9;
	v8 =	vadd.f32 v20, v15  }
0x21b: {  	v4 =	vadd.f32 v4, v6;
	v9 =	vadd.f32 v11, v13  }
0x21c: {  	v5 =	vadd.f32 v5, v7;
	v6 =	vadd.f32 v14, v8  }
0x21d: {  	[tilespmem:$0x10100] =	vst v4;
	v7 =	vadd.f32 v10, v9  }
0x21e: {  	[tilespmem:$0x10110] =	vst v5;
	v4 =	vadd.f32 v12, v6  }
0x21f: {  	[tilespmem:$0x10120] =	vst v7  }
0x220: {  	[tilespmem:$0x10130] =	vst v4  }
0x221: {  	_ =	swait.ge [sflag:s20], $0x3200  }
0x222: {  	[sflag:s20] =	ssyncset.done $0x0  }
0x223: {  	[sflag:s20] =	ssyncadd.s32 $0xFFFFCE00  }
0x224: {  	s26 =	simm.s32 $0x0;
	_ =	swait.ge [sflag:s14], $0x3200  }
0x225: {  	v4 =	vadd.s32 s26, v0;
	[sflag:s14] =	ssyncset.done $0x0  }
0x226: {  	v5 =	vadd.s32 s26, v1;
	[sflag:s14] =	ssyncadd.s32 $0xFFFFCE00  }
0x227: {  	v6 =	vadd.s32 s26, v2;
	[tilespmem:s16], [sflag:$0x3] =	stream.indirect.gather [spmem:s15], $0x1, s26, s5, $0xb8;
	[tilespmem:$0x1F628] =	vst v63  }
0x228: {  	s22 =	simm.s32 $0x7;
	v7 =	vadd.s32 s26, v3  }
0x229: {  	v8 =	vadd.s32 s22, v0;
	[tilespmem:s5], [sflag:$0x2] =	stream.linear.gather [hbm4b:s3+s26], $0x3200, $0x38;
	[tilespmem:$0x1F628] =	vst v63  }
0x22a: {  	s23 =	simm.s32 $0x6;
	v9 =	vadd.s32 s22, v1;
	v10 =	vld.idx.msk [tilespmem:v4+s19+$0x0], $0xffff  }
0x22b: {  	v11 =	vadd.s32 s23, v0;
	v12 =	vld.idx.msk [tilespmem:v5+s19+$0x0], $0xffff  }
0x22c: {  	s25 =	simm.s32 $0x5;
	v14 =	vadd.s32 s23, v1;
	v13 =	vld.idx.msk [tilespmem:v6+s19+$0x0], $0xffff  }
0x22d: {  	v16 =	vadd.s32 s25, v0;
	v15 =	vld.idx.msk [tilespmem:v7+s19+$0x0], $0xffff  }
0x22e: {  	s28 =	simm.s32 $0x3;
	v17 =	vadd.s32 s25, v1;
	v4 =	vld.idx.msk [tilespmem:v8+s19+$0x0], $0xffff  }
0x22f: {  	v20 =	vadd.s32 s28, v0;
	s26 =	simm.s32 $0x4;
	v5 =	vld.idx.msk [tilespmem:v9+s19+$0x0], $0xffff  }
0x230: {  	v18 =	vadd.s32 s26, v0;
	v6 =	vld.idx.msk [tilespmem:v11+s19+$0x0], $0xffff  }
0x231: {  	v19 =	vadd.s32 s26, v1;
	v7 =	vld.idx.msk [tilespmem:v14+s19+$0x0], $0xffff  }
0x232: {  	s29 =	simm.s32 $0x2;
	v22 =	vadd.s32 s28, v1;
	v8 =	vld.idx.msk [tilespmem:v16+s19+$0x0], $0xffff  }
0x233: {  	v21 =	vadd.s32 s29, v0;
	v9 =	vld.idx.msk [tilespmem:v17+s19+$0x0], $0xffff  }
0x234: {  	s30 =	simm.s32 $0x1;
	v25 =	vadd.s32 s29, v1;
	v16 =	vld.idx.msk [tilespmem:v20+s19+$0x0], $0xffff  }
0x235: {  	v24 =	vadd.s32 s30, v1;
	v23 =	vadd.s32 s30, v0;
	v17 =	vimm.f32 $0.0e+00;
	v11 =	vld.idx.msk [tilespmem:v18+s19+$0x0], $0xffff  }
0x236: {  	s24 =	simm.s32 $0x8;
	v20 =	vimm.f32 $0.0e+00;
	v14 =	vld.idx.msk [tilespmem:v19+s19+$0x0], $0xffff;
	v19 =	vimm.f32 $0.0e+00;
	v18 =	vimm.f32 $0.0e+00  }
.LBB2_12:
0x237: {  	p0 =	slt.u32 s24, $0xC0;
	v26 =	vadd.s32 s30, v2;
	v22 =	vld.idx.msk [tilespmem:v22+s19+$0x0], $0xffff  }
0x238: {  	v27 =	vadd.s32 s30, v3;
	v21 =	vld.idx.msk [tilespmem:v21+s19+$0x0], $0xffff  }
0x239: {  	v28 =	vadd.s32 s29, v2;
	v25 =	vld.idx.msk [tilespmem:v25+s19+$0x0], $0xffff  }
0x23a: {  	v29 =	vadd.s32 s29, v3;
	v23 =	vld.idx.msk [tilespmem:v23+s19+$0x0], $0xffff  }
0x23b: {  	v30 =	vadd.s32 s28, v2;
	v24 =	vld.idx.msk [tilespmem:v24+s19+$0x0], $0xffff  }
0x23c: {  	v31 =	vadd.s32 s28, v3;
	v26 =	vld.idx.msk [tilespmem:v26+s19+$0x0], $0xffff  }
0x23d: {  	v32 =	vadd.s32 s26, v2;
	v27 =	vld.idx.msk [tilespmem:v27+s19+$0x0], $0xffff  }
0x23e: {  	v33 =	vadd.s32 s26, v3;
	v28 =	vld.idx.msk [tilespmem:v28+s19+$0x0], $0xffff  }
0x23f: {  	v34 =	vadd.s32 s25, v2;
	v29 =	vld.idx.msk [tilespmem:v29+s19+$0x0], $0xffff  }
0x240: {  	v10 =	vadd.f32 v10, v17;
	v12 =	vadd.f32 v12, v20;
	v20 =	vadd.s32 s25, v3;
	v17 =	vld.idx.msk [tilespmem:v30+s19+$0x0], $0xffff  }
0x241: {  	v13 =	vadd.f32 v13, v19;
	v15 =	vadd.f32 v15, v18;
	v19 =	vadd.s32 s23, v2;
	v18 =	vld.idx.msk [tilespmem:v31+s19+$0x0], $0xffff  }
0x242: {  	v10 =	vadd.f32 v23, v10;
	v12 =	vadd.f32 v24, v12;
	v24 =	vadd.s32 s23, v3;
	v23 =	vld.idx.msk [tilespmem:v32+s19+$0x0], $0xffff  }
0x243: {  	v13 =	vadd.f32 v26, v13;
	v15 =	vadd.f32 v27, v15;
	v27 =	vadd.s32 s22, v2;
	v26 =	vld.idx.msk [tilespmem:v33+s19+$0x0], $0xffff  }
0x244: {  	v10 =	vadd.f32 v21, v10;
	v12 =	vadd.f32 v25, v12;
	v25 =	vadd.s32 s22, v3;
	v21 =	vld.idx.msk [tilespmem:v34+s19+$0x0], $0xffff  }
0x245: {  	v30 =	vadd.s32 s24, v0;
	v13 =	vadd.f32 v28, v13;
	v15 =	vadd.f32 v29, v15;
	v20 =	vld.idx.msk [tilespmem:v20+s19+$0x0], $0xffff  }
0x246: {  	v28 =	vadd.s32 s24, v1;
	v10 =	vadd.f32 v16, v10;
	v12 =	vadd.f32 v22, v12;
	v16 =	vld.idx.msk [tilespmem:v19+s19+$0x0], $0xffff  }
0x247: {  	v13 =	vadd.f32 v17, v13;
	v19 =	vadd.s32 s24, v2;
	v15 =	vadd.f32 v18, v15;
	v17 =	vld.idx.msk [tilespmem:v24+s19+$0x0], $0xffff  }
0x248: {  	s22 =	sadd.s32 $0x7, s24;
	v11 =	vadd.f32 v11, v10;
	v18 =	vadd.s32 s24, v3;
	v12 =	vadd.f32 v14, v12;
	v14 =	vld.idx.msk [tilespmem:v27+s19+$0x0], $0xffff  }
0x249: {  	v22 =	vadd.s32 s22, v0;
	v13 =	vadd.f32 v23, v13;
	v15 =	vadd.f32 v26, v15;
	v23 =	vld.idx.msk [tilespmem:v25+s19+$0x0], $0xffff  }
0x24a: {  	s23 =	sadd.s32 $0x6, s24;
	v24 =	vadd.s32 s22, v1;
	v8 =	vadd.f32 v8, v11;
	v9 =	vadd.f32 v9, v12;
	v10 =	vld.idx.msk [tilespmem:v30+s19+$0x0], $0xffff  }
0x24b: {  	v11 =	vadd.s32 s23, v0;
	v21 =	vadd.f32 v21, v13;
	v20 =	vadd.f32 v20, v15;
	v12 =	vld.idx.msk [tilespmem:v28+s19+$0x0], $0xffff  }
0x24c: {  	s25 =	sadd.s32 $0x5, s24;
	v25 =	vadd.s32 s23, v1;
	v6 =	vadd.f32 v6, v8;
	v7 =	vadd.f32 v7, v9;
	v13 =	vld.idx.msk [tilespmem:v19+s19+$0x0], $0xffff  }
0x24d: {  	v8 =	vadd.s32 s25, v0;
	v9 =	vadd.f32 v16, v21;
	v16 =	vadd.f32 v17, v20;
	v15 =	vld.idx.msk [tilespmem:v18+s19+$0x0], $0xffff  }
0x24e: {  	s26 =	sadd.s32 $0x4, s24;
	v26 =	vadd.s32 s25, v1;
	v17 =	vadd.f32 v4, v6;
	v20 =	vadd.f32 v5, v7;
	v4 =	vld.idx.msk [tilespmem:v22+s19+$0x0], $0xffff  }
0x24f: {  	v27 =	vadd.s32 s26, v0;
	v19 =	vadd.f32 v14, v9;
	v18 =	vadd.f32 v23, v16;
	v5 =	vld.idx.msk [tilespmem:v24+s19+$0x0], $0xffff  }
0x250: {  	s28 =	sadd.s32 $0x3, s24;
	v14 =	vadd.s32 s26, v1;
	v6 =	vld.idx.msk [tilespmem:v11+s19+$0x0], $0xffff  }
0x251: {  	v16 =	vadd.s32 s28, v0;
	v7 =	vld.idx.msk [tilespmem:v25+s19+$0x0], $0xffff  }
.Ltmp5:
0x252: {  	s29 =	sadd.s32 $0x2, s24;
	v22 =	vadd.s32 s28, v1;
	v8 =	vld.idx.msk [tilespmem:v8+s19+$0x0], $0xffff;
	(pc) =	sbr.rel @p0 .LBB2_12-.Ltmp5, $4  }
0x253: {  	v21 =	vadd.s32 s29, v0;
	v9 =	vld.idx.msk [tilespmem:v26+s19+$0x0], $0xffff  }
0x254: {  	s30 =	sadd.s32 $0x1, s24;
	v25 =	vadd.s32 s29, v1;
	v11 =	vld.idx.msk [tilespmem:v27+s19+$0x0], $0xffff  }
0x255: {  	v23 =	vadd.s32 s30, v0;
	v14 =	vld.idx.msk [tilespmem:v14+s19+$0x0], $0xffff  }
0x256: {  	s24 =	sadd.s32 $0x8, s24;
	v24 =	vadd.s32 s30, v1;
	v16 =	vld.idx.msk [tilespmem:v16+s19+$0x0], $0xffff  }
0x257: {  	_ =	sdelay $0x3  }
0x258: {  	v26 =	vadd.s32 s30, v2;
	v22 =	vld.idx.msk [tilespmem:v22+s19+$0x0], $0xffff  }
0x259: {  	v27 =	vadd.s32 s30, v3;
	v21 =	vld.idx.msk [tilespmem:v21+s19+$0x0], $0xffff  }
0x25a: {  	v25 =	vld.idx.msk [tilespmem:v25+s19+$0x0], $0xffff;
	v28 =	vadd.s32 s29, v2  }
0x25b: {  	v23 =	vld.idx.msk [tilespmem:v23+s19+$0x0], $0xffff;
	v29 =	vadd.s32 s29, v3  }
0x25c: {  	v24 =	vld.idx.msk [tilespmem:v24+s19+$0x0], $0xffff;
	v30 =	vadd.s32 s28, v2  }
0x25d: {  	v31 =	vadd.s32 s28, v3;
	v26 =	vld.idx.msk [tilespmem:v26+s19+$0x0], $0xffff  }
0x25e: {  	v32 =	vadd.s32 s26, v2;
	v10 =	vadd.f32 v10, v17;
	v27 =	vld.idx.msk [tilespmem:v27+s19+$0x0], $0xffff  }
0x25f: {  	v62 =	vadd.s32 s26, v3;
	v12 =	vadd.f32 v12, v20;
	v17 =	vld.idx.msk [tilespmem:v28+s19+$0x0], $0xffff  }
0x260: {  	v63 =	vadd.s32 s25, v2;
	v13 =	vadd.f32 v13, v19;
	v20 =	vld.idx.msk [tilespmem:v29+s19+$0x0], $0xffff;
	v10 =	vadd.f32 v23, v10  }
0x261: {  	v15 =	vadd.f32 v15, v18;
	v19 =	vld.idx.msk [tilespmem:v30+s19+$0x0], $0xffff;
	v23 =	vadd.s32 s25, v3;
	v12 =	vadd.f32 v24, v12  }
0x262: {  	v18 =	vld.idx.msk [tilespmem:v31+s19+$0x0], $0xffff;
	v24 =	vadd.s32 s23, v2;
	v10 =	vadd.f32 v21, v10;
	v13 =	vadd.f32 v26, v13  }
0x263: {  	v21 =	vld.idx.msk [tilespmem:v32+s19+$0x0], $0xffff;
	v12 =	vadd.f32 v25, v12;
	v26 =	vadd.s32 s23, v3;
	v15 =	vadd.f32 v27, v15  }
0x264: {  	v25 =	vld.idx.msk [tilespmem:v62+s19+$0x0], $0xffff;
	v10 =	vadd.f32 v16, v10;
	v27 =	vadd.s32 s22, v2;
	v13 =	vadd.f32 v17, v13  }
0x265: {  	v16 =	vld.idx.msk [tilespmem:v63+s19+$0x0], $0xffff;
	v12 =	vadd.f32 v22, v12;
	v17 =	vadd.s32 s22, v3;
	v15 =	vadd.f32 v20, v15  }
0x266: {  	v10 =	vadd.f32 v11, v10;
	v20 =	vld.idx.msk [tilespmem:v23+s19+$0x0], $0xffff;
	v13 =	vadd.f32 v19, v13  }
0x267: {  	v11 =	vld.idx.msk [tilespmem:v24+s19+$0x0], $0xffff;
	v12 =	vadd.f32 v14, v12;
	v15 =	vadd.f32 v18, v15  }
0x268: {  	v8 =	vadd.f32 v8, v10;
	v14 =	vld.idx.msk [tilespmem:v26+s19+$0x0], $0xffff;
	v13 =	vadd.f32 v21, v13  }
0x269: {  	v9 =	vadd.f32 v9, v12;
	v10 =	vld.idx.msk [tilespmem:v27+s19+$0x0], $0xffff;
	v15 =	vadd.f32 v25, v15  }
0x26a: {  	v6 =	vadd.f32 v6, v8;
	v12 =	vld.idx.msk [tilespmem:v17+s19+$0x0], $0xffff;
	v13 =	vadd.f32 v16, v13  }
0x26b: {  	v7 =	vadd.f32 v7, v9;
	v8 =	vadd.f32 v20, v15  }
0x26c: {  	v4 =	vadd.f32 v4, v6;
	v9 =	vadd.f32 v11, v13  }
0x26d: {  	v5 =	vadd.f32 v5, v7;
	v6 =	vadd.f32 v14, v8  }
0x26e: {  	[tilespmem:$0x10140] =	vst v4;
	v7 =	vadd.f32 v10, v9  }
0x26f: {  	[tilespmem:$0x10150] =	vst v5;
	v4 =	vadd.f32 v12, v6  }
0x270: {  	[tilespmem:$0x10160] =	vst v7  }
0x271: {  	[tilespmem:$0x10170] =	vst v4  }
0x272: {  	_ =	swait.ge [sflag:s17], $0x3200  }
0x273: {  	s26 =	simm.s32 $0x0;
	[sflag:s17] =	ssyncset.done $0x0  }
0x274: {  	v4 =	vadd.s32 s26, v0;
	[sflag:s17] =	ssyncadd.s32 $0xFFFFCE00  }
0x275: {  	v5 =	vadd.s32 s26, v1;
	_ =	swait.ge [sflag:s18], $0x3200  }
0x276: {  	v6 =	vadd.s32 s26, v2;
	[sflag:s18] =	ssyncset.done $0x0  }
0x277: {  	s22 =	simm.s32 $0x7;
	v7 =	vadd.s32 s26, v3;
	[sflag:s18] =	ssyncadd.s32 $0xFFFFCE00  }
0x278: {  	v8 =	vadd.s32 s22, v0;
	[tilespmem:s19], [sflag:$0x4] =	stream.indirect.gather [spmem:s15], $0x1, s5, s5, $0xb8;
	[tilespmem:$0x1F628] =	vst v63  }
0x279: {  	s23 =	simm.s32 $0x6;
	v9 =	vadd.s32 s22, v1;
	v10 =	vld.idx.msk [tilespmem:v4+s16+$0x0], $0xffff  }
0x27a: {  	v11 =	vadd.s32 s23, v0;
	v12 =	vld.idx.msk [tilespmem:v5+s16+$0x0], $0xffff  }
0x27b: {  	s25 =	simm.s32 $0x5;
	v14 =	vadd.s32 s23, v1;
	v13 =	vld.idx.msk [tilespmem:v6+s16+$0x0], $0xffff  }
0x27c: {  	v16 =	vadd.s32 s25, v0;
	v15 =	vld.idx.msk [tilespmem:v7+s16+$0x0], $0xffff  }
0x27d: {  	v17 =	vadd.s32 s25, v1;
	s26 =	simm.s32 $0x4;
	v4 =	vld.idx.msk [tilespmem:v8+s16+$0x0], $0xffff  }
0x27e: {  	v18 =	vadd.s32 s26, v0;
	v5 =	vld.idx.msk [tilespmem:v9+s16+$0x0], $0xffff  }
0x27f: {  	s28 =	simm.s32 $0x3;
	v19 =	vadd.s32 s26, v1;
	v6 =	vld.idx.msk [tilespmem:v11+s16+$0x0], $0xffff  }
0x280: {  	v20 =	vadd.s32 s28, v0;
	v7 =	vld.idx.msk [tilespmem:v14+s16+$0x0], $0xffff  }
0x281: {  	s29 =	simm.s32 $0x2;
	v22 =	vadd.s32 s28, v1;
	v8 =	vld.idx.msk [tilespmem:v16+s16+$0x0], $0xffff  }
0x282: {  	v21 =	vadd.s32 s29, v0;
	v9 =	vld.idx.msk [tilespmem:v17+s16+$0x0], $0xffff  }
0x283: {  	s30 =	simm.s32 $0x1;
	v25 =	vadd.s32 s29, v1;
	v11 =	vld.idx.msk [tilespmem:v18+s16+$0x0], $0xffff  }
0x284: {  	v24 =	vadd.s32 s30, v1;
	v23 =	vadd.s32 s30, v0;
	v17 =	vimm.f32 $0.0e+00;
	v14 =	vld.idx.msk [tilespmem:v19+s16+$0x0], $0xffff  }
0x285: {  	s24 =	simm.s32 $0x8;
	v16 =	vld.idx.msk [tilespmem:v20+s16+$0x0], $0xffff;
	v20 =	vimm.f32 $0.0e+00;
	v19 =	vimm.f32 $0.0e+00;
	v18 =	vimm.f32 $0.0e+00  }
.LBB2_14:
0x286: {  	p0 =	slt.u32 s24, $0xC0;
	v26 =	vadd.s32 s30, v2;
	v22 =	vld.idx.msk [tilespmem:v22+s16+$0x0], $0xffff  }
0x287: {  	v27 =	vadd.s32 s30, v3;
	v21 =	vld.idx.msk [tilespmem:v21+s16+$0x0], $0xffff  }
0x288: {  	v28 =	vadd.s32 s29, v2;
	v25 =	vld.idx.msk [tilespmem:v25+s16+$0x0], $0xffff  }
0x289: {  	v29 =	vadd.s32 s29, v3;
	v23 =	vld.idx.msk [tilespmem:v23+s16+$0x0], $0xffff  }
0x28a: {  	v30 =	vadd.s32 s28, v2;
	v24 =	vld.idx.msk [tilespmem:v24+s16+$0x0], $0xffff  }
0x28b: {  	v31 =	vadd.s32 s28, v3;
	v26 =	vld.idx.msk [tilespmem:v26+s16+$0x0], $0xffff  }
0x28c: {  	v32 =	vadd.s32 s26, v2;
	v27 =	vld.idx.msk [tilespmem:v27+s16+$0x0], $0xffff  }
0x28d: {  	v33 =	vadd.s32 s26, v3;
	v28 =	vld.idx.msk [tilespmem:v28+s16+$0x0], $0xffff  }
0x28e: {  	v34 =	vadd.s32 s25, v2;
	v29 =	vld.idx.msk [tilespmem:v29+s16+$0x0], $0xffff  }
0x28f: {  	v10 =	vadd.f32 v10, v17;
	v12 =	vadd.f32 v12, v20;
	v20 =	vadd.s32 s25, v3;
	v17 =	vld.idx.msk [tilespmem:v30+s16+$0x0], $0xffff  }
0x290: {  	v13 =	vadd.f32 v13, v19;
	v15 =	vadd.f32 v15, v18;
	v19 =	vadd.s32 s23, v2;
	v18 =	vld.idx.msk [tilespmem:v31+s16+$0x0], $0xffff  }
0x291: {  	v10 =	vadd.f32 v23, v10;
	v12 =	vadd.f32 v24, v12;
	v24 =	vadd.s32 s23, v3;
	v23 =	vld.idx.msk [tilespmem:v32+s16+$0x0], $0xffff  }
0x292: {  	v13 =	vadd.f32 v26, v13;
	v15 =	vadd.f32 v27, v15;
	v27 =	vadd.s32 s22, v2;
	v26 =	vld.idx.msk [tilespmem:v33+s16+$0x0], $0xffff  }
0x293: {  	v10 =	vadd.f32 v21, v10;
	v12 =	vadd.f32 v25, v12;
	v25 =	vadd.s32 s22, v3;
	v21 =	vld.idx.msk [tilespmem:v34+s16+$0x0], $0xffff  }
0x294: {  	v30 =	vadd.s32 s24, v0;
	v13 =	vadd.f32 v28, v13;
	v15 =	vadd.f32 v29, v15;
	v20 =	vld.idx.msk [tilespmem:v20+s16+$0x0], $0xffff  }
0x295: {  	v28 =	vadd.s32 s24, v1;
	v10 =	vadd.f32 v16, v10;
	v12 =	vadd.f32 v22, v12;
	v16 =	vld.idx.msk [tilespmem:v19+s16+$0x0], $0xffff  }
0x296: {  	v13 =	vadd.f32 v17, v13;
	v19 =	vadd.s32 s24, v2;
	v15 =	vadd.f32 v18, v15;
	v17 =	vld.idx.msk [tilespmem:v24+s16+$0x0], $0xffff  }
0x297: {  	s22 =	sadd.s32 $0x7, s24;
	v11 =	vadd.f32 v11, v10;
	v18 =	vadd.s32 s24, v3;
	v12 =	vadd.f32 v14, v12;
	v14 =	vld.idx.msk [tilespmem:v27+s16+$0x0], $0xffff  }
0x298: {  	v22 =	vadd.s32 s22, v0;
	v13 =	vadd.f32 v23, v13;
	v15 =	vadd.f32 v26, v15;
	v23 =	vld.idx.msk [tilespmem:v25+s16+$0x0], $0xffff  }
0x299: {  	s23 =	sadd.s32 $0x6, s24;
	v24 =	vadd.s32 s22, v1;
	v8 =	vadd.f32 v8, v11;
	v9 =	vadd.f32 v9, v12;
	v10 =	vld.idx.msk [tilespmem:v30+s16+$0x0], $0xffff  }
0x29a: {  	v11 =	vadd.s32 s23, v0;
	v21 =	vadd.f32 v21, v13;
	v20 =	vadd.f32 v20, v15;
	v12 =	vld.idx.msk [tilespmem:v28+s16+$0x0], $0xffff  }
0x29b: {  	s25 =	sadd.s32 $0x5, s24;
	v25 =	vadd.s32 s23, v1;
	v6 =	vadd.f32 v6, v8;
	v7 =	vadd.f32 v7, v9;
	v13 =	vld.idx.msk [tilespmem:v19+s16+$0x0], $0xffff  }
0x29c: {  	v8 =	vadd.s32 s25, v0;
	v9 =	vadd.f32 v16, v21;
	v16 =	vadd.f32 v17, v20;
	v15 =	vld.idx.msk [tilespmem:v18+s16+$0x0], $0xffff  }
0x29d: {  	s26 =	sadd.s32 $0x4, s24;
	v26 =	vadd.s32 s25, v1;
	v17 =	vadd.f32 v4, v6;
	v20 =	vadd.f32 v5, v7;
	v4 =	vld.idx.msk [tilespmem:v22+s16+$0x0], $0xffff  }
0x29e: {  	v27 =	vadd.s32 s26, v0;
	v19 =	vadd.f32 v14, v9;
	v18 =	vadd.f32 v23, v16;
	v5 =	vld.idx.msk [tilespmem:v24+s16+$0x0], $0xffff  }
0x29f: {  	s28 =	sadd.s32 $0x3, s24;
	v14 =	vadd.s32 s26, v1;
	v6 =	vld.idx.msk [tilespmem:v11+s16+$0x0], $0xffff  }
0x2a0: {  	v16 =	vadd.s32 s28, v0;
	v7 =	vld.idx.msk [tilespmem:v25+s16+$0x0], $0xffff  }
.Ltmp6:
0x2a1: {  	s29 =	sadd.s32 $0x2, s24;
	v22 =	vadd.s32 s28, v1;
	v8 =	vld.idx.msk [tilespmem:v8+s16+$0x0], $0xffff;
	(pc) =	sbr.rel @p0 .LBB2_14-.Ltmp6, $4  }
0x2a2: {  	v21 =	vadd.s32 s29, v0;
	v9 =	vld.idx.msk [tilespmem:v26+s16+$0x0], $0xffff  }
0x2a3: {  	s30 =	sadd.s32 $0x1, s24;
	v25 =	vadd.s32 s29, v1;
	v11 =	vld.idx.msk [tilespmem:v27+s16+$0x0], $0xffff  }
0x2a4: {  	v23 =	vadd.s32 s30, v0;
	v14 =	vld.idx.msk [tilespmem:v14+s16+$0x0], $0xffff  }
0x2a5: {  	s24 =	sadd.s32 $0x8, s24;
	v24 =	vadd.s32 s30, v1;
	v16 =	vld.idx.msk [tilespmem:v16+s16+$0x0], $0xffff  }
0x2a6: {  	_ =	sdelay $0x3  }
0x2a7: {  	v26 =	vadd.s32 s30, v2;
	v22 =	vld.idx.msk [tilespmem:v22+s16+$0x0], $0xffff  }
0x2a8: {  	v27 =	vadd.s32 s30, v3;
	v21 =	vld.idx.msk [tilespmem:v21+s16+$0x0], $0xffff  }
0x2a9: {  	v25 =	vld.idx.msk [tilespmem:v25+s16+$0x0], $0xffff;
	v28 =	vadd.s32 s29, v2  }
0x2aa: {  	v23 =	vld.idx.msk [tilespmem:v23+s16+$0x0], $0xffff;
	v29 =	vadd.s32 s29, v3  }
0x2ab: {  	v24 =	vld.idx.msk [tilespmem:v24+s16+$0x0], $0xffff;
	v30 =	vadd.s32 s28, v2  }
0x2ac: {  	v31 =	vadd.s32 s28, v3;
	v26 =	vld.idx.msk [tilespmem:v26+s16+$0x0], $0xffff  }
0x2ad: {  	v32 =	vadd.s32 s26, v2;
	v10 =	vadd.f32 v10, v17;
	v27 =	vld.idx.msk [tilespmem:v27+s16+$0x0], $0xffff  }
0x2ae: {  	v62 =	vadd.s32 s26, v3;
	v12 =	vadd.f32 v12, v20;
	v17 =	vld.idx.msk [tilespmem:v28+s16+$0x0], $0xffff  }
0x2af: {  	v63 =	vadd.s32 s25, v2;
	v13 =	vadd.f32 v13, v19;
	v20 =	vld.idx.msk [tilespmem:v29+s16+$0x0], $0xffff;
	v10 =	vadd.f32 v23, v10  }
0x2b0: {  	v15 =	vadd.f32 v15, v18;
	v19 =	vld.idx.msk [tilespmem:v30+s16+$0x0], $0xffff;
	v23 =	vadd.s32 s25, v3;
	v12 =	vadd.f32 v24, v12  }
0x2b1: {  	v18 =	vld.idx.msk [tilespmem:v31+s16+$0x0], $0xffff;
	v24 =	vadd.s32 s23, v2;
	v10 =	vadd.f32 v21, v10;
	v13 =	vadd.f32 v26, v13  }
0x2b2: {  	v21 =	vld.idx.msk [tilespmem:v32+s16+$0x0], $0xffff;
	v12 =	vadd.f32 v25, v12;
	v26 =	vadd.s32 s23, v3;
	v15 =	vadd.f32 v27, v15  }
0x2b3: {  	v25 =	vld.idx.msk [tilespmem:v62+s16+$0x0], $0xffff;
	v10 =	vadd.f32 v16, v10;
	v27 =	vadd.s32 s22, v2;
	v13 =	vadd.f32 v17, v13  }
0x2b4: {  	v16 =	vld.idx.msk [tilespmem:v63+s16+$0x0], $0xffff;
	v12 =	vadd.f32 v22, v12;
	v17 =	vadd.s32 s22, v3;
	v15 =	vadd.f32 v20, v15  }
0x2b5: {  	v10 =	vadd.f32 v11, v10;
	v20 =	vld.idx.msk [tilespmem:v23+s16+$0x0], $0xffff;
	v13 =	vadd.f32 v19, v13  }
0x2b6: {  	v11 =	vld.idx.msk [tilespmem:v24+s16+$0x0], $0xffff;
	v12 =	vadd.f32 v14, v12;
	v15 =	vadd.f32 v18, v15  }
0x2b7: {  	v8 =	vadd.f32 v8, v10;
	v14 =	vld.idx.msk [tilespmem:v26+s16+$0x0], $0xffff;
	v13 =	vadd.f32 v21, v13  }
0x2b8: {  	v9 =	vadd.f32 v9, v12;
	v10 =	vld.idx.msk [tilespmem:v27+s16+$0x0], $0xffff;
	v15 =	vadd.f32 v25, v15  }
0x2b9: {  	v6 =	vadd.f32 v6, v8;
	v12 =	vld.idx.msk [tilespmem:v17+s16+$0x0], $0xffff;
	v13 =	vadd.f32 v16, v13  }
0x2ba: {  	v7 =	vadd.f32 v7, v9;
	v8 =	vadd.f32 v20, v15  }
0x2bb: {  	v4 =	vadd.f32 v4, v6;
	v9 =	vadd.f32 v11, v13  }
0x2bc: {  	v5 =	vadd.f32 v5, v7;
	v6 =	vadd.f32 v14, v8  }
0x2bd: {  	[tilespmem:$0x10180] =	vst v4;
	v7 =	vadd.f32 v10, v9  }
0x2be: {  	s26 =	simm.s32 $0x0;
	[tilespmem:$0x10190] =	vst v5;
	v4 =	vadd.f32 v12, v6  }
0x2bf: {  	v5 =	vadd.s32 s26, v0;
	[tilespmem:$0x101A0] =	vst v7  }
0x2c0: {  	s23 =	simm.s32 $0x6;
	v6 =	vadd.s32 s26, v2;
	[tilespmem:$0x101B0] =	vst v4  }
0x2c1: {  	s25 =	simm.s32 $0x5;
	v9 =	vadd.s32 s23, v0;
	_ =	swait.ge [sflag:s20], $0x3200  }
0x2c2: {  	s28 =	simm.s32 $0x3;
	v16 =	vadd.s32 s25, v1;
	[sflag:s20] =	ssyncset.done $0x0  }
0x2c3: {  	v20 =	vadd.s32 s28, v0;
	[sflag:s20] =	ssyncadd.s32 $0xFFFFCE00  }
0x2c4: {  	v4 =	vadd.s32 s26, v1;
	v10 =	vld.idx.msk [tilespmem:v5+s19+$0x0], $0xffff  }
0x2c5: {  	s22 =	simm.s32 $0x7;
	v7 =	vadd.s32 s26, v3;
	v13 =	vld.idx.msk [tilespmem:v6+s19+$0x0], $0xffff  }
0x2c6: {  	v8 =	vadd.s32 s22, v0;
	v6 =	vld.idx.msk [tilespmem:v9+s19+$0x0], $0xffff  }
0x2c7: {  	v11 =	vadd.s32 s23, v1;
	v9 =	vld.idx.msk [tilespmem:v16+s19+$0x0], $0xffff  }
0x2c8: {  	v14 =	vadd.s32 s25, v0;
	s26 =	simm.s32 $0x4;
	v16 =	vld.idx.msk [tilespmem:v20+s19+$0x0], $0xffff  }
0x2c9: {  	v18 =	vadd.s32 s26, v0;
	v12 =	vld.idx.msk [tilespmem:v4+s19+$0x0], $0xffff  }
0x2ca: {  	v19 =	vadd.s32 s26, v1;
	v15 =	vld.idx.msk [tilespmem:v7+s19+$0x0], $0xffff  }
0x2cb: {  	v5 =	vadd.s32 s22, v1;
	v4 =	vld.idx.msk [tilespmem:v8+s19+$0x0], $0xffff  }
0x2cc: {  	s29 =	simm.s32 $0x2;
	v22 =	vadd.s32 s28, v1;
	v7 =	vld.idx.msk [tilespmem:v11+s19+$0x0], $0xffff  }
0x2cd: {  	v21 =	vadd.s32 s29, v0;
	v8 =	vld.idx.msk [tilespmem:v14+s19+$0x0], $0xffff  }
0x2ce: {  	s30 =	simm.s32 $0x1;
	v25 =	vadd.s32 s29, v1;
	v11 =	vld.idx.msk [tilespmem:v18+s19+$0x0], $0xffff  }
0x2cf: {  	v24 =	vadd.s32 s30, v1;
	v23 =	vadd.s32 s30, v0;
	v17 =	vimm.f32 $0.0e+00;
	v14 =	vld.idx.msk [tilespmem:v19+s19+$0x0], $0xffff  }
0x2d0: {  	s24 =	simm.s32 $0x8;
	v20 =	vimm.f32 $0.0e+00;
	v19 =	vimm.f32 $0.0e+00;
	v18 =	vimm.f32 $0.0e+00;
	v5 =	vld.idx.msk [tilespmem:v5+s19+$0x0], $0xffff  }
.LBB2_16:
0x2d1: {  	p0 =	slt.u32 s24, $0xC0;
	v26 =	vadd.s32 s30, v2;
	v22 =	vld.idx.msk [tilespmem:v22+s19+$0x0], $0xffff  }
0x2d2: {  	v27 =	vadd.s32 s30, v3;
	v21 =	vld.idx.msk [tilespmem:v21+s19+$0x0], $0xffff  }
0x2d3: {  	v28 =	vadd.s32 s29, v2;
	v25 =	vld.idx.msk [tilespmem:v25+s19+$0x0], $0xffff  }
0x2d4: {  	v29 =	vadd.s32 s29, v3;
	v23 =	vld.idx.msk [tilespmem:v23+s19+$0x0], $0xffff  }
0x2d5: {  	v30 =	vadd.s32 s28, v2;
	v24 =	vld.idx.msk [tilespmem:v24+s19+$0x0], $0xffff  }
0x2d6: {  	v31 =	vadd.s32 s28, v3;
	v26 =	vld.idx.msk [tilespmem:v26+s19+$0x0], $0xffff  }
0x2d7: {  	v32 =	vadd.s32 s26, v2;
	v27 =	vld.idx.msk [tilespmem:v27+s19+$0x0], $0xffff  }
0x2d8: {  	v33 =	vadd.s32 s26, v3;
	v28 =	vld.idx.msk [tilespmem:v28+s19+$0x0], $0xffff  }
0x2d9: {  	v34 =	vadd.s32 s25, v2;
	v29 =	vld.idx.msk [tilespmem:v29+s19+$0x0], $0xffff  }
0x2da: {  	v10 =	vadd.f32 v10, v17;
	v12 =	vadd.f32 v12, v20;
	v20 =	vadd.s32 s25, v3;
	v17 =	vld.idx.msk [tilespmem:v30+s19+$0x0], $0xffff  }
0x2db: {  	v13 =	vadd.f32 v13, v19;
	v15 =	vadd.f32 v15, v18;
	v19 =	vadd.s32 s23, v2;
	v18 =	vld.idx.msk [tilespmem:v31+s19+$0x0], $0xffff  }
0x2dc: {  	v10 =	vadd.f32 v23, v10;
	v12 =	vadd.f32 v24, v12;
	v24 =	vadd.s32 s23, v3;
	v23 =	vld.idx.msk [tilespmem:v32+s19+$0x0], $0xffff  }
0x2dd: {  	v13 =	vadd.f32 v26, v13;
	v15 =	vadd.f32 v27, v15;
	v27 =	vadd.s32 s22, v2;
	v26 =	vld.idx.msk [tilespmem:v33+s19+$0x0], $0xffff  }
0x2de: {  	v10 =	vadd.f32 v21, v10;
	v12 =	vadd.f32 v25, v12;
	v25 =	vadd.s32 s22, v3;
	v21 =	vld.idx.msk [tilespmem:v34+s19+$0x0], $0xffff  }
0x2df: {  	v30 =	vadd.s32 s24, v0;
	v13 =	vadd.f32 v28, v13;
	v15 =	vadd.f32 v29, v15;
	v20 =	vld.idx.msk [tilespmem:v20+s19+$0x0], $0xffff  }
0x2e0: {  	v28 =	vadd.s32 s24, v1;
	v10 =	vadd.f32 v16, v10;
	v12 =	vadd.f32 v22, v12;
	v16 =	vld.idx.msk [tilespmem:v19+s19+$0x0], $0xffff  }
0x2e1: {  	v13 =	vadd.f32 v17, v13;
	v19 =	vadd.s32 s24, v2;
	v15 =	vadd.f32 v18, v15;
	v17 =	vld.idx.msk [tilespmem:v24+s19+$0x0], $0xffff  }
0x2e2: {  	s22 =	sadd.s32 $0x7, s24;
	v11 =	vadd.f32 v11, v10;
	v18 =	vadd.s32 s24, v3;
	v12 =	vadd.f32 v14, v12;
	v14 =	vld.idx.msk [tilespmem:v27+s19+$0x0], $0xffff  }
0x2e3: {  	v22 =	vadd.s32 s22, v0;
	v13 =	vadd.f32 v23, v13;
	v15 =	vadd.f32 v26, v15;
	v23 =	vld.idx.msk [tilespmem:v25+s19+$0x0], $0xffff  }
0x2e4: {  	s23 =	sadd.s32 $0x6, s24;
	v24 =	vadd.s32 s22, v1;
	v8 =	vadd.f32 v8, v11;
	v9 =	vadd.f32 v9, v12;
	v10 =	vld.idx.msk [tilespmem:v30+s19+$0x0], $0xffff  }
0x2e5: {  	v11 =	vadd.s32 s23, v0;
	v21 =	vadd.f32 v21, v13;
	v20 =	vadd.f32 v20, v15;
	v12 =	vld.idx.msk [tilespmem:v28+s19+$0x0], $0xffff  }
0x2e6: {  	s25 =	sadd.s32 $0x5, s24;
	v25 =	vadd.s32 s23, v1;
	v6 =	vadd.f32 v6, v8;
	v7 =	vadd.f32 v7, v9;
	v13 =	vld.idx.msk [tilespmem:v19+s19+$0x0], $0xffff  }
0x2e7: {  	v8 =	vadd.s32 s25, v0;
	v9 =	vadd.f32 v16, v21;
	v16 =	vadd.f32 v17, v20;
	v15 =	vld.idx.msk [tilespmem:v18+s19+$0x0], $0xffff  }
0x2e8: {  	s26 =	sadd.s32 $0x4, s24;
	v26 =	vadd.s32 s25, v1;
	v17 =	vadd.f32 v4, v6;
	v20 =	vadd.f32 v5, v7;
	v4 =	vld.idx.msk [tilespmem:v22+s19+$0x0], $0xffff  }
0x2e9: {  	v27 =	vadd.s32 s26, v0;
	v19 =	vadd.f32 v14, v9;
	v18 =	vadd.f32 v23, v16;
	v5 =	vld.idx.msk [tilespmem:v24+s19+$0x0], $0xffff  }
0x2ea: {  	s28 =	sadd.s32 $0x3, s24;
	v14 =	vadd.s32 s26, v1;
	v6 =	vld.idx.msk [tilespmem:v11+s19+$0x0], $0xffff  }
0x2eb: {  	v16 =	vadd.s32 s28, v0;
	v7 =	vld.idx.msk [tilespmem:v25+s19+$0x0], $0xffff  }
.Ltmp7:
0x2ec: {  	s29 =	sadd.s32 $0x2, s24;
	v22 =	vadd.s32 s28, v1;
	v8 =	vld.idx.msk [tilespmem:v8+s19+$0x0], $0xffff;
	(pc) =	sbr.rel @p0 .LBB2_16-.Ltmp7, $4  }
0x2ed: {  	v21 =	vadd.s32 s29, v0;
	v9 =	vld.idx.msk [tilespmem:v26+s19+$0x0], $0xffff  }
0x2ee: {  	s30 =	sadd.s32 $0x1, s24;
	v25 =	vadd.s32 s29, v1;
	v11 =	vld.idx.msk [tilespmem:v27+s19+$0x0], $0xffff  }
0x2ef: {  	v23 =	vadd.s32 s30, v0;
	v14 =	vld.idx.msk [tilespmem:v14+s19+$0x0], $0xffff  }
0x2f0: {  	s24 =	sadd.s32 $0x8, s24;
	v24 =	vadd.s32 s30, v1;
	v16 =	vld.idx.msk [tilespmem:v16+s19+$0x0], $0xffff  }
0x2f1: {  	_ =	sdelay $0x3  }
0x2f2: {  	v26 =	vadd.s32 s30, v2;
	v22 =	vld.idx.msk [tilespmem:v22+s19+$0x0], $0xffff  }
0x2f3: {  	v27 =	vadd.s32 s30, v3;
	v21 =	vld.idx.msk [tilespmem:v21+s19+$0x0], $0xffff  }
0x2f4: {  	v25 =	vld.idx.msk [tilespmem:v25+s19+$0x0], $0xffff;
	v28 =	vadd.s32 s29, v2  }
0x2f5: {  	v23 =	vld.idx.msk [tilespmem:v23+s19+$0x0], $0xffff;
	v29 =	vadd.s32 s29, v3  }
0x2f6: {  	v24 =	vld.idx.msk [tilespmem:v24+s19+$0x0], $0xffff;
	v30 =	vadd.s32 s28, v2  }
0x2f7: {  	v31 =	vadd.s32 s28, v3;
	v26 =	vld.idx.msk [tilespmem:v26+s19+$0x0], $0xffff  }
0x2f8: {  	v32 =	vadd.s32 s26, v2;
	v10 =	vadd.f32 v10, v17;
	v27 =	vld.idx.msk [tilespmem:v27+s19+$0x0], $0xffff  }
0x2f9: {  	v44 =	vadd.s32 s26, v3;
	v12 =	vadd.f32 v12, v20;
	v43 =	vld.idx.msk [tilespmem:v28+s19+$0x0], $0xffff  }
0x2fa: {  	v46 =	vadd.s32 s25, v2;
	v13 =	vadd.f32 v13, v19;
	v45 =	vld.idx.msk [tilespmem:v29+s19+$0x0], $0xffff;
	v10 =	vadd.f32 v23, v10  }
0x2fb: {  	v48 =	vadd.s32 s25, v3;
	v15 =	vadd.f32 v15, v18;
	v47 =	vld.idx.msk [tilespmem:v30+s19+$0x0], $0xffff;
	v12 =	vadd.f32 v24, v12  }
0x2fc: {  	v50 =	vadd.s32 s23, v2;
	v49 =	vld.idx.msk [tilespmem:v31+s19+$0x0], $0xffff;
	v10 =	vadd.f32 v21, v10;
	v13 =	vadd.f32 v26, v13  }
0x2fd: {  	v52 =	vadd.s32 s23, v3;
	v51 =	vld.idx.msk [tilespmem:v32+s19+$0x0], $0xffff;
	v12 =	vadd.f32 v25, v12;
	v15 =	vadd.f32 v27, v15  }
0x2fe: {  	v54 =	vadd.s32 s22, v2;
	v53 =	vld.idx.msk [tilespmem:v44+s19+$0x0], $0xffff;
	v10 =	vadd.f32 v16, v10;
	v13 =	vadd.f32 v43, v13  }
0x2ff: {  	v56 =	vadd.s32 s22, v3;
	v55 =	vld.idx.msk [tilespmem:v46+s19+$0x0], $0xffff;
	v12 =	vadd.f32 v22, v12;
	v15 =	vadd.f32 v45, v15  }
0x300: {  	v57 =	vld.idx.msk [tilespmem:v48+s19+$0x0], $0xffff;
	v10 =	vadd.f32 v11, v10;
	v13 =	vadd.f32 v47, v13  }
0x301: {  	v58 =	vld.idx.msk [tilespmem:v50+s19+$0x0], $0xffff;
	v12 =	vadd.f32 v14, v12;
	v15 =	vadd.f32 v49, v15  }
0x302: {  	v59 =	vld.idx.msk [tilespmem:v52+s19+$0x0], $0xffff;
	v8 =	vadd.f32 v8, v10;
	v13 =	vadd.f32 v51, v13  }
0x303: {  	v60 =	vld.idx.msk [tilespmem:v54+s19+$0x0], $0xffff;
	v9 =	vadd.f32 v9, v12;
	v15 =	vadd.f32 v53, v15  }
0x304: {  	v61 =	vld.idx.msk [tilespmem:v56+s19+$0x0], $0xffff;
	v6 =	vadd.f32 v6, v8;
	v13 =	vadd.f32 v55, v13  }
0x305: {  	v7 =	vadd.f32 v7, v9;
	v62 =	vadd.f32 v57, v15  }
0x306: {  	v4 =	vadd.f32 v4, v6;
	v63 =	vadd.f32 v58, v13  }
0x307: {  	v5 =	vadd.f32 v5, v7;
	v6 =	vadd.f32 v59, v62  }
0x308: {  	[tilespmem:$0x101C0] =	vst v4;
	v7 =	vadd.f32 v60, v63  }
0x309: {  	[tilespmem:$0x101D0] =	vst v5;
	v4 =	vadd.f32 v61, v6  }
0x30a: {  	[tilespmem:$0x101E0] =	vst v7  }
0x30b: {  	s23 =	simm.s32 $0x0;
	[tilespmem:$0x101F0] =	vst v4  }
0x30c: {  	v5 =	vld [tilespmem:s23+$0xFE00];
	_ =	sdelay $0x5  }
0x30d: {  	s22 =	simm.s32 $0x10  }
0x30e: {  	v4 =	vld [tilespmem:s22+$0xFE00]  }
0x30f: {  	s24 =	simm.s32 $0x80;
	v5 =	vld.idx.msk [tilespmem:v5+s8+$0x0], $0xffff  }
.LBB2_18:
0x310: {  	p0 =	sne.s32 s24, $0x7C0;
	v6 =	vld [tilespmem:s23+$0x10000];
	_ =	sdelay $0x2  }
0x311: {  	v7 =	vmov v4  }
.Ltmp8:
0x312: {  	(pc) =	sbr.rel @p0 .LBB2_18-.Ltmp8, $4  }
0x313: {  	v5 =	vadd.f32 v5, v6  }
0x314: {  	s25 =	sshra.s32 s24, $0x2  }
0x315: {  	v4 =	vld [tilespmem:s25+$0xFE00];
	[tilespmem:s23+$0x10000] =	vst v5;
	s23 =	smov.u32 s22;
	s22 =	smov.u32 s25  }
0x316: {  	s24 =	sadd.s32 $0x40, s24;
	v5 =	vld.idx.msk [tilespmem:v7+s8+$0x0], $0xffff  }
0x317: {  	v6 =	vld [tilespmem:s23+$0x10000];
	_ =	sdelay $0x4  }
0x318: {  	v5 =	vadd.f32 v5, v6;
	_ =	sdelay $0x1  }
0x319: {  	[tilespmem:s23+$0x10000] =	vst v5  }
0x31a: {  	v4 =	vld.idx.msk [tilespmem:v4+s8+$0x0], $0xffff  }
0x31b: {  	v5 =	vld [tilespmem:s22+$0x10000];
	_ =	sdelay $0x4  }
0x31c: {  	s21 =	sadd.s32 $0x1, s21;
	v4 =	vadd.f32 v4, v5  }
0x31d: {  	p0 =	sne.s32 s21, s4  }
.Ltmp9:
0x31e: {  	s29 =	rddreg [dreg:$0x13];
	s30 =	simm.s32 $0x10000;
	[tilespmem:s22+$0x10000] =	vst v4;
	(pc) =	sbr.rel @p0 .LBB2_1-.Ltmp9, $4  }
0x31f: {  	[hbm4b:s29+s2] =	stream.linear.scatter [tilespmem:s30], [sflag:$0x8], $0x200, $0x38;
	[tilespmem:$0x1F628] =	vst v63  }
0x320: {  	_ =	swait.ge [sflag:s9], $0x200  }
0x321: {  	[sflag:s9] =	ssyncset.done $0x0  }
0x322: {  	[sflag:s9] =	ssyncadd.s32 $0xFFFFFE00  }
0x323: {  	_ =	sfence.sel $0x180000  }
0x324: {  	[bflag:$0x0] =	sbarrier.arrive $0xFFFF  }
0x325: {  	_ =	strace $0x90000047  }
0x326: {  	s0 =	stileid.u32;
	[bflag:$0x2] =	sbarrier.arrive $0xFFFF  }
0x327: {  	p0 =	sne.s32 s0, $0x0;
	s0 =	rddreg [dreg:$0x6]  }
0x328: {  	s0 =	sadd.s32 @!p0 $0x100000, s0  }
0x329: {  	[sflag:s0] =	ssyncadd.tile.s32 @!p0 $0x1;
	_ =	shalt  }
.Lfunc_end2:
_tile_overlayer_lowered:
.L_overlay_start_2:
0x32a: {  	(tag) =	ssettag $0x2  }
0x32b: {  	s0 =	rddreg [dreg:$0x0];
	s2 =	stileid.u32  }
0x32c: {  	s1 =	rddreg [dreg:$0x1];
	p0 =	sne.s32 s2, $0x0  }
0x32d: {  	s3 =	rddreg [dreg:$0x2];
	[bflag:$0x3] =	sbarrier.arrive $0xFFFF;
	s2 =	simm.s32 @!p0 $0x1C08  }
0x32e: {  	[timem:s3], [sflag:s2] =	dma.local @!p0 [hbm:s0], s1  }
0x32f: {  	s0 =	simm.s32 @!p0 $0x8  }
0x330: {  	_ =	swait.ge @!p0 [sflag:s0], s1  }
0x331: {  	s1 =	ssub.s32 @!p0 $0x0, s1;
	[sflag:s0] =	ssyncset.done @!p0 $0x0  }
0x332: {  	[sflag:s0] =	ssyncadd.s32 @!p0 s1  }
0x333: {  	[bflag:$0x3] =	sbarrier.arrive $0xFFFF  }
0x334: {  	_ =	shalt  }

</sc_bundles>
